<compile_context>
chip_gen: v7x
topology: tpu7x:2x2x1
jax: 0.10.2.dev20260603
libtpu: 0.0.44.dev20260713+nightly
codegen_flags: <defaults>
</compile_context>

<pallas_src>
import functools

import jax
import jax.numpy as jnp
from jax import lax
from jax.experimental import pallas as pl
from jax.experimental.pallas import tpu as pltpu
from jax.experimental.pallas import tpu_sc as plsc

N = 10000
E = 320000
G = 64
NC = 2
NS = 16
NW = NC * NS
CHUNK = 128
NCHUNK = 80
EPAD = NW * NCHUNK * CHUNK - E
NPAD = N + 16
RPT = 624
TAIL = N - NS * RPT
TAILZ = NPAD - NS * RPT
DEGW = 16

@functools.cache
def _mesh():
    return plsc.VectorSubcoreMesh(core_axis_name="c", subcore_axis_name="s",
                                  num_cores=NC, num_subcores=NS)



def _zero_slice(zeros_hbm, shared, s):
    row0 = s * RPT
    pltpu.sync_copy(zeros_hbm.at[pl.ds(row0, RPT)], shared.at[pl.ds(row0, RPT)])

    @pl.when(s == NS - 1)
    def _():
        pltpu.sync_copy(zeros_hbm.at[pl.ds(NS * RPT, TAILZ)],
                        shared.at[pl.ds(NS * RPT, TAILZ)])


def _write_slice(shared, out_hbm, c, s):
    row0 = s * RPT
    pltpu.sync_copy(shared.at[pl.ds(row0, RPT)],
                    out_hbm.at[c, pl.ds(row0, RPT)])

    @pl.when(s == NS - 1)
    def _():
        pltpu.sync_copy(shared.at[pl.ds(NS * RPT, TAIL)],
                        out_hbm.at[c, pl.ds(NS * RPT, TAIL)])


def _deg_body(dst_hbm, ones_hbm, zeros_hbm, out_hbm, idx_v, ones_v, shared,
              sem):
    c = lax.axis_index("c")
    s = lax.axis_index("s")
    w = c * NS + s
    _zero_slice(zeros_hbm, shared, s)
    pltpu.sync_copy(dst_hbm.at[w], idx_v)
    pltpu.sync_copy(ones_hbm, ones_v)
    plsc.subcore_barrier()

    def body(i, carry):
        for k in range(8):
            pltpu.async_copy(ones_v, shared.at[idx_v.at[8 * i + k]], sem,
                             add=True)
        for k in range(8):
            pltpu.make_async_copy(ones_v, shared.at[idx_v.at[8 * i + k]],
                                  sem).wait()
        return carry

    lax.fori_loop(0, NCHUNK // 8, body, 0)
    plsc.subcore_barrier()
    _write_slice(shared, out_hbm, c, s)


_SC_PARAMS = pltpu.CompilerParams(use_tc_tiling_on_sc=False)


@functools.cache
def _deg_kernel():
    return pl.kernel(
        _deg_body,
        out_type=jax.ShapeDtypeStruct((NC, N, DEGW), jnp.float32),
        mesh=_mesh(),
        compiler_params=_SC_PARAMS,
        scratch_types=[
            pltpu.VMEM((NCHUNK, CHUNK), jnp.int32),
            pltpu.VMEM((CHUNK, DEGW), jnp.float32),
            pltpu.VMEM_SHARED((NPAD, DEGW), jnp.float32),
            pltpu.SemaphoreType.DMA,
        ],
    )


def _conv_body(h_hbm, src_hbm, dst_hbm, zeros_hbm, out_hbm,
               src_v, dst_v, buf0, buf1, shared, gs0, gs1, ss0, ss1):
    c = lax.axis_index("c")
    s = lax.axis_index("s")
    w = c * NS + s
    _zero_slice(zeros_hbm, shared, s)
    pltpu.sync_copy(src_hbm.at[w], src_v)
    pltpu.sync_copy(dst_hbm.at[w], dst_v)
    plsc.subcore_barrier()

    bufs = (buf0, buf1)
    gsems = (gs0, gs1)
    ssems = (ss0, ss1)

    def gstart(j, b):
        pltpu.async_copy(h_hbm.at[src_v.at[j]], bufs[b], gsems[b])

    def gwait(j, b):
        pltpu.make_async_copy(h_hbm.at[src_v.at[j]], bufs[b], gsems[b]).wait()

    def sstart(j, b):
        pltpu.async_copy(bufs[b], shared.at[dst_v.at[j]], ssems[b], add=True)

    def swait(j, b):
        pltpu.make_async_copy(bufs[b], shared.at[dst_v.at[j]],
                              ssems[b]).wait()

    gstart(0, 0)
    gstart(1, 1)

    def body(i, carry):
        j = 2 * i
        gwait(j, 0)
        sstart(j, 0)
        gwait(j + 1, 1)
        sstart(j + 1, 1)
        swait(j, 0)
        gstart(j + 2, 0)
        swait(j + 1, 1)
        gstart(j + 3, 1)
        return carry

    lax.fori_loop(0, NCHUNK // 2 - 1, body, 0)
    j = NCHUNK - 2
    gwait(j, 0)
    sstart(j, 0)
    gwait(j + 1, 1)
    sstart(j + 1, 1)
    swait(j, 0)
    swait(j + 1, 1)
    plsc.subcore_barrier()
    _write_slice(shared, out_hbm, c, s)


@functools.cache
def _make_conv(d):
    return pl.kernel(
        _conv_body,
        out_type=jax.ShapeDtypeStruct((NC, N, d), jnp.float32),
        mesh=_mesh(),
        compiler_params=_SC_PARAMS,
        scratch_types=[
            pltpu.VMEM((NCHUNK, CHUNK), jnp.int32),
            pltpu.VMEM((NCHUNK, CHUNK), jnp.int32),
            pltpu.VMEM((CHUNK, d), jnp.float32),
            pltpu.VMEM((CHUNK, d), jnp.float32),
            pltpu.VMEM_SHARED((NPAD, d), jnp.float32),
            pltpu.SemaphoreType.DMA,
            pltpu.SemaphoreType.DMA,
            pltpu.SemaphoreType.DMA,
            pltpu.SemaphoreType.DMA,
        ],
    )





def _dis(degp_ref):
    return lax.rsqrt(degp_ref[0, :, 0:1] + degp_ref[1, :, 0:1] + 1.0)


def _tc0_body(degp_ref, x_ref, w_ref, o_ref):
    o_ref[...] = jnp.dot(x_ref[...], w_ref[...],
                         preferred_element_type=jnp.float32) * _dis(degp_ref)


def _tcmid_body(degp_ref, p_ref, z_ref, b_ref, w_ref, o_ref):
    dis = _dis(degp_ref)
    u = dis * (p_ref[0] + p_ref[1] + z_ref[...]) + b_ref[...]
    h = jnp.maximum(u, 0.0)
    o_ref[...] = jnp.dot(h, w_ref[...],
                         preferred_element_type=jnp.float32) * dis


def _tc3_body(degp_ref, p_ref, z_ref, b_ref, batch_ref, wl_ref, bl_ref, o_ref):
    dis = _dis(degp_ref)
    h3 = dis * (p_ref[0] + p_ref[1] + z_ref[...]) + b_ref[...]
    bt = batch_ref[...]
    seg = lax.broadcasted_iota(jnp.int32, (G, 1), 0)
    onehot = (bt == seg).astype(jnp.float32)
    sums = jnp.dot(onehot, h3, preferred_element_type=jnp.float32)
    cnt = jnp.sum(onehot, axis=1, keepdims=True)
    pooled = sums / jnp.maximum(cnt, 1.0)
    o_ref[...] = jnp.dot(pooled, wl_ref[...],
                         preferred_element_type=jnp.float32) + bl_ref[...]


def _tc(body, out_shape):
    return pl.pallas_call(body, out_shape=jax.ShapeDtypeStruct(out_shape,
                                                               jnp.float32))


_tc0 = _tc(_tc0_body, (N, 64))
_tcmid64 = _tc(_tcmid_body, (N, 32))
_tcmid32 = _tc(_tcmid_body, (N, 32))
_tc3 = _tc(_tc3_body, (G, 10))



def kernel(x, edge_index, batch, W1, b1, W2, b2, W3, b3, Wl, bl):
    pad_src = jnp.zeros((EPAD,), edge_index.dtype)
    pad_dst = jnp.full((EPAD,), N, edge_index.dtype)
    src = jnp.concatenate([edge_index[0], pad_src]).reshape(NW, NCHUNK, CHUNK)
    dst = jnp.concatenate([edge_index[1], pad_dst]).reshape(NW, NCHUNK, CHUNK)
    ones16 = jnp.ones((CHUNK, DEGW), jnp.float32)
    zeros16 = jnp.zeros((NPAD, DEGW), jnp.float32)
    zeros64 = jnp.zeros((NPAD, 64), jnp.float32)
    zeros32 = jnp.zeros((NPAD, 32), jnp.float32)

    degp = _deg_kernel()(dst, ones16, zeros16)
    z1 = _tc0(degp, x, W1)
    p1 = _make_conv(64)(z1, src, dst, zeros64)
    z2 = _tcmid64(degp, p1, z1, b1.reshape(1, -1), W2)
    p2 = _make_conv(32)(z2, src, dst, zeros32)
    z3 = _tcmid32(degp, p2, z2, b2.reshape(1, -1), W3)
    p3 = _make_conv(32)(z3, src, dst, zeros32)
    logits = _tc3(degp, p3, z3, b3.reshape(1, -1),
                  batch.reshape(1, -1), Wl, bl.reshape(1, -1))
    return logits

# --- scband reference (transcript-rebuilt; emitter-appended) ---
"""Pipeline reference for scband-gcnclassifier-13537736917164 (READ-ONLY COPY).

The authoritative reference and input builder live on the scoring server;
editing this copy changes nothing except your own understanding.
"""

import jax, jax.numpy as jnp
import numpy as np

N = 10000
E = 320000
G = 64
D_IN = 128
N_CLS = 10


def setup_inputs(seed: int = 0) -> dict:
    key = jax.random.key(seed)
    ks = jax.random.split(key, 12)
    x = jax.random.normal(ks[0], (N, D_IN), dtype=jnp.float32)
    edge_index = jax.random.randint(ks[1], (2, E), 0, N, dtype=jnp.int32)
    batch = jnp.sort(jax.random.randint(ks[2], (N,), 0, G, dtype=jnp.int32))
    W1 = jax.random.normal(ks[3], (D_IN, 64), dtype=jnp.float32) * 0.05
    b1 = jnp.zeros((64,), dtype=jnp.float32)
    W2 = jax.random.normal(ks[4], (64, 32), dtype=jnp.float32) * 0.05
    b2 = jnp.zeros((32,), dtype=jnp.float32)
    W3 = jax.random.normal(ks[5], (32, 32), dtype=jnp.float32) * 0.05
    b3 = jnp.zeros((32,), dtype=jnp.float32)
    Wl = jax.random.normal(ks[6], (32, N_CLS), dtype=jnp.float32) * 0.05
    bl = jnp.zeros((N_CLS,), dtype=jnp.float32)
    return {"x": x, "edge_index": edge_index, "batch": batch,
            "W1": W1, "b1": b1, "W2": W2, "b2": b2, "W3": W3, "b3": b3,
            "Wl": Wl, "bl": bl}


def _gcn_conv(x, edge_index, W, b):
    # PyG GCNConv: add self-loops, symmetric normalization D^-1/2 (A+I) D^-1/2 x W + b
    loop = jnp.arange(N, dtype=edge_index.dtype)
    src = jnp.concatenate([edge_index[0], loop])
    dst = jnp.concatenate([edge_index[1], loop])
    ones = jnp.ones(src.shape[0], dtype=x.dtype)
    deg = jnp.zeros((N,), dtype=x.dtype).at[dst].add(ones)
    deg_inv_sqrt = jnp.where(deg > 0, jax.lax.rsqrt(jnp.maximum(deg, 1e-12)), 0.0)
    norm = deg_inv_sqrt[src] * deg_inv_sqrt[dst]
    h = x @ W
    msg = h[src] * norm[:, None]
    out = jnp.zeros((N, W.shape[1]), dtype=x.dtype).at[dst].add(msg)
    return out + b


def reference(x, edge_index, batch, W1, b1, W2, b2, W3, b3, Wl, bl):
    h = _gcn_conv(x, edge_index, W1, b1)
    h = jax.nn.relu(h)
    h = _gcn_conv(h, edge_index, W2, b2)
    h = jax.nn.relu(h)
    h = _gcn_conv(h, edge_index, W3, b3)
    # global_mean_pool over graphs in the batch
    sums = jnp.zeros((G, h.shape[1]), dtype=h.dtype).at[batch].add(h)
    cnt = jnp.bincount(batch, length=G).astype(h.dtype)
    pooled = sums / jnp.maximum(cnt, 1.0)[:, None]
    # dropout is identity in eval mode
    logits = pooled @ Wl + bl
    return logits

if __name__ == "__main__":
    import jax
    _d = setup_inputs()
    print(jax.jit(kernel)(*tuple(_d.values())))

</pallas_src>

<mosaic_0001>
#map = affine_map<(d0, d1) -> (0, 0, 0)>
#map1 = affine_map<(d0, d1) -> (0, 0)>
module attributes {stable_mosaic.version = 14 : i64} {
  func.func @_deg_body(%arg0: i32, %arg1: i32, %arg2: memref<32x80x128xi32, #tpu.memory_space<hbm>>, %arg3: memref<128x16xf32, #tpu.memory_space<hbm>>, %arg4: memref<10016x16xf32, #tpu.memory_space<hbm>>, %arg5: memref<2x10000x16xf32, #tpu.memory_space<hbm>>, %arg6: memref<80x128xi32, #tpu.memory_space<vmem>>, %arg7: memref<128x16xf32, #tpu.memory_space<vmem>>, %arg8: memref<10016x16xf32, #tpu.memory_space<vmem_shared>>, %arg9: memref<!tpu.dma_semaphore, #tpu.memory_space<semaphore_mem>>) attributes {dimension_semantics = [#tpu.dimension_semantics<core_parallel>, #tpu.dimension_semantics<subcore_parallel>], iteration_bounds = array<i64: 2, 16>, scalar_prefetch = 0 : i64, scratch_operands = 4 : i64, tpu.core_type = #tpu.core_type<sc_vector_subcore>, window_params = [{transform_indices = #map}, {transform_indices = #map1}, {transform_indices = #map1}, {transform_indices = #map}]} {
    %mul3A = arith.constant 16 : i32
    %mul3A_0 = arith.muli %arg0, %mul3A : i32
    %add3A = arith.addi %mul3A_0, %arg1 : i32
    %mul3A_1 = arith.constant 624 : i32
    %mul3A_2 = arith.muli %arg1, %mul3A_1 : i32
    "tpu.region"() ({
      %run_scoped3A = tpu.sem_alloc : memref<!tpu.dma_semaphore, #tpu.memory_space<semaphore_mem>>
      %dma_start3A = arith.constant 0 : i32
      %dma_start3A_18 = tpu.memref_slice %arg8[%mul3A_2, %dma_start3A] : memref<10016x16xf32, #tpu.memory_space<vmem_shared>> -> memref<624x16xf32, #tpu.memory_space<vmem_shared>>
      %dma_start3A_19 = arith.constant 0 : i32
      %dma_start3A_20 = tpu.memref_slice %arg4[%mul3A_2, %dma_start3A_19] : memref<10016x16xf32, #tpu.memory_space<hbm>> -> memref<624x16xf32, #tpu.memory_space<hbm>>
      tpu.enqueue_dma source(%dma_start3A_20 : memref<624x16xf32, #tpu.memory_space<hbm>>) target(%dma_start3A_18 : memref<624x16xf32, #tpu.memory_space<vmem_shared>>) target_semaphore(%run_scoped3A : memref<!tpu.dma_semaphore, #tpu.memory_space<semaphore_mem>>)
      %dma_wait3A = arith.constant 0 : i32
      %dma_wait3A_21 = tpu.memref_slice %arg8[%mul3A_2, %dma_wait3A] : memref<10016x16xf32, #tpu.memory_space<vmem_shared>> -> memref<624x16xf32, #tpu.memory_space<vmem_shared>>
      %dma_wait3A_22 = arith.constant 0 : i32
      %dma_wait3A_23 = tpu.memref_slice %arg4[%mul3A_2, %dma_wait3A_22] : memref<10016x16xf32, #tpu.memory_space<hbm>> -> memref<624x16xf32, #tpu.memory_space<hbm>>
      tpu.wait_dma2 semaphore(%run_scoped3A : memref<!tpu.dma_semaphore, #tpu.memory_space<semaphore_mem>>) src(%dma_wait3A_23 : memref<624x16xf32, #tpu.memory_space<hbm>>) dst(%dma_wait3A_21 : memref<624x16xf32, #tpu.memory_space<vmem_shared>>)
      tpu.yield
    }) : () -> ()
    %eq3A = arith.constant 15 : i32
    %eq3A_3 = arith.cmpi eq, %arg1, %eq3A : i32
    %convert_element_type3A = arith.extui %eq3A_3 : i1 to i32
    %cond3A = arith.constant 0 : i32
    %cond3A_4 = arith.cmpi ne, %convert_element_type3A, %cond3A : i32
    scf.if %cond3A_4 {
      "tpu.region"() ({
        %run_scoped3A = tpu.sem_alloc : memref<!tpu.dma_semaphore, #tpu.memory_space<semaphore_mem>>
        %dma_start3A = arith.constant 9984 : i32
        %dma_start3A_18 = arith.constant 0 : i32
        %dma_start3A_19 = tpu.memref_slice %arg8[%dma_start3A, %dma_start3A_18] : memref<10016x16xf32, #tpu.memory_space<vmem_shared>> -> memref<32x16xf32, #tpu.memory_space<vmem_shared>>
        %dma_start3A_20 = arith.constant 9984 : i32
        %dma_start3A_21 = arith.constant 0 : i32
        %dma_start3A_22 = tpu.memref_slice %arg4[%dma_start3A_20, %dma_start3A_21] : memref<10016x16xf32, #tpu.memory_space<hbm>> -> memref<32x16xf32, #tpu.memory_space<hbm>>
        tpu.enqueue_dma source(%dma_start3A_22 : memref<32x16xf32, #tpu.memory_space<hbm>>) target(%dma_start3A_19 : memref<32x16xf32, #tpu.memory_space<vmem_shared>>) target_semaphore(%run_scoped3A : memref<!tpu.dma_semaphore, #tpu.memory_space<semaphore_mem>>)
        %dma_wait3A = arith.constant 9984 : i32
        %dma_wait3A_23 = arith.constant 0 : i32
        %dma_wait3A_24 = tpu.memref_slice %arg8[%dma_wait3A, %dma_wait3A_23] : memref<10016x16xf32, #tpu.memory_space<vmem_shared>> -> memref<32x16xf32, #tpu.memory_space<vmem_shared>>
        %dma_wait3A_25 = arith.constant 9984 : i32
        %dma_wait3A_26 = arith.constant 0 : i32
        %dma_wait3A_27 = tpu.memref_slice %arg4[%dma_wait3A_25, %dma_wait3A_26] : memref<10016x16xf32, #tpu.memory_space<hbm>> -> memref<32x16xf32, #tpu.memory_space<hbm>>
        tpu.wait_dma2 semaphore(%run_scoped3A : memref<!tpu.dma_semaphore, #tpu.memory_space<semaphore_mem>>) src(%dma_wait3A_27 : memref<32x16xf32, #tpu.memory_space<hbm>>) dst(%dma_wait3A_24 : memref<32x16xf32, #tpu.memory_space<vmem_shared>>)
        tpu.yield
      }) : () -> ()
    } else {
    }
    "tpu.region"() ({
      %run_scoped3A = tpu.sem_alloc : memref<!tpu.dma_semaphore, #tpu.memory_space<semaphore_mem>>
      %dma_start3A = arith.constant 0 : i32
      %dma_start3A_18 = arith.constant 0 : i32
      %dma_start3A_19 = tpu.memref_slice %arg2[%add3A, %dma_start3A, %dma_start3A_18] : memref<32x80x128xi32, #tpu.memory_space<hbm>> -> memref<1x80x128xi32, #tpu.memory_space<hbm>>
      %dma_start3A_20 = tpu.memref_squeeze %dma_start3A_19 : memref<1x80x128xi32, #tpu.memory_space<hbm>> -> memref<80x128xi32, #tpu.memory_space<hbm>>
      %dma_start3A_21 = arith.constant 0 : i32
      %dma_start3A_22 = arith.constant 0 : i32
      %dma_start3A_23 = tpu.memref_slice %arg2[%add3A, %dma_start3A_21, %dma_start3A_22] : memref<32x80x128xi32, #tpu.memory_space<hbm>> -> memref<1x80x128xi32, #tpu.memory_space<hbm>>
      %dma_start3A_24 = tpu.memref_squeeze %dma_start3A_23 : memref<1x80x128xi32, #tpu.memory_space<hbm>> -> memref<80x128xi32, #tpu.memory_space<hbm>>
      tpu.enqueue_dma source(%dma_start3A_24 : memref<80x128xi32, #tpu.memory_space<hbm>>) target(%arg6 : memref<80x128xi32, #tpu.memory_space<vmem>>) target_semaphore(%run_scoped3A : memref<!tpu.dma_semaphore, #tpu.memory_space<semaphore_mem>>)
      %dma_wait3A = arith.constant 0 : i32
      %dma_wait3A_25 = arith.constant 0 : i32
      %dma_wait3A_26 = tpu.memref_slice %arg2[%add3A, %dma_wait3A, %dma_wait3A_25] : memref<32x80x128xi32, #tpu.memory_space<hbm>> -> memref<1x80x128xi32, #tpu.memory_space<hbm>>
      %dma_wait3A_27 = tpu.memref_squeeze %dma_wait3A_26 : memref<1x80x128xi32, #tpu.memory_space<hbm>> -> memref<80x128xi32, #tpu.memory_space<hbm>>
      %dma_wait3A_28 = arith.constant 0 : i32
      %dma_wait3A_29 = arith.constant 0 : i32
      %dma_wait3A_30 = tpu.memref_slice %arg2[%add3A, %dma_wait3A_28, %dma_wait3A_29] : memref<32x80x128xi32, #tpu.memory_space<hbm>> -> memref<1x80x128xi32, #tpu.memory_space<hbm>>
      %dma_wait3A_31 = tpu.memref_squeeze %dma_wait3A_30 : memref<1x80x128xi32, #tpu.memory_space<hbm>> -> memref<80x128xi32, #tpu.memory_space<hbm>>
      tpu.wait_dma2 semaphore(%run_scoped3A : memref<!tpu.dma_semaphore, #tpu.memory_space<semaphore_mem>>) src(%dma_wait3A_31 : memref<80x128xi32, #tpu.memory_space<hbm>>) dst(%arg6 : memref<80x128xi32, #tpu.memory_space<vmem>>)
      tpu.yield
    }) : () -> ()
    "tpu.region"() ({
      %run_scoped3A = tpu.sem_alloc : memref<!tpu.dma_semaphore, #tpu.memory_space<semaphore_mem>>
      tpu.enqueue_dma source(%arg3 : memref<128x16xf32, #tpu.memory_space<hbm>>) target(%arg7 : memref<128x16xf32, #tpu.memory_space<vmem>>) target_semaphore(%run_scoped3A : memref<!tpu.dma_semaphore, #tpu.memory_space<semaphore_mem>>)
      tpu.wait_dma2 semaphore(%run_scoped3A : memref<!tpu.dma_semaphore, #tpu.memory_space<semaphore_mem>>) src(%arg3 : memref<128x16xf32, #tpu.memory_space<hbm>>) dst(%arg7 : memref<128x16xf32, #tpu.memory_space<vmem>>)
      tpu.yield
    }) : () -> ()
    %barrier3A = arith.constant 0 : index
    tpu.barrier barrier_id(%barrier3A)
    %scan3A = arith.constant 0 : i32
    %scan3A_5 = arith.constant 0 : i32
    %scan3A_6 = arith.constant 10 : i32
    %scan3A_7 = arith.addi %scan3A_5, %scan3A_6 : i32
    %scan3A_8 = arith.constant 1 : i32
    scf.for %scan3A_18 = %scan3A_5 to %scan3A_7 step %scan3A_8  : i32 {
      %mul3A_19 = arith.constant 8 : i32
      %mul3A_20 = arith.muli %mul3A_19, %scan3A_18 : i32
      %add3A_21 = arith.constant 0 : i32
      %add3A_22 = arith.addi %mul3A_20, %add3A_21 : i32
      %dma_start3A = arith.constant 0 : i32
      %dma_start3A_23 = tpu.memref_slice %arg6[%add3A_22, %dma_start3A] : memref<80x128xi32, #tpu.memory_space<vmem>> -> memref<1x128xi32, #tpu.memory_space<vmem>>
      %dma_start3A_24 = tpu.memref_squeeze %dma_start3A_23 : memref<1x128xi32, #tpu.memory_space<vmem>> -> memref<128xi32, #tpu.memory_space<vmem>>
      %dma_start3A_25 = arith.constant 0 : i32
      %dma_start3A_26 = arith.constant 0 : i32
      %dma_start3A_27 = tpu.memref_slice %arg8[%dma_start3A_25, %dma_start3A_26] : memref<10016x16xf32, #tpu.memory_space<vmem_shared>> -> memref<10016x16xf32, #tpu.memory_space<vmem_shared>>
      tpu.enqueue_indirect_dma source(%arg7 : memref<128x16xf32, #tpu.memory_space<vmem>>) target(%dma_start3A_27 : memref<10016x16xf32, #tpu.memory_space<vmem_shared>>) offsets(%dma_start3A_24 : memref<128xi32, #tpu.memory_space<vmem>>) semaphore(%arg9 : memref<!tpu.dma_semaphore, #tpu.memory_space<semaphore_mem>>) {add = true}
      %mul3A_28 = arith.constant 8 : i32
      %mul3A_29 = arith.muli %mul3A_28, %scan3A_18 : i32
      %add3A_30 = arith.constant 1 : i32
      %add3A_31 = arith.addi %mul3A_29, %add3A_30 : i32
      %dma_start3A_32 = arith.constant 0 : i32
      %dma_start3A_33 = tpu.memref_slice %arg6[%add3A_31, %dma_start3A_32] : memref<80x128xi32, #tpu.memory_space<vmem>> -> memref<1x128xi32, #tpu.memory_space<vmem>>
      %dma_start3A_34 = tpu.memref_squeeze %dma_start3A_33 : memref<1x128xi32, #tpu.memory_space<vmem>> -> memref<128xi32, #tpu.memory_space<vmem>>
      %dma_start3A_35 = arith.constant 0 : i32
      %dma_start3A_36 = arith.constant 0 : i32
      %dma_start3A_37 = tpu.memref_slice %arg8[%dma_start3A_35, %dma_start3A_36] : memref<10016x16xf32, #tpu.memory_space<vmem_shared>> -> memref<10016x16xf32, #tpu.memory_space<vmem_shared>>
      tpu.enqueue_indirect_dma source(%arg7 : memref<128x16xf32, #tpu.memory_space<vmem>>) target(%dma_start3A_37 : memref<10016x16xf32, #tpu.memory_space<vmem_shared>>) offsets(%dma_start3A_34 : memref<128xi32, #tpu.memory_space<vmem>>) semaphore(%arg9 : memref<!tpu.dma_semaphore, #tpu.memory_space<semaphore_mem>>) {add = true}
      %mul3A_38 = arith.constant 8 : i32
      %mul3A_39 = arith.muli %mul3A_38, %scan3A_18 : i32
      %add3A_40 = arith.constant 2 : i32
      %add3A_41 = arith.addi %mul3A_39, %add3A_40 : i32
      %dma_start3A_42 = arith.constant 0 : i32
      %dma_start3A_43 = tpu.memref_slice %arg6[%add3A_41, %dma_start3A_42] : memref<80x128xi32, #tpu.memory_space<vmem>> -> memref<1x128xi32, #tpu.memory_space<vmem>>
      %dma_start3A_44 = tpu.memref_squeeze %dma_start3A_43 : memref<1x128xi32, #tpu.memory_space<vmem>> -> memref<128xi32, #tpu.memory_space<vmem>>
      %dma_start3A_45 = arith.constant 0 : i32
      %dma_start3A_46 = arith.constant 0 : i32
      %dma_start3A_47 = tpu.memref_slice %arg8[%dma_start3A_45, %dma_start3A_46] : memref<10016x16xf32, #tpu.memory_space<vmem_shared>> -> memref<10016x16xf32, #tpu.memory_space<vmem_shared>>
      tpu.enqueue_indirect_dma source(%arg7 : memref<128x16xf32, #tpu.memory_space<vmem>>) target(%dma_start3A_47 : memref<10016x16xf32, #tpu.memory_space<vmem_shared>>) offsets(%dma_start3A_44 : memref<128xi32, #tpu.memory_space<vmem>>) semaphore(%arg9 : memref<!tpu.dma_semaphore, #tpu.memory_space<semaphore_mem>>) {add = true}
      %mul3A_48 = arith.constant 8 : i32
      %mul3A_49 = arith.muli %mul3A_48, %scan3A_18 : i32
      %add3A_50 = arith.constant 3 : i32
      %add3A_51 = arith.addi %mul3A_49, %add3A_50 : i32
      %dma_start3A_52 = arith.constant 0 : i32
      %dma_start3A_53 = tpu.memref_slice %arg6[%add3A_51, %dma_start3A_52] : memref<80x128xi32, #tpu.memory_space<vmem>> -> memref<1x128xi32, #tpu.memory_space<vmem>>
      %dma_start3A_54 = tpu.memref_squeeze %dma_start3A_53 : memref<1x128xi32, #tpu.memory_space<vmem>> -> memref<128xi32, #tpu.memory_space<vmem>>
      %dma_start3A_55 = arith.constant 0 : i32
      %dma_start3A_56 = arith.constant 0 : i32
      %dma_start3A_57 = tpu.memref_slice %arg8[%dma_start3A_55, %dma_start3A_56] : memref<10016x16xf32, #tpu.memory_space<vmem_shared>> -> memref<10016x16xf32, #tpu.memory_space<vmem_shared>>
      tpu.enqueue_indirect_dma source(%arg7 : memref<128x16xf32, #tpu.memory_space<vmem>>) target(%dma_start3A_57 : memref<10016x16xf32, #tpu.memory_space<vmem_shared>>) offsets(%dma_start3A_54 : memref<128xi32, #tpu.memory_space<vmem>>) semaphore(%arg9 : memref<!tpu.dma_semaphore, #tpu.memory_space<semaphore_mem>>) {add = true}
      %mul3A_58 = arith.constant 8 : i32
      %mul3A_59 = arith.muli %mul3A_58, %scan3A_18 : i32
      %add3A_60 = arith.constant 4 : i32
      %add3A_61 = arith.addi %mul3A_59, %add3A_60 : i32
      %dma_start3A_62 = arith.constant 0 : i32
      %dma_start3A_63 = tpu.memref_slice %arg6[%add3A_61, %dma_start3A_62] : memref<80x128xi32, #tpu.memory_space<vmem>> -> memref<1x128xi32, #tpu.memory_space<vmem>>
      %dma_start3A_64 = tpu.memref_squeeze %dma_start3A_63 : memref<1x128xi32, #tpu.memory_space<vmem>> -> memref<128xi32, #tpu.memory_space<vmem>>
      %dma_start3A_65 = arith.constant 0 : i32
      %dma_start3A_66 = arith.constant 0 : i32
      %dma_start3A_67 = tpu.memref_slice %arg8[%dma_start3A_65, %dma_start3A_66] : memref<10016x16xf32, #tpu.memory_space<vmem_shared>> -> memref<10016x16xf32, #tpu.memory_space<vmem_shared>>
      tpu.enqueue_indirect_dma source(%arg7 : memref<128x16xf32, #tpu.memory_space<vmem>>) target(%dma_start3A_67 : memref<10016x16xf32, #tpu.memory_space<vmem_shared>>) offsets(%dma_start3A_64 : memref<128xi32, #tpu.memory_space<vmem>>) semaphore(%arg9 : memref<!tpu.dma_semaphore, #tpu.memory_space<semaphore_mem>>) {add = true}
      %mul3A_68 = arith.constant 8 : i32
      %mul3A_69 = arith.muli %mul3A_68, %scan3A_18 : i32
      %add3A_70 = arith.constant 5 : i32
      %add3A_71 = arith.addi %mul3A_69, %add3A_70 : i32
      %dma_start3A_72 = arith.constant 0 : i32
      %dma_start3A_73 = tpu.memref_slice %arg6[%add3A_71, %dma_start3A_72] : memref<80x128xi32, #tpu.memory_space<vmem>> -> memref<1x128xi32, #tpu.memory_space<vmem>>
      %dma_start3A_74 = tpu.memref_squeeze %dma_start3A_73 : memref<1x128xi32, #tpu.memory_space<vmem>> -> memref<128xi32, #tpu.memory_space<vmem>>
      %dma_start3A_75 = arith.constant 0 : i32
      %dma_start3A_76 = arith.constant 0 : i32
      %dma_start3A_77 = tpu.memref_slice %arg8[%dma_start3A_75, %dma_start3A_76] : memref<10016x16xf32, #tpu.memory_space<vmem_shared>> -> memref<10016x16xf32, #tpu.memory_space<vmem_shared>>
      tpu.enqueue_indirect_dma source(%arg7 : memref<128x16xf32, #tpu.memory_space<vmem>>) target(%dma_start3A_77 : memref<10016x16xf32, #tpu.memory_space<vmem_shared>>) offsets(%dma_start3A_74 : memref<128xi32, #tpu.memory_space<vmem>>) semaphore(%arg9 : memref<!tpu.dma_semaphore, #tpu.memory_space<semaphore_mem>>) {add = true}
      %mul3A_78 = arith.constant 8 : i32
      %mul3A_79 = arith.muli %mul3A_78, %scan3A_18 : i32
      %add3A_80 = arith.constant 6 : i32
      %add3A_81 = arith.addi %mul3A_79, %add3A_80 : i32
      %dma_start3A_82 = arith.constant 0 : i32
      %dma_start3A_83 = tpu.memref_slice %arg6[%add3A_81, %dma_start3A_82] : memref<80x128xi32, #tpu.memory_space<vmem>> -> memref<1x128xi32, #tpu.memory_space<vmem>>
      %dma_start3A_84 = tpu.memref_squeeze %dma_start3A_83 : memref<1x128xi32, #tpu.memory_space<vmem>> -> memref<128xi32, #tpu.memory_space<vmem>>
      %dma_start3A_85 = arith.constant 0 : i32
      %dma_start3A_86 = arith.constant 0 : i32
      %dma_start3A_87 = tpu.memref_slice %arg8[%dma_start3A_85, %dma_start3A_86] : memref<10016x16xf32, #tpu.memory_space<vmem_shared>> -> memref<10016x16xf32, #tpu.memory_space<vmem_shared>>
      tpu.enqueue_indirect_dma source(%arg7 : memref<128x16xf32, #tpu.memory_space<vmem>>) target(%dma_start3A_87 : memref<10016x16xf32, #tpu.memory_space<vmem_shared>>) offsets(%dma_start3A_84 : memref<128xi32, #tpu.memory_space<vmem>>) semaphore(%arg9 : memref<!tpu.dma_semaphore, #tpu.memory_space<semaphore_mem>>) {add = true}
      %mul3A_88 = arith.constant 8 : i32
      %mul3A_89 = arith.muli %mul3A_88, %scan3A_18 : i32
      %add3A_90 = arith.constant 7 : i32
      %add3A_91 = arith.addi %mul3A_89, %add3A_90 : i32
      %dma_start3A_92 = arith.constant 0 : i32
      %dma_start3A_93 = tpu.memref_slice %arg6[%add3A_91, %dma_start3A_92] : memref<80x128xi32, #tpu.memory_space<vmem>> -> memref<1x128xi32, #tpu.memory_space<vmem>>
      %dma_start3A_94 = tpu.memref_squeeze %dma_start3A_93 : memref<1x128xi32, #tpu.memory_space<vmem>> -> memref<128xi32, #tpu.memory_space<vmem>>
      %dma_start3A_95 = arith.constant 0 : i32
      %dma_start3A_96 = arith.constant 0 : i32
      %dma_start3A_97 = tpu.memref_slice %arg8[%dma_start3A_95, %dma_start3A_96] : memref<10016x16xf32, #tpu.memory_space<vmem_shared>> -> memref<10016x16xf32, #tpu.memory_space<vmem_shared>>
      tpu.enqueue_indirect_dma source(%arg7 : memref<128x16xf32, #tpu.memory_space<vmem>>) target(%dma_start3A_97 : memref<10016x16xf32, #tpu.memory_space<vmem_shared>>) offsets(%dma_start3A_94 : memref<128xi32, #tpu.memory_space<vmem>>) semaphore(%arg9 : memref<!tpu.dma_semaphore, #tpu.memory_space<semaphore_mem>>) {add = true}
      %mul3A_98 = arith.constant 8 : i32
      %mul3A_99 = arith.muli %mul3A_98, %scan3A_18 : i32
      %add3A_100 = arith.constant 0 : i32
      %add3A_101 = arith.addi %mul3A_99, %add3A_100 : i32
      %dma_wait3A = arith.constant 0 : i32
      %dma_wait3A_102 = tpu.memref_slice %arg6[%add3A_101, %dma_wait3A] : memref<80x128xi32, #tpu.memory_space<vmem>> -> memref<1x128xi32, #tpu.memory_space<vmem>>
      %dma_wait3A_103 = tpu.memref_squeeze %dma_wait3A_102 : memref<1x128xi32, #tpu.memory_space<vmem>> -> memref<128xi32, #tpu.memory_space<vmem>>
      %dma_wait3A_104 = arith.constant 0 : i32
      %dma_wait3A_105 = arith.constant 0 : i32
      %dma_wait3A_106 = tpu.memref_slice %arg8[%dma_wait3A_104, %dma_wait3A_105] : memref<10016x16xf32, #tpu.memory_space<vmem_shared>> -> memref<10016x16xf32, #tpu.memory_space<vmem_shared>>
      tpu.wait_indirect_dma semaphore(%arg9 : memref<!tpu.dma_semaphore, #tpu.memory_space<semaphore_mem>>) src(%arg7 : memref<128x16xf32, #tpu.memory_space<vmem>>) dst(%dma_wait3A_106 : memref<10016x16xf32, #tpu.memory_space<vmem_shared>>)
      %mul3A_107 = arith.constant 8 : i32
      %mul3A_108 = arith.muli %mul3A_107, %scan3A_18 : i32
      %add3A_109 = arith.constant 1 : i32
      %add3A_110 = arith.addi %mul3A_108, %add3A_109 : i32
      %dma_wait3A_111 = arith.constant 0 : i32
      %dma_wait3A_112 = tpu.memref_slice %arg6[%add3A_110, %dma_wait3A_111] : memref<80x128xi32, #tpu.memory_space<vmem>> -> memref<1x128xi32, #tpu.memory_space<vmem>>
      %dma_wait3A_113 = tpu.memref_squeeze %dma_wait3A_112 : memref<1x128xi32, #tpu.memory_space<vmem>> -> memref<128xi32, #tpu.memory_space<vmem>>
      %dma_wait3A_114 = arith.constant 0 : i32
      %dma_wait3A_115 = arith.constant 0 : i32
      %dma_wait3A_116 = tpu.memref_slice %arg8[%dma_wait3A_114, %dma_wait3A_115] : memref<10016x16xf32, #tpu.memory_space<vmem_shared>> -> memref<10016x16xf32, #tpu.memory_space<vmem_shared>>
      tpu.wait_indirect_dma semaphore(%arg9 : memref<!tpu.dma_semaphore, #tpu.memory_space<semaphore_mem>>) src(%arg7 : memref<128x16xf32, #tpu.memory_space<vmem>>) dst(%dma_wait3A_116 : memref<10016x16xf32, #tpu.memory_space<vmem_shared>>)
      %mul3A_117 = arith.constant 8 : i32
      %mul3A_118 = arith.muli %mul3A_117, %scan3A_18 : i32
      %add3A_119 = arith.constant 2 : i32
      %add3A_120 = arith.addi %mul3A_118, %add3A_119 : i32
      %dma_wait3A_121 = arith.constant 0 : i32
      %dma_wait3A_122 = tpu.memref_slice %arg6[%add3A_120, %dma_wait3A_121] : memref<80x128xi32, #tpu.memory_space<vmem>> -> memref<1x128xi32, #tpu.memory_space<vmem>>
      %dma_wait3A_123 = tpu.memref_squeeze %dma_wait3A_122 : memref<1x128xi32, #tpu.memory_space<vmem>> -> memref<128xi32, #tpu.memory_space<vmem>>
      %dma_wait3A_124 = arith.constant 0 : i32
      %dma_wait3A_125 = arith.constant 0 : i32
      %dma_wait3A_126 = tpu.memref_slice %arg8[%dma_wait3A_124, %dma_wait3A_125] : memref<10016x16xf32, #tpu.memory_space<vmem_shared>> -> memref<10016x16xf32, #tpu.memory_space<vmem_shared>>
      tpu.wait_indirect_dma semaphore(%arg9 : memref<!tpu.dma_semaphore, #tpu.memory_space<semaphore_mem>>) src(%arg7 : memref<128x16xf32, #tpu.memory_space<vmem>>) dst(%dma_wait3A_126 : memref<10016x16xf32, #tpu.memory_space<vmem_shared>>)
      %mul3A_127 = arith.constant 8 : i32
      %mul3A_128 = arith.muli %mul3A_127, %scan3A_18 : i32
      %add3A_129 = arith.constant 3 : i32
      %add3A_130 = arith.addi %mul3A_128, %add3A_129 : i32
      %dma_wait3A_131 = arith.constant 0 : i32
      %dma_wait3A_132 = tpu.memref_slice %arg6[%add3A_130, %dma_wait3A_131] : memref<80x128xi32, #tpu.memory_space<vmem>> -> memref<1x128xi32, #tpu.memory_space<vmem>>
      %dma_wait3A_133 = tpu.memref_squeeze %dma_wait3A_132 : memref<1x128xi32, #tpu.memory_space<vmem>> -> memref<128xi32, #tpu.memory_space<vmem>>
      %dma_wait3A_134 = arith.constant 0 : i32
      %dma_wait3A_135 = arith.constant 0 : i32
      %dma_wait3A_136 = tpu.memref_slice %arg8[%dma_wait3A_134, %dma_wait3A_135] : memref<10016x16xf32, #tpu.memory_space<vmem_shared>> -> memref<10016x16xf32, #tpu.memory_space<vmem_shared>>
      tpu.wait_indirect_dma semaphore(%arg9 : memref<!tpu.dma_semaphore, #tpu.memory_space<semaphore_mem>>) src(%arg7 : memref<128x16xf32, #tpu.memory_space<vmem>>) dst(%dma_wait3A_136 : memref<10016x16xf32, #tpu.memory_space<vmem_shared>>)
      %mul3A_137 = arith.constant 8 : i32
      %mul3A_138 = arith.muli %mul3A_137, %scan3A_18 : i32
      %add3A_139 = arith.constant 4 : i32
      %add3A_140 = arith.addi %mul3A_138, %add3A_139 : i32
      %dma_wait3A_141 = arith.constant 0 : i32
      %dma_wait3A_142 = tpu.memref_slice %arg6[%add3A_140, %dma_wait3A_141] : memref<80x128xi32, #tpu.memory_space<vmem>> -> memref<1x128xi32, #tpu.memory_space<vmem>>
      %dma_wait3A_143 = tpu.memref_squeeze %dma_wait3A_142 : memref<1x128xi32, #tpu.memory_space<vmem>> -> memref<128xi32, #tpu.memory_space<vmem>>
      %dma_wait3A_144 = arith.constant 0 : i32
      %dma_wait3A_145 = arith.constant 0 : i32
      %dma_wait3A_146 = tpu.memref_slice %arg8[%dma_wait3A_144, %dma_wait3A_145] : memref<10016x16xf32, #tpu.memory_space<vmem_shared>> -> memref<10016x16xf32, #tpu.memory_space<vmem_shared>>
      tpu.wait_indirect_dma semaphore(%arg9 : memref<!tpu.dma_semaphore, #tpu.memory_space<semaphore_mem>>) src(%arg7 : memref<128x16xf32, #tpu.memory_space<vmem>>) dst(%dma_wait3A_146 : memref<10016x16xf32, #tpu.memory_space<vmem_shared>>)
      %mul3A_147 = arith.constant 8 : i32
      %mul3A_148 = arith.muli %mul3A_147, %scan3A_18 : i32
      %add3A_149 = arith.constant 5 : i32
      %add3A_150 = arith.addi %mul3A_148, %add3A_149 : i32
      %dma_wait3A_151 = arith.constant 0 : i32
      %dma_wait3A_152 = tpu.memref_slice %arg6[%add3A_150, %dma_wait3A_151] : memref<80x128xi32, #tpu.memory_space<vmem>> -> memref<1x128xi32, #tpu.memory_space<vmem>>
      %dma_wait3A_153 = tpu.memref_squeeze %dma_wait3A_152 : memref<1x128xi32, #tpu.memory_space<vmem>> -> memref<128xi32, #tpu.memory_space<vmem>>
      %dma_wait3A_154 = arith.constant 0 : i32
      %dma_wait3A_155 = arith.constant 0 : i32
      %dma_wait3A_156 = tpu.memref_slice %arg8[%dma_wait3A_154, %dma_wait3A_155] : memref<10016x16xf32, #tpu.memory_space<vmem_shared>> -> memref<10016x16xf32, #tpu.memory_space<vmem_shared>>
      tpu.wait_indirect_dma semaphore(%arg9 : memref<!tpu.dma_semaphore, #tpu.memory_space<semaphore_mem>>) src(%arg7 : memref<128x16xf32, #tpu.memory_space<vmem>>) dst(%dma_wait3A_156 : memref<10016x16xf32, #tpu.memory_space<vmem_shared>>)
      %mul3A_157 = arith.constant 8 : i32
      %mul3A_158 = arith.muli %mul3A_157, %scan3A_18 : i32
      %add3A_159 = arith.constant 6 : i32
      %add3A_160 = arith.addi %mul3A_158, %add3A_159 : i32
      %dma_wait3A_161 = arith.constant 0 : i32
      %dma_wait3A_162 = tpu.memref_slice %arg6[%add3A_160, %dma_wait3A_161] : memref<80x128xi32, #tpu.memory_space<vmem>> -> memref<1x128xi32, #tpu.memory_space<vmem>>
      %dma_wait3A_163 = tpu.memref_squeeze %dma_wait3A_162 : memref<1x128xi32, #tpu.memory_space<vmem>> -> memref<128xi32, #tpu.memory_space<vmem>>
      %dma_wait3A_164 = arith.constant 0 : i32
      %dma_wait3A_165 = arith.constant 0 : i32
      %dma_wait3A_166 = tpu.memref_slice %arg8[%dma_wait3A_164, %dma_wait3A_165] : memref<10016x16xf32, #tpu.memory_space<vmem_shared>> -> memref<10016x16xf32, #tpu.memory_space<vmem_shared>>
      tpu.wait_indirect_dma semaphore(%arg9 : memref<!tpu.dma_semaphore, #tpu.memory_space<semaphore_mem>>) src(%arg7 : memref<128x16xf32, #tpu.memory_space<vmem>>) dst(%dma_wait3A_166 : memref<10016x16xf32, #tpu.memory_space<vmem_shared>>)
      %mul3A_167 = arith.constant 8 : i32
      %mul3A_168 = arith.muli %mul3A_167, %scan3A_18 : i32
      %add3A_169 = arith.constant 7 : i32
      %add3A_170 = arith.addi %mul3A_168, %add3A_169 : i32
      %dma_wait3A_171 = arith.constant 0 : i32
      %dma_wait3A_172 = tpu.memref_slice %arg6[%add3A_170, %dma_wait3A_171] : memref<80x128xi32, #tpu.memory_space<vmem>> -> memref<1x128xi32, #tpu.memory_space<vmem>>
      %dma_wait3A_173 = tpu.memref_squeeze %dma_wait3A_172 : memref<1x128xi32, #tpu.memory_space<vmem>> -> memref<128xi32, #tpu.memory_space<vmem>>
      %dma_wait3A_174 = arith.constant 0 : i32
      %dma_wait3A_175 = arith.constant 0 : i32
      %dma_wait3A_176 = tpu.memref_slice %arg8[%dma_wait3A_174, %dma_wait3A_175] : memref<10016x16xf32, #tpu.memory_space<vmem_shared>> -> memref<10016x16xf32, #tpu.memory_space<vmem_shared>>
      tpu.wait_indirect_dma semaphore(%arg9 : memref<!tpu.dma_semaphore, #tpu.memory_space<semaphore_mem>>) src(%arg7 : memref<128x16xf32, #tpu.memory_space<vmem>>) dst(%dma_wait3A_176 : memref<10016x16xf32, #tpu.memory_space<vmem_shared>>)
    }
    %scan3A_9 = arith.constant 10 : i32
    %barrier3A_10 = arith.constant 0 : index
    tpu.barrier barrier_id(%barrier3A_10)
    %mul3A_11 = arith.constant 624 : i32
    %mul3A_12 = arith.muli %arg1, %mul3A_11 : i32
    "tpu.region"() ({
      %run_scoped3A = tpu.sem_alloc : memref<!tpu.dma_semaphore, #tpu.memory_space<semaphore_mem>>
      %dma_start3A = arith.constant 0 : i32
      %dma_start3A_18 = tpu.memref_slice %arg5[%arg0, %mul3A_12, %dma_start3A] : memref<2x10000x16xf32, #tpu.memory_space<hbm>> -> memref<1x624x16xf32, #tpu.memory_space<hbm>>
      %dma_start3A_19 = tpu.memref_squeeze %dma_start3A_18 : memref<1x624x16xf32, #tpu.memory_space<hbm>> -> memref<624x16xf32, #tpu.memory_space<hbm>>
      %dma_start3A_20 = arith.constant 0 : i32
      %dma_start3A_21 = tpu.memref_slice %arg8[%mul3A_12, %dma_start3A_20] : memref<10016x16xf32, #tpu.memory_space<vmem_shared>> -> memref<624x16xf32, #tpu.memory_space<vmem_shared>>
      tpu.enqueue_dma source(%dma_start3A_21 : memref<624x16xf32, #tpu.memory_space<vmem_shared>>) target(%dma_start3A_19 : memref<624x16xf32, #tpu.memory_space<hbm>>) target_semaphore(%run_scoped3A : memref<!tpu.dma_semaphore, #tpu.memory_space<semaphore_mem>>)
      %dma_wait3A = arith.constant 0 : i32
      %dma_wait3A_22 = tpu.memref_slice %arg5[%arg0, %mul3A_12, %dma_wait3A] : memref<2x10000x16xf32, #tpu.memory_space<hbm>> -> memref<1x624x16xf32, #tpu.memory_space<hbm>>
      %dma_wait3A_23 = tpu.memref_squeeze %dma_wait3A_22 : memref<1x624x16xf32, #tpu.memory_space<hbm>> -> memref<624x16xf32, #tpu.memory_space<hbm>>
      %dma_wait3A_24 = arith.constant 0 : i32
      %dma_wait3A_25 = tpu.memref_slice %arg8[%mul3A_12, %dma_wait3A_24] : memref<10016x16xf32, #tpu.memory_space<vmem_shared>> -> memref<624x16xf32, #tpu.memory_space<vmem_shared>>
      tpu.wait_dma2 semaphore(%run_scoped3A : memref<!tpu.dma_semaphore, #tpu.memory_space<semaphore_mem>>) src(%dma_wait3A_25 : memref<624x16xf32, #tpu.memory_space<vmem_shared>>) dst(%dma_wait3A_23 : memref<624x16xf32, #tpu.memory_space<hbm>>)
      tpu.yield
    }) : () -> ()
    %eq3A_13 = arith.constant 15 : i32
    %eq3A_14 = arith.cmpi eq, %arg1, %eq3A_13 : i32
    %convert_element_type3A_15 = arith.extui %eq3A_14 : i1 to i32
    %cond3A_16 = arith.constant 0 : i32
    %cond3A_17 = arith.cmpi ne, %convert_element_type3A_15, %cond3A_16 : i32
    scf.if %cond3A_17 {
      "tpu.region"() ({
        %run_scoped3A = tpu.sem_alloc : memref<!tpu.dma_semaphore, #tpu.memory_space<semaphore_mem>>
        %dma_start3A = arith.constant 9984 : i32
        %dma_start3A_18 = arith.constant 0 : i32
        %dma_start3A_19 = tpu.memref_slice %arg5[%arg0, %dma_start3A, %dma_start3A_18] : memref<2x10000x16xf32, #tpu.memory_space<hbm>> -> memref<1x16x16xf32, #tpu.memory_space<hbm>>
        %dma_start3A_20 = tpu.memref_squeeze %dma_start3A_19 : memref<1x16x16xf32, #tpu.memory_space<hbm>> -> memref<16x16xf32, #tpu.memory_space<hbm>>
        %dma_start3A_21 = arith.constant 9984 : i32
        %dma_start3A_22 = arith.constant 0 : i32
        %dma_start3A_23 = tpu.memref_slice %arg8[%dma_start3A_21, %dma_start3A_22] : memref<10016x16xf32, #tpu.memory_space<vmem_shared>> -> memref<16x16xf32, #tpu.memory_space<vmem_shared>>
        tpu.enqueue_dma source(%dma_start3A_23 : memref<16x16xf32, #tpu.memory_space<vmem_shared>>) target(%dma_start3A_20 : memref<16x16xf32, #tpu.memory_space<hbm>>) target_semaphore(%run_scoped3A : memref<!tpu.dma_semaphore, #tpu.memory_space<semaphore_mem>>)
        %dma_wait3A = arith.constant 9984 : i32
        %dma_wait3A_24 = arith.constant 0 : i32
        %dma_wait3A_25 = tpu.memref_slice %arg5[%arg0, %dma_wait3A, %dma_wait3A_24] : memref<2x10000x16xf32, #tpu.memory_space<hbm>> -> memref<1x16x16xf32, #tpu.memory_space<hbm>>
        %dma_wait3A_26 = tpu.memref_squeeze %dma_wait3A_25 : memref<1x16x16xf32, #tpu.memory_space<hbm>> -> memref<16x16xf32, #tpu.memory_space<hbm>>
        %dma_wait3A_27 = arith.constant 9984 : i32
        %dma_wait3A_28 = arith.constant 0 : i32
        %dma_wait3A_29 = tpu.memref_slice %arg8[%dma_wait3A_27, %dma_wait3A_28] : memref<10016x16xf32, #tpu.memory_space<vmem_shared>> -> memref<16x16xf32, #tpu.memory_space<vmem_shared>>
        tpu.wait_dma2 semaphore(%run_scoped3A : memref<!tpu.dma_semaphore, #tpu.memory_space<semaphore_mem>>) src(%dma_wait3A_29 : memref<16x16xf32, #tpu.memory_space<vmem_shared>>) dst(%dma_wait3A_26 : memref<16x16xf32, #tpu.memory_space<hbm>>)
        tpu.yield
      }) : () -> ()
    } else {
    }
    return
  }
}

#map = affine_map<(d0, d1) -> (0, 0)>
#map1 = affine_map<(d0, d1) -> (0, 0, 0)>
module attributes {stable_mosaic.version = 14 : i64} {
  func.func @_conv_body(%arg0: i32, %arg1: i32, %arg2: memref<10000x64xf32, #tpu.memory_space<hbm>>, %arg3: memref<32x80x128xi32, #tpu.memory_space<hbm>>, %arg4: memref<32x80x128xi32, #tpu.memory_space<hbm>>, %arg5: memref<10016x64xf32, #tpu.memory_space<hbm>>, %arg6: memref<2x10000x64xf32, #tpu.memory_space<hbm>>, %arg7: memref<80x128xi32, #tpu.memory_space<vmem>>, %arg8: memref<80x128xi32, #tpu.memory_space<vmem>>, %arg9: memref<128x64xf32, #tpu.memory_space<vmem>>, %arg10: memref<128x64xf32, #tpu.memory_space<vmem>>, %arg11: memref<10016x64xf32, #tpu.memory_space<vmem_shared>>, %arg12: memref<!tpu.dma_semaphore, #tpu.memory_space<semaphore_mem>>, %arg13: memref<!tpu.dma_semaphore, #tpu.memory_space<semaphore_mem>>, %arg14: memref<!tpu.dma_semaphore, #tpu.memory_space<semaphore_mem>>, %arg15: memref<!tpu.dma_semaphore, #tpu.memory_space<semaphore_mem>>) attributes {dimension_semantics = [#tpu.dimension_semantics<core_parallel>, #tpu.dimension_semantics<subcore_parallel>], iteration_bounds = array<i64: 2, 16>, scalar_prefetch = 0 : i64, scratch_operands = 9 : i64, tpu.core_type = #tpu.core_type<sc_vector_subcore>, window_params = [{transform_indices = #map}, {transform_indices = #map1}, {transform_indices = #map1}, {transform_indices = #map}, {transform_indices = #map1}]} {
    %mul3A = arith.constant 16 : i32
    %mul3A_0 = arith.muli %arg0, %mul3A : i32
    %add3A = arith.addi %mul3A_0, %arg1 : i32
    %mul3A_1 = arith.constant 624 : i32
    %mul3A_2 = arith.muli %arg1, %mul3A_1 : i32
    "tpu.region"() ({
      %run_scoped3A = tpu.sem_alloc : memref<!tpu.dma_semaphore, #tpu.memory_space<semaphore_mem>>
      %dma_start3A_72 = arith.constant 0 : i32
      %dma_start3A_73 = tpu.memref_slice %arg11[%mul3A_2, %dma_start3A_72] : memref<10016x64xf32, #tpu.memory_space<vmem_shared>> -> memref<624x64xf32, #tpu.memory_space<vmem_shared>>
      %dma_start3A_74 = arith.constant 0 : i32
      %dma_start3A_75 = tpu.memref_slice %arg5[%mul3A_2, %dma_start3A_74] : memref<10016x64xf32, #tpu.memory_space<hbm>> -> memref<624x64xf32, #tpu.memory_space<hbm>>
      tpu.enqueue_dma source(%dma_start3A_75 : memref<624x64xf32, #tpu.memory_space<hbm>>) target(%dma_start3A_73 : memref<624x64xf32, #tpu.memory_space<vmem_shared>>) target_semaphore(%run_scoped3A : memref<!tpu.dma_semaphore, #tpu.memory_space<semaphore_mem>>)
      %dma_wait3A_76 = arith.constant 0 : i32
      %dma_wait3A_77 = tpu.memref_slice %arg11[%mul3A_2, %dma_wait3A_76] : memref<10016x64xf32, #tpu.memory_space<vmem_shared>> -> memref<624x64xf32, #tpu.memory_space<vmem_shared>>
      %dma_wait3A_78 = arith.constant 0 : i32
      %dma_wait3A_79 = tpu.memref_slice %arg5[%mul3A_2, %dma_wait3A_78] : memref<10016x64xf32, #tpu.memory_space<hbm>> -> memref<624x64xf32, #tpu.memory_space<hbm>>
      tpu.wait_dma2 semaphore(%run_scoped3A : memref<!tpu.dma_semaphore, #tpu.memory_space<semaphore_mem>>) src(%dma_wait3A_79 : memref<624x64xf32, #tpu.memory_space<hbm>>) dst(%dma_wait3A_77 : memref<624x64xf32, #tpu.memory_space<vmem_shared>>)
      tpu.yield
    }) : () -> ()
    %eq3A = arith.constant 15 : i32
    %eq3A_3 = arith.cmpi eq, %arg1, %eq3A : i32
    %convert_element_type3A = arith.extui %eq3A_3 : i1 to i32
    %cond3A = arith.constant 0 : i32
    %cond3A_4 = arith.cmpi ne, %convert_element_type3A, %cond3A : i32
    scf.if %cond3A_4 {
      "tpu.region"() ({
        %run_scoped3A = tpu.sem_alloc : memref<!tpu.dma_semaphore, #tpu.memory_space<semaphore_mem>>
        %dma_start3A_72 = arith.constant 9984 : i32
        %dma_start3A_73 = arith.constant 0 : i32
        %dma_start3A_74 = tpu.memref_slice %arg11[%dma_start3A_72, %dma_start3A_73] : memref<10016x64xf32, #tpu.memory_space<vmem_shared>> -> memref<32x64xf32, #tpu.memory_space<vmem_shared>>
        %dma_start3A_75 = arith.constant 9984 : i32
        %dma_start3A_76 = arith.constant 0 : i32
        %dma_start3A_77 = tpu.memref_slice %arg5[%dma_start3A_75, %dma_start3A_76] : memref<10016x64xf32, #tpu.memory_space<hbm>> -> memref<32x64xf32, #tpu.memory_space<hbm>>
        tpu.enqueue_dma source(%dma_start3A_77 : memref<32x64xf32, #tpu.memory_space<hbm>>) target(%dma_start3A_74 : memref<32x64xf32, #tpu.memory_space<vmem_shared>>) target_semaphore(%run_scoped3A : memref<!tpu.dma_semaphore, #tpu.memory_space<semaphore_mem>>)
        %dma_wait3A_78 = arith.constant 9984 : i32
        %dma_wait3A_79 = arith.constant 0 : i32
        %dma_wait3A_80 = tpu.memref_slice %arg11[%dma_wait3A_78, %dma_wait3A_79] : memref<10016x64xf32, #tpu.memory_space<vmem_shared>> -> memref<32x64xf32, #tpu.memory_space<vmem_shared>>
        %dma_wait3A_81 = arith.constant 9984 : i32
        %dma_wait3A_82 = arith.constant 0 : i32
        %dma_wait3A_83 = tpu.memref_slice %arg5[%dma_wait3A_81, %dma_wait3A_82] : memref<10016x64xf32, #tpu.memory_space<hbm>> -> memref<32x64xf32, #tpu.memory_space<hbm>>
        tpu.wait_dma2 semaphore(%run_scoped3A : memref<!tpu.dma_semaphore, #tpu.memory_space<semaphore_mem>>) src(%dma_wait3A_83 : memref<32x64xf32, #tpu.memory_space<hbm>>) dst(%dma_wait3A_80 : memref<32x64xf32, #tpu.memory_space<vmem_shared>>)
        tpu.yield
      }) : () -> ()
    } else {
    }
    "tpu.region"() ({
      %run_scoped3A = tpu.sem_alloc : memref<!tpu.dma_semaphore, #tpu.memory_space<semaphore_mem>>
      %dma_start3A_72 = arith.constant 0 : i32
      %dma_start3A_73 = arith.constant 0 : i32
      %dma_start3A_74 = tpu.memref_slice %arg3[%add3A, %dma_start3A_72, %dma_start3A_73] : memref<32x80x128xi32, #tpu.memory_space<hbm>> -> memref<1x80x128xi32, #tpu.memory_space<hbm>>
      %dma_start3A_75 = tpu.memref_squeeze %dma_start3A_74 : memref<1x80x128xi32, #tpu.memory_space<hbm>> -> memref<80x128xi32, #tpu.memory_space<hbm>>
      %dma_start3A_76 = arith.constant 0 : i32
      %dma_start3A_77 = arith.constant 0 : i32
      %dma_start3A_78 = tpu.memref_slice %arg3[%add3A, %dma_start3A_76, %dma_start3A_77] : memref<32x80x128xi32, #tpu.memory_space<hbm>> -> memref<1x80x128xi32, #tpu.memory_space<hbm>>
      %dma_start3A_79 = tpu.memref_squeeze %dma_start3A_78 : memref<1x80x128xi32, #tpu.memory_space<hbm>> -> memref<80x128xi32, #tpu.memory_space<hbm>>
      tpu.enqueue_dma source(%dma_start3A_79 : memref<80x128xi32, #tpu.memory_space<hbm>>) target(%arg7 : memref<80x128xi32, #tpu.memory_space<vmem>>) target_semaphore(%run_scoped3A : memref<!tpu.dma_semaphore, #tpu.memory_space<semaphore_mem>>)
      %dma_wait3A_80 = arith.constant 0 : i32
      %dma_wait3A_81 = arith.constant 0 : i32
      %dma_wait3A_82 = tpu.memref_slice %arg3[%add3A, %dma_wait3A_80, %dma_wait3A_81] : memref<32x80x128xi32, #tpu.memory_space<hbm>> -> memref<1x80x128xi32, #tpu.memory_space<hbm>>
      %dma_wait3A_83 = tpu.memref_squeeze %dma_wait3A_82 : memref<1x80x128xi32, #tpu.memory_space<hbm>> -> memref<80x128xi32, #tpu.memory_space<hbm>>
      %dma_wait3A_84 = arith.constant 0 : i32
      %dma_wait3A_85 = arith.constant 0 : i32
      %dma_wait3A_86 = tpu.memref_slice %arg3[%add3A, %dma_wait3A_84, %dma_wait3A_85] : memref<32x80x128xi32, #tpu.memory_space<hbm>> -> memref<1x80x128xi32, #tpu.memory_space<hbm>>
      %dma_wait3A_87 = tpu.memref_squeeze %dma_wait3A_86 : memref<1x80x128xi32, #tpu.memory_space<hbm>> -> memref<80x128xi32, #tpu.memory_space<hbm>>
      tpu.wait_dma2 semaphore(%run_scoped3A : memref<!tpu.dma_semaphore, #tpu.memory_space<semaphore_mem>>) src(%dma_wait3A_87 : memref<80x128xi32, #tpu.memory_space<hbm>>) dst(%arg7 : memref<80x128xi32, #tpu.memory_space<vmem>>)
      tpu.yield
    }) : () -> ()
    "tpu.region"() ({
      %run_scoped3A = tpu.sem_alloc : memref<!tpu.dma_semaphore, #tpu.memory_space<semaphore_mem>>
      %dma_start3A_72 = arith.constant 0 : i32
      %dma_start3A_73 = arith.constant 0 : i32
      %dma_start3A_74 = tpu.memref_slice %arg4[%add3A, %dma_start3A_72, %dma_start3A_73] : memref<32x80x128xi32, #tpu.memory_space<hbm>> -> memref<1x80x128xi32, #tpu.memory_space<hbm>>
      %dma_start3A_75 = tpu.memref_squeeze %dma_start3A_74 : memref<1x80x128xi32, #tpu.memory_space<hbm>> -> memref<80x128xi32, #tpu.memory_space<hbm>>
      %dma_start3A_76 = arith.constant 0 : i32
      %dma_start3A_77 = arith.constant 0 : i32
      %dma_start3A_78 = tpu.memref_slice %arg4[%add3A, %dma_start3A_76, %dma_start3A_77] : memref<32x80x128xi32, #tpu.memory_space<hbm>> -> memref<1x80x128xi32, #tpu.memory_space<hbm>>
      %dma_start3A_79 = tpu.memref_squeeze %dma_start3A_78 : memref<1x80x128xi32, #tpu.memory_space<hbm>> -> memref<80x128xi32, #tpu.memory_space<hbm>>
      tpu.enqueue_dma source(%dma_start3A_79 : memref<80x128xi32, #tpu.memory_space<hbm>>) target(%arg8 : memref<80x128xi32, #tpu.memory_space<vmem>>) target_semaphore(%run_scoped3A : memref<!tpu.dma_semaphore, #tpu.memory_space<semaphore_mem>>)
      %dma_wait3A_80 = arith.constant 0 : i32
      %dma_wait3A_81 = arith.constant 0 : i32
      %dma_wait3A_82 = tpu.memref_slice %arg4[%add3A, %dma_wait3A_80, %dma_wait3A_81] : memref<32x80x128xi32, #tpu.memory_space<hbm>> -> memref<1x80x128xi32, #tpu.memory_space<hbm>>
      %dma_wait3A_83 = tpu.memref_squeeze %dma_wait3A_82 : memref<1x80x128xi32, #tpu.memory_space<hbm>> -> memref<80x128xi32, #tpu.memory_space<hbm>>
      %dma_wait3A_84 = arith.constant 0 : i32
      %dma_wait3A_85 = arith.constant 0 : i32
      %dma_wait3A_86 = tpu.memref_slice %arg4[%add3A, %dma_wait3A_84, %dma_wait3A_85] : memref<32x80x128xi32, #tpu.memory_space<hbm>> -> memref<1x80x128xi32, #tpu.memory_space<hbm>>
      %dma_wait3A_87 = tpu.memref_squeeze %dma_wait3A_86 : memref<1x80x128xi32, #tpu.memory_space<hbm>> -> memref<80x128xi32, #tpu.memory_space<hbm>>
      tpu.wait_dma2 semaphore(%run_scoped3A : memref<!tpu.dma_semaphore, #tpu.memory_space<semaphore_mem>>) src(%dma_wait3A_87 : memref<80x128xi32, #tpu.memory_space<hbm>>) dst(%arg8 : memref<80x128xi32, #tpu.memory_space<vmem>>)
      tpu.yield
    }) : () -> ()
    %barrier3A = arith.constant 0 : index
    tpu.barrier barrier_id(%barrier3A)
    %dma_start3A = arith.constant 0 : i32
    %dma_start3A_5 = arith.constant 0 : i32
    %dma_start3A_6 = tpu.memref_slice %arg7[%dma_start3A, %dma_start3A_5] : memref<80x128xi32, #tpu.memory_space<vmem>> -> memref<1x128xi32, #tpu.memory_space<vmem>>
    %dma_start3A_7 = tpu.memref_squeeze %dma_start3A_6 : memref<1x128xi32, #tpu.memory_space<vmem>> -> memref<128xi32, #tpu.memory_space<vmem>>
    %dma_start3A_8 = arith.constant 0 : i32
    %dma_start3A_9 = arith.constant 0 : i32
    %dma_start3A_10 = tpu.memref_slice %arg2[%dma_start3A_8, %dma_start3A_9] : memref<10000x64xf32, #tpu.memory_space<hbm>> -> memref<10000x64xf32, #tpu.memory_space<hbm>>
    tpu.enqueue_indirect_dma source(%dma_start3A_10 : memref<10000x64xf32, #tpu.memory_space<hbm>>) target(%arg9 : memref<128x64xf32, #tpu.memory_space<vmem>>) offsets(%dma_start3A_7 : memref<128xi32, #tpu.memory_space<vmem>>) semaphore(%arg12 : memref<!tpu.dma_semaphore, #tpu.memory_space<semaphore_mem>>)
    %dma_start3A_11 = arith.constant 1 : i32
    %dma_start3A_12 = arith.constant 0 : i32
    %dma_start3A_13 = tpu.memref_slice %arg7[%dma_start3A_11, %dma_start3A_12] : memref<80x128xi32, #tpu.memory_space<vmem>> -> memref<1x128xi32, #tpu.memory_space<vmem>>
    %dma_start3A_14 = tpu.memref_squeeze %dma_start3A_13 : memref<1x128xi32, #tpu.memory_space<vmem>> -> memref<128xi32, #tpu.memory_space<vmem>>
    %dma_start3A_15 = arith.constant 0 : i32
    %dma_start3A_16 = arith.constant 0 : i32
    %dma_start3A_17 = tpu.memref_slice %arg2[%dma_start3A_15, %dma_start3A_16] : memref<10000x64xf32, #tpu.memory_space<hbm>> -> memref<10000x64xf32, #tpu.memory_space<hbm>>
    tpu.enqueue_indirect_dma source(%dma_start3A_17 : memref<10000x64xf32, #tpu.memory_space<hbm>>) target(%arg10 : memref<128x64xf32, #tpu.memory_space<vmem>>) offsets(%dma_start3A_14 : memref<128xi32, #tpu.memory_space<vmem>>) semaphore(%arg13 : memref<!tpu.dma_semaphore, #tpu.memory_space<semaphore_mem>>)
    %scan3A = arith.constant 0 : i32
    %scan3A_18 = arith.constant 0 : i32
    %scan3A_19 = arith.constant 39 : i32
    %scan3A_20 = arith.addi %scan3A_18, %scan3A_19 : i32
    %scan3A_21 = arith.constant 1 : i32
    scf.for %scan3A_72 = %scan3A_18 to %scan3A_20 step %scan3A_21  : i32 {
      %mul3A_73 = arith.constant 2 : i32
      %mul3A_74 = arith.muli %mul3A_73, %scan3A_72 : i32
      %dma_wait3A_75 = arith.constant 0 : i32
      %dma_wait3A_76 = tpu.memref_slice %arg7[%mul3A_74, %dma_wait3A_75] : memref<80x128xi32, #tpu.memory_space<vmem>> -> memref<1x128xi32, #tpu.memory_space<vmem>>
      %dma_wait3A_77 = tpu.memref_squeeze %dma_wait3A_76 : memref<1x128xi32, #tpu.memory_space<vmem>> -> memref<128xi32, #tpu.memory_space<vmem>>
      %dma_wait3A_78 = arith.constant 0 : i32
      %dma_wait3A_79 = arith.constant 0 : i32
      %dma_wait3A_80 = tpu.memref_slice %arg2[%dma_wait3A_78, %dma_wait3A_79] : memref<10000x64xf32, #tpu.memory_space<hbm>> -> memref<10000x64xf32, #tpu.memory_space<hbm>>
      tpu.wait_indirect_dma semaphore(%arg12 : memref<!tpu.dma_semaphore, #tpu.memory_space<semaphore_mem>>) src(%dma_wait3A_80 : memref<10000x64xf32, #tpu.memory_space<hbm>>) dst(%arg9 : memref<128x64xf32, #tpu.memory_space<vmem>>)
      %dma_start3A_81 = arith.constant 0 : i32
      %dma_start3A_82 = tpu.memref_slice %arg8[%mul3A_74, %dma_start3A_81] : memref<80x128xi32, #tpu.memory_space<vmem>> -> memref<1x128xi32, #tpu.memory_space<vmem>>
      %dma_start3A_83 = tpu.memref_squeeze %dma_start3A_82 : memref<1x128xi32, #tpu.memory_space<vmem>> -> memref<128xi32, #tpu.memory_space<vmem>>
      %dma_start3A_84 = arith.constant 0 : i32
      %dma_start3A_85 = arith.constant 0 : i32
      %dma_start3A_86 = tpu.memref_slice %arg11[%dma_start3A_84, %dma_start3A_85] : memref<10016x64xf32, #tpu.memory_space<vmem_shared>> -> memref<10016x64xf32, #tpu.memory_space<vmem_shared>>
      tpu.enqueue_indirect_dma source(%arg9 : memref<128x64xf32, #tpu.memory_space<vmem>>) target(%dma_start3A_86 : memref<10016x64xf32, #tpu.memory_space<vmem_shared>>) offsets(%dma_start3A_83 : memref<128xi32, #tpu.memory_space<vmem>>) semaphore(%arg14 : memref<!tpu.dma_semaphore, #tpu.memory_space<semaphore_mem>>) {add = true}
      %add3A_87 = arith.constant 1 : i32
      %add3A_88 = arith.addi %mul3A_74, %add3A_87 : i32
      %dma_wait3A_89 = arith.constant 0 : i32
      %dma_wait3A_90 = tpu.memref_slice %arg7[%add3A_88, %dma_wait3A_89] : memref<80x128xi32, #tpu.memory_space<vmem>> -> memref<1x128xi32, #tpu.memory_space<vmem>>
      %dma_wait3A_91 = tpu.memref_squeeze %dma_wait3A_90 : memref<1x128xi32, #tpu.memory_space<vmem>> -> memref<128xi32, #tpu.memory_space<vmem>>
      %dma_wait3A_92 = arith.constant 0 : i32
      %dma_wait3A_93 = arith.constant 0 : i32
      %dma_wait3A_94 = tpu.memref_slice %arg2[%dma_wait3A_92, %dma_wait3A_93] : memref<10000x64xf32, #tpu.memory_space<hbm>> -> memref<10000x64xf32, #tpu.memory_space<hbm>>
      tpu.wait_indirect_dma semaphore(%arg13 : memref<!tpu.dma_semaphore, #tpu.memory_space<semaphore_mem>>) src(%dma_wait3A_94 : memref<10000x64xf32, #tpu.memory_space<hbm>>) dst(%arg10 : memref<128x64xf32, #tpu.memory_space<vmem>>)
      %add3A_95 = arith.constant 1 : i32
      %add3A_96 = arith.addi %mul3A_74, %add3A_95 : i32
      %dma_start3A_97 = arith.constant 0 : i32
      %dma_start3A_98 = tpu.memref_slice %arg8[%add3A_96, %dma_start3A_97] : memref<80x128xi32, #tpu.memory_space<vmem>> -> memref<1x128xi32, #tpu.memory_space<vmem>>
      %dma_start3A_99 = tpu.memref_squeeze %dma_start3A_98 : memref<1x128xi32, #tpu.memory_space<vmem>> -> memref<128xi32, #tpu.memory_space<vmem>>
      %dma_start3A_100 = arith.constant 0 : i32
      %dma_start3A_101 = arith.constant 0 : i32
      %dma_start3A_102 = tpu.memref_slice %arg11[%dma_start3A_100, %dma_start3A_101] : memref<10016x64xf32, #tpu.memory_space<vmem_shared>> -> memref<10016x64xf32, #tpu.memory_space<vmem_shared>>
      tpu.enqueue_indirect_dma source(%arg10 : memref<128x64xf32, #tpu.memory_space<vmem>>) target(%dma_start3A_102 : memref<10016x64xf32, #tpu.memory_space<vmem_shared>>) offsets(%dma_start3A_99 : memref<128xi32, #tpu.memory_space<vmem>>) semaphore(%arg15 : memref<!tpu.dma_semaphore, #tpu.memory_space<semaphore_mem>>) {add = true}
      %dma_wait3A_103 = arith.constant 0 : i32
      %dma_wait3A_104 = tpu.memref_slice %arg8[%mul3A_74, %dma_wait3A_103] : memref<80x128xi32, #tpu.memory_space<vmem>> -> memref<1x128xi32, #tpu.memory_space<vmem>>
      %dma_wait3A_105 = tpu.memref_squeeze %dma_wait3A_104 : memref<1x128xi32, #tpu.memory_space<vmem>> -> memref<128xi32, #tpu.memory_space<vmem>>
      %dma_wait3A_106 = arith.constant 0 : i32
      %dma_wait3A_107 = arith.constant 0 : i32
      %dma_wait3A_108 = tpu.memref_slice %arg11[%dma_wait3A_106, %dma_wait3A_107] : memref<10016x64xf32, #tpu.memory_space<vmem_shared>> -> memref<10016x64xf32, #tpu.memory_space<vmem_shared>>
      tpu.wait_indirect_dma semaphore(%arg14 : memref<!tpu.dma_semaphore, #tpu.memory_space<semaphore_mem>>) src(%arg9 : memref<128x64xf32, #tpu.memory_space<vmem>>) dst(%dma_wait3A_108 : memref<10016x64xf32, #tpu.memory_space<vmem_shared>>)
      %add3A_109 = arith.constant 2 : i32
      %add3A_110 = arith.addi %mul3A_74, %add3A_109 : i32
      %dma_start3A_111 = arith.constant 0 : i32
      %dma_start3A_112 = tpu.memref_slice %arg7[%add3A_110, %dma_start3A_111] : memref<80x128xi32, #tpu.memory_space<vmem>> -> memref<1x128xi32, #tpu.memory_space<vmem>>
      %dma_start3A_113 = tpu.memref_squeeze %dma_start3A_112 : memref<1x128xi32, #tpu.memory_space<vmem>> -> memref<128xi32, #tpu.memory_space<vmem>>
      %dma_start3A_114 = arith.constant 0 : i32
      %dma_start3A_115 = arith.constant 0 : i32
      %dma_start3A_116 = tpu.memref_slice %arg2[%dma_start3A_114, %dma_start3A_115] : memref<10000x64xf32, #tpu.memory_space<hbm>> -> memref<10000x64xf32, #tpu.memory_space<hbm>>
      tpu.enqueue_indirect_dma source(%dma_start3A_116 : memref<10000x64xf32, #tpu.memory_space<hbm>>) target(%arg9 : memref<128x64xf32, #tpu.memory_space<vmem>>) offsets(%dma_start3A_113 : memref<128xi32, #tpu.memory_space<vmem>>) semaphore(%arg12 : memref<!tpu.dma_semaphore, #tpu.memory_space<semaphore_mem>>)
      %add3A_117 = arith.constant 1 : i32
      %add3A_118 = arith.addi %mul3A_74, %add3A_117 : i32
      %dma_wait3A_119 = arith.constant 0 : i32
      %dma_wait3A_120 = tpu.memref_slice %arg8[%add3A_118, %dma_wait3A_119] : memref<80x128xi32, #tpu.memory_space<vmem>> -> memref<1x128xi32, #tpu.memory_space<vmem>>
      %dma_wait3A_121 = tpu.memref_squeeze %dma_wait3A_120 : memref<1x128xi32, #tpu.memory_space<vmem>> -> memref<128xi32, #tpu.memory_space<vmem>>
      %dma_wait3A_122 = arith.constant 0 : i32
      %dma_wait3A_123 = arith.constant 0 : i32
      %dma_wait3A_124 = tpu.memref_slice %arg11[%dma_wait3A_122, %dma_wait3A_123] : memref<10016x64xf32, #tpu.memory_space<vmem_shared>> -> memref<10016x64xf32, #tpu.memory_space<vmem_shared>>
      tpu.wait_indirect_dma semaphore(%arg15 : memref<!tpu.dma_semaphore, #tpu.memory_space<semaphore_mem>>) src(%arg10 : memref<128x64xf32, #tpu.memory_space<vmem>>) dst(%dma_wait3A_124 : memref<10016x64xf32, #tpu.memory_space<vmem_shared>>)
      %add3A_125 = arith.constant 3 : i32
      %add3A_126 = arith.addi %mul3A_74, %add3A_125 : i32
      %dma_start3A_127 = arith.constant 0 : i32
      %dma_start3A_128 = tpu.memref_slice %arg7[%add3A_126, %dma_start3A_127] : memref<80x128xi32, #tpu.memory_space<vmem>> -> memref<1x128xi32, #tpu.memory_space<vmem>>
      %dma_start3A_129 = tpu.memref_squeeze %dma_start3A_128 : memref<1x128xi32, #tpu.memory_space<vmem>> -> memref<128xi32, #tpu.memory_space<vmem>>
      %dma_start3A_130 = arith.constant 0 : i32
      %dma_start3A_131 = arith.constant 0 : i32
      %dma_start3A_132 = tpu.memref_slice %arg2[%dma_start3A_130, %dma_start3A_131] : memref<10000x64xf32, #tpu.memory_space<hbm>> -> memref<10000x64xf32, #tpu.memory_space<hbm>>
      tpu.enqueue_indirect_dma source(%dma_start3A_132 : memref<10000x64xf32, #tpu.memory_space<hbm>>) target(%arg10 : memref<128x64xf32, #tpu.memory_space<vmem>>) offsets(%dma_start3A_129 : memref<128xi32, #tpu.memory_space<vmem>>) semaphore(%arg13 : memref<!tpu.dma_semaphore, #tpu.memory_space<semaphore_mem>>)
    }
    %scan3A_22 = arith.constant 39 : i32
    %dma_wait3A = arith.constant 78 : i32
    %dma_wait3A_23 = arith.constant 0 : i32
    %dma_wait3A_24 = tpu.memref_slice %arg7[%dma_wait3A, %dma_wait3A_23] : memref<80x128xi32, #tpu.memory_space<vmem>> -> memref<1x128xi32, #tpu.memory_space<vmem>>
    %dma_wait3A_25 = tpu.memref_squeeze %dma_wait3A_24 : memref<1x128xi32, #tpu.memory_space<vmem>> -> memref<128xi32, #tpu.memory_space<vmem>>
    %dma_wait3A_26 = arith.constant 0 : i32
    %dma_wait3A_27 = arith.constant 0 : i32
    %dma_wait3A_28 = tpu.memref_slice %arg2[%dma_wait3A_26, %dma_wait3A_27] : memref<10000x64xf32, #tpu.memory_space<hbm>> -> memref<10000x64xf32, #tpu.memory_space<hbm>>
    tpu.wait_indirect_dma semaphore(%arg12 : memref<!tpu.dma_semaphore, #tpu.memory_space<semaphore_mem>>) src(%dma_wait3A_28 : memref<10000x64xf32, #tpu.memory_space<hbm>>) dst(%arg9 : memref<128x64xf32, #tpu.memory_space<vmem>>)
    %dma_start3A_29 = arith.constant 78 : i32
    %dma_start3A_30 = arith.constant 0 : i32
    %dma_start3A_31 = tpu.memref_slice %arg8[%dma_start3A_29, %dma_start3A_30] : memref<80x128xi32, #tpu.memory_space<vmem>> -> memref<1x128xi32, #tpu.memory_space<vmem>>
    %dma_start3A_32 = tpu.memref_squeeze %dma_start3A_31 : memref<1x128xi32, #tpu.memory_space<vmem>> -> memref<128xi32, #tpu.memory_space<vmem>>
    %dma_start3A_33 = arith.constant 0 : i32
    %dma_start3A_34 = arith.constant 0 : i32
    %dma_start3A_35 = tpu.memref_slice %arg11[%dma_start3A_33, %dma_start3A_34] : memref<10016x64xf32, #tpu.memory_space<vmem_shared>> -> memref<10016x64xf32, #tpu.memory_space<vmem_shared>>
    tpu.enqueue_indirect_dma source(%arg9 : memref<128x64xf32, #tpu.memory_space<vmem>>) target(%dma_start3A_35 : memref<10016x64xf32, #tpu.memory_space<vmem_shared>>) offsets(%dma_start3A_32 : memref<128xi32, #tpu.memory_space<vmem>>) semaphore(%arg14 : memref<!tpu.dma_semaphore, #tpu.memory_space<semaphore_mem>>) {add = true}
    %dma_wait3A_36 = arith.constant 79 : i32
    %dma_wait3A_37 = arith.constant 0 : i32
    %dma_wait3A_38 = tpu.memref_slice %arg7[%dma_wait3A_36, %dma_wait3A_37] : memref<80x128xi32, #tpu.memory_space<vmem>> -> memref<1x128xi32, #tpu.memory_space<vmem>>
    %dma_wait3A_39 = tpu.memref_squeeze %dma_wait3A_38 : memref<1x128xi32, #tpu.memory_space<vmem>> -> memref<128xi32, #tpu.memory_space<vmem>>
    %dma_wait3A_40 = arith.constant 0 : i32
    %dma_wait3A_41 = arith.constant 0 : i32
    %dma_wait3A_42 = tpu.memref_slice %arg2[%dma_wait3A_40, %dma_wait3A_41] : memref<10000x64xf32, #tpu.memory_space<hbm>> -> memref<10000x64xf32, #tpu.memory_space<hbm>>
    tpu.wait_indirect_dma semaphore(%arg13 : memref<!tpu.dma_semaphore, #tpu.memory_space<semaphore_mem>>) src(%dma_wait3A_42 : memref<10000x64xf32, #tpu.memory_space<hbm>>) dst(%arg10 : memref<128x64xf32, #tpu.memory_space<vmem>>)
    %dma_start3A_43 = arith.constant 79 : i32
    %dma_start3A_44 = arith.constant 0 : i32
    %dma_start3A_45 = tpu.memref_slice %arg8[%dma_start3A_43, %dma_start3A_44] : memref<80x128xi32, #tpu.memory_space<vmem>> -> memref<1x128xi32, #tpu.memory_space<vmem>>
    %dma_start3A_46 = tpu.memref_squeeze %dma_start3A_45 : memref<1x128xi32, #tpu.memory_space<vmem>> -> memref<128xi32, #tpu.memory_space<vmem>>
    %dma_start3A_47 = arith.constant 0 : i32
    %dma_start3A_48 = arith.constant 0 : i32
    %dma_start3A_49 = tpu.memref_slice %arg11[%dma_start3A_47, %dma_start3A_48] : memref<10016x64xf32, #tpu.memory_space<vmem_shared>> -> memref<10016x64xf32, #tpu.memory_space<vmem_shared>>
    tpu.enqueue_indirect_dma source(%arg10 : memref<128x64xf32, #tpu.memory_space<vmem>>) target(%dma_start3A_49 : memref<10016x64xf32, #tpu.memory_space<vmem_shared>>) offsets(%dma_start3A_46 : memref<128xi32, #tpu.memory_space<vmem>>) semaphore(%arg15 : memref<!tpu.dma_semaphore, #tpu.memory_space<semaphore_mem>>) {add = true}
    %dma_wait3A_50 = arith.constant 78 : i32
    %dma_wait3A_51 = arith.constant 0 : i32
    %dma_wait3A_52 = tpu.memref_slice %arg8[%dma_wait3A_50, %dma_wait3A_51] : memref<80x128xi32, #tpu.memory_space<vmem>> -> memref<1x128xi32, #tpu.memory_space<vmem>>
    %dma_wait3A_53 = tpu.memref_squeeze %dma_wait3A_52 : memref<1x128xi32, #tpu.memory_space<vmem>> -> memref<128xi32, #tpu.memory_space<vmem>>
    %dma_wait3A_54 = arith.constant 0 : i32
    %dma_wait3A_55 = arith.constant 0 : i32
    %dma_wait3A_56 = tpu.memref_slice %arg11[%dma_wait3A_54, %dma_wait3A_55] : memref<10016x64xf32, #tpu.memory_space<vmem_shared>> -> memref<10016x64xf32, #tpu.memory_space<vmem_shared>>
    tpu.wait_indirect_dma semaphore(%arg14 : memref<!tpu.dma_semaphore, #tpu.memory_space<semaphore_mem>>) src(%arg9 : memref<128x64xf32, #tpu.memory_space<vmem>>) dst(%dma_wait3A_56 : memref<10016x64xf32, #tpu.memory_space<vmem_shared>>)
    %dma_wait3A_57 = arith.constant 79 : i32
    %dma_wait3A_58 = arith.constant 0 : i32
    %dma_wait3A_59 = tpu.memref_slice %arg8[%dma_wait3A_57, %dma_wait3A_58] : memref<80x128xi32, #tpu.memory_space<vmem>> -> memref<1x128xi32, #tpu.memory_space<vmem>>
    %dma_wait3A_60 = tpu.memref_squeeze %dma_wait3A_59 : memref<1x128xi32, #tpu.memory_space<vmem>> -> memref<128xi32, #tpu.memory_space<vmem>>
    %dma_wait3A_61 = arith.constant 0 : i32
    %dma_wait3A_62 = arith.constant 0 : i32
    %dma_wait3A_63 = tpu.memref_slice %arg11[%dma_wait3A_61, %dma_wait3A_62] : memref<10016x64xf32, #tpu.memory_space<vmem_shared>> -> memref<10016x64xf32, #tpu.memory_space<vmem_shared>>
    tpu.wait_indirect_dma semaphore(%arg15 : memref<!tpu.dma_semaphore, #tpu.memory_space<semaphore_mem>>) src(%arg10 : memref<128x64xf32, #tpu.memory_space<vmem>>) dst(%dma_wait3A_63 : memref<10016x64xf32, #tpu.memory_space<vmem_shared>>)
    %barrier3A_64 = arith.constant 0 : index
    tpu.barrier barrier_id(%barrier3A_64)
    %mul3A_65 = arith.constant 624 : i32
    %mul3A_66 = arith.muli %arg1, %mul3A_65 : i32
    "tpu.region"() ({
      %run_scoped3A = tpu.sem_alloc : memref<!tpu.dma_semaphore, #tpu.memory_space<semaphore_mem>>
      %dma_start3A_72 = arith.constant 0 : i32
      %dma_start3A_73 = tpu.memref_slice %arg6[%arg0, %mul3A_66, %dma_start3A_72] : memref<2x10000x64xf32, #tpu.memory_space<hbm>> -> memref<1x624x64xf32, #tpu.memory_space<hbm>>
      %dma_start3A_74 = tpu.memref_squeeze %dma_start3A_73 : memref<1x624x64xf32, #tpu.memory_space<hbm>> -> memref<624x64xf32, #tpu.memory_space<hbm>>
      %dma_start3A_75 = arith.constant 0 : i32
      %dma_start3A_76 = tpu.memref_slice %arg11[%mul3A_66, %dma_start3A_75] : memref<10016x64xf32, #tpu.memory_space<vmem_shared>> -> memref<624x64xf32, #tpu.memory_space<vmem_shared>>
      tpu.enqueue_dma source(%dma_start3A_76 : memref<624x64xf32, #tpu.memory_space<vmem_shared>>) target(%dma_start3A_74 : memref<624x64xf32, #tpu.memory_space<hbm>>) target_semaphore(%run_scoped3A : memref<!tpu.dma_semaphore, #tpu.memory_space<semaphore_mem>>)
      %dma_wait3A_77 = arith.constant 0 : i32
      %dma_wait3A_78 = tpu.memref_slice %arg6[%arg0, %mul3A_66, %dma_wait3A_77] : memref<2x10000x64xf32, #tpu.memory_space<hbm>> -> memref<1x624x64xf32, #tpu.memory_space<hbm>>
      %dma_wait3A_79 = tpu.memref_squeeze %dma_wait3A_78 : memref<1x624x64xf32, #tpu.memory_space<hbm>> -> memref<624x64xf32, #tpu.memory_space<hbm>>
      %dma_wait3A_80 = arith.constant 0 : i32
      %dma_wait3A_81 = tpu.memref_slice %arg11[%mul3A_66, %dma_wait3A_80] : memref<10016x64xf32, #tpu.memory_space<vmem_shared>> -> memref<624x64xf32, #tpu.memory_space<vmem_shared>>
      tpu.wait_dma2 semaphore(%run_scoped3A : memref<!tpu.dma_semaphore, #tpu.memory_space<semaphore_mem>>) src(%dma_wait3A_81 : memref<624x64xf32, #tpu.memory_space<vmem_shared>>) dst(%dma_wait3A_79 : memref<624x64xf32, #tpu.memory_space<hbm>>)
      tpu.yield
    }) : () -> ()
    %eq3A_67 = arith.constant 15 : i32
    %eq3A_68 = arith.cmpi eq, %arg1, %eq3A_67 : i32
    %convert_element_type3A_69 = arith.extui %eq3A_68 : i1 to i32
    %cond3A_70 = arith.constant 0 : i32
    %cond3A_71 = arith.cmpi ne, %convert_element_type3A_69, %cond3A_70 : i32
    scf.if %cond3A_71 {
      "tpu.region"() ({
        %run_scoped3A = tpu.sem_alloc : memref<!tpu.dma_semaphore, #tpu.memory_space<semaphore_mem>>
        %dma_start3A_72 = arith.constant 9984 : i32
        %dma_start3A_73 = arith.constant 0 : i32
        %dma_start3A_74 = tpu.memref_slice %arg6[%arg0, %dma_start3A_72, %dma_start3A_73] : memref<2x10000x64xf32, #tpu.memory_space<hbm>> -> memref<1x16x64xf32, #tpu.memory_space<hbm>>
        %dma_start3A_75 = tpu.memref_squeeze %dma_start3A_74 : memref<1x16x64xf32, #tpu.memory_space<hbm>> -> memref<16x64xf32, #tpu.memory_space<hbm>>
        %dma_start3A_76 = arith.constant 9984 : i32
        %dma_start3A_77 = arith.constant 0 : i32
        %dma_start3A_78 = tpu.memref_slice %arg11[%dma_start3A_76, %dma_start3A_77] : memref<10016x64xf32, #tpu.memory_space<vmem_shared>> -> memref<16x64xf32, #tpu.memory_space<vmem_shared>>
        tpu.enqueue_dma source(%dma_start3A_78 : memref<16x64xf32, #tpu.memory_space<vmem_shared>>) target(%dma_start3A_75 : memref<16x64xf32, #tpu.memory_space<hbm>>) target_semaphore(%run_scoped3A : memref<!tpu.dma_semaphore, #tpu.memory_space<semaphore_mem>>)
        %dma_wait3A_79 = arith.constant 9984 : i32
        %dma_wait3A_80 = arith.constant 0 : i32
        %dma_wait3A_81 = tpu.memref_slice %arg6[%arg0, %dma_wait3A_79, %dma_wait3A_80] : memref<2x10000x64xf32, #tpu.memory_space<hbm>> -> memref<1x16x64xf32, #tpu.memory_space<hbm>>
        %dma_wait3A_82 = tpu.memref_squeeze %dma_wait3A_81 : memref<1x16x64xf32, #tpu.memory_space<hbm>> -> memref<16x64xf32, #tpu.memory_space<hbm>>
        %dma_wait3A_83 = arith.constant 9984 : i32
        %dma_wait3A_84 = arith.constant 0 : i32
        %dma_wait3A_85 = tpu.memref_slice %arg11[%dma_wait3A_83, %dma_wait3A_84] : memref<10016x64xf32, #tpu.memory_space<vmem_shared>> -> memref<16x64xf32, #tpu.memory_space<vmem_shared>>
        tpu.wait_dma2 semaphore(%run_scoped3A : memref<!tpu.dma_semaphore, #tpu.memory_space<semaphore_mem>>) src(%dma_wait3A_85 : memref<16x64xf32, #tpu.memory_space<vmem_shared>>) dst(%dma_wait3A_82 : memref<16x64xf32, #tpu.memory_space<hbm>>)
        tpu.yield
      }) : () -> ()
    } else {
    }
    return
  }
}

#map = affine_map<(d0, d1) -> (0, 0)>
#map1 = affine_map<(d0, d1) -> (0, 0, 0)>
module attributes {stable_mosaic.version = 14 : i64} {
  func.func @_conv_body(%arg0: i32, %arg1: i32, %arg2: memref<10000x32xf32, #tpu.memory_space<hbm>>, %arg3: memref<32x80x128xi32, #tpu.memory_space<hbm>>, %arg4: memref<32x80x128xi32, #tpu.memory_space<hbm>>, %arg5: memref<10016x32xf32, #tpu.memory_space<hbm>>, %arg6: memref<2x10000x32xf32, #tpu.memory_space<hbm>>, %arg7: memref<80x128xi32, #tpu.memory_space<vmem>>, %arg8: memref<80x128xi32, #tpu.memory_space<vmem>>, %arg9: memref<128x32xf32, #tpu.memory_space<vmem>>, %arg10: memref<128x32xf32, #tpu.memory_space<vmem>>, %arg11: memref<10016x32xf32, #tpu.memory_space<vmem_shared>>, %arg12: memref<!tpu.dma_semaphore, #tpu.memory_space<semaphore_mem>>, %arg13: memref<!tpu.dma_semaphore, #tpu.memory_space<semaphore_mem>>, %arg14: memref<!tpu.dma_semaphore, #tpu.memory_space<semaphore_mem>>, %arg15: memref<!tpu.dma_semaphore, #tpu.memory_space<semaphore_mem>>) attributes {dimension_semantics = [#tpu.dimension_semantics<core_parallel>, #tpu.dimension_semantics<subcore_parallel>], iteration_bounds = array<i64: 2, 16>, scalar_prefetch = 0 : i64, scratch_operands = 9 : i64, tpu.core_type = #tpu.core_type<sc_vector_subcore>, window_params = [{transform_indices = #map}, {transform_indices = #map1}, {transform_indices = #map1}, {transform_indices = #map}, {transform_indices = #map1}]} {
    %mul3A = arith.constant 16 : i32
    %mul3A_0 = arith.muli %arg0, %mul3A : i32
    %add3A = arith.addi %mul3A_0, %arg1 : i32
    %mul3A_1 = arith.constant 624 : i32
    %mul3A_2 = arith.muli %arg1, %mul3A_1 : i32
    "tpu.region"() ({
      %run_scoped3A = tpu.sem_alloc : memref<!tpu.dma_semaphore, #tpu.memory_space<semaphore_mem>>
      %dma_start3A_72 = arith.constant 0 : i32
      %dma_start3A_73 = tpu.memref_slice %arg11[%mul3A_2, %dma_start3A_72] : memref<10016x32xf32, #tpu.memory_space<vmem_shared>> -> memref<624x32xf32, #tpu.memory_space<vmem_shared>>
      %dma_start3A_74 = arith.constant 0 : i32
      %dma_start3A_75 = tpu.memref_slice %arg5[%mul3A_2, %dma_start3A_74] : memref<10016x32xf32, #tpu.memory_space<hbm>> -> memref<624x32xf32, #tpu.memory_space<hbm>>
      tpu.enqueue_dma source(%dma_start3A_75 : memref<624x32xf32, #tpu.memory_space<hbm>>) target(%dma_start3A_73 : memref<624x32xf32, #tpu.memory_space<vmem_shared>>) target_semaphore(%run_scoped3A : memref<!tpu.dma_semaphore, #tpu.memory_space<semaphore_mem>>)
      %dma_wait3A_76 = arith.constant 0 : i32
      %dma_wait3A_77 = tpu.memref_slice %arg11[%mul3A_2, %dma_wait3A_76] : memref<10016x32xf32, #tpu.memory_space<vmem_shared>> -> memref<624x32xf32, #tpu.memory_space<vmem_shared>>
      %dma_wait3A_78 = arith.constant 0 : i32
      %dma_wait3A_79 = tpu.memref_slice %arg5[%mul3A_2, %dma_wait3A_78] : memref<10016x32xf32, #tpu.memory_space<hbm>> -> memref<624x32xf32, #tpu.memory_space<hbm>>
      tpu.wait_dma2 semaphore(%run_scoped3A : memref<!tpu.dma_semaphore, #tpu.memory_space<semaphore_mem>>) src(%dma_wait3A_79 : memref<624x32xf32, #tpu.memory_space<hbm>>) dst(%dma_wait3A_77 : memref<624x32xf32, #tpu.memory_space<vmem_shared>>)
      tpu.yield
    }) : () -> ()
    %eq3A = arith.constant 15 : i32
    %eq3A_3 = arith.cmpi eq, %arg1, %eq3A : i32
    %convert_element_type3A = arith.extui %eq3A_3 : i1 to i32
    %cond3A = arith.constant 0 : i32
    %cond3A_4 = arith.cmpi ne, %convert_element_type3A, %cond3A : i32
    scf.if %cond3A_4 {
      "tpu.region"() ({
        %run_scoped3A = tpu.sem_alloc : memref<!tpu.dma_semaphore, #tpu.memory_space<semaphore_mem>>
        %dma_start3A_72 = arith.constant 9984 : i32
        %dma_start3A_73 = arith.constant 0 : i32
        %dma_start3A_74 = tpu.memref_slice %arg11[%dma_start3A_72, %dma_start3A_73] : memref<10016x32xf32, #tpu.memory_space<vmem_shared>> -> memref<32x32xf32, #tpu.memory_space<vmem_shared>>
        %dma_start3A_75 = arith.constant 9984 : i32
        %dma_start3A_76 = arith.constant 0 : i32
        %dma_start3A_77 = tpu.memref_slice %arg5[%dma_start3A_75, %dma_start3A_76] : memref<10016x32xf32, #tpu.memory_space<hbm>> -> memref<32x32xf32, #tpu.memory_space<hbm>>
        tpu.enqueue_dma source(%dma_start3A_77 : memref<32x32xf32, #tpu.memory_space<hbm>>) target(%dma_start3A_74 : memref<32x32xf32, #tpu.memory_space<vmem_shared>>) target_semaphore(%run_scoped3A : memref<!tpu.dma_semaphore, #tpu.memory_space<semaphore_mem>>)
        %dma_wait3A_78 = arith.constant 9984 : i32
        %dma_wait3A_79 = arith.constant 0 : i32
        %dma_wait3A_80 = tpu.memref_slice %arg11[%dma_wait3A_78, %dma_wait3A_79] : memref<10016x32xf32, #tpu.memory_space<vmem_shared>> -> memref<32x32xf32, #tpu.memory_space<vmem_shared>>
        %dma_wait3A_81 = arith.constant 9984 : i32
        %dma_wait3A_82 = arith.constant 0 : i32
        %dma_wait3A_83 = tpu.memref_slice %arg5[%dma_wait3A_81, %dma_wait3A_82] : memref<10016x32xf32, #tpu.memory_space<hbm>> -> memref<32x32xf32, #tpu.memory_space<hbm>>
        tpu.wait_dma2 semaphore(%run_scoped3A : memref<!tpu.dma_semaphore, #tpu.memory_space<semaphore_mem>>) src(%dma_wait3A_83 : memref<32x32xf32, #tpu.memory_space<hbm>>) dst(%dma_wait3A_80 : memref<32x32xf32, #tpu.memory_space<vmem_shared>>)
        tpu.yield
      }) : () -> ()
    } else {
    }
    "tpu.region"() ({
      %run_scoped3A = tpu.sem_alloc : memref<!tpu.dma_semaphore, #tpu.memory_space<semaphore_mem>>
      %dma_start3A_72 = arith.constant 0 : i32
      %dma_start3A_73 = arith.constant 0 : i32
      %dma_start3A_74 = tpu.memref_slice %arg3[%add3A, %dma_start3A_72, %dma_start3A_73] : memref<32x80x128xi32, #tpu.memory_space<hbm>> -> memref<1x80x128xi32, #tpu.memory_space<hbm>>
      %dma_start3A_75 = tpu.memref_squeeze %dma_start3A_74 : memref<1x80x128xi32, #tpu.memory_space<hbm>> -> memref<80x128xi32, #tpu.memory_space<hbm>>
      %dma_start3A_76 = arith.constant 0 : i32
      %dma_start3A_77 = arith.constant 0 : i32
      %dma_start3A_78 = tpu.memref_slice %arg3[%add3A, %dma_start3A_76, %dma_start3A_77] : memref<32x80x128xi32, #tpu.memory_space<hbm>> -> memref<1x80x128xi32, #tpu.memory_space<hbm>>
      %dma_start3A_79 = tpu.memref_squeeze %dma_start3A_78 : memref<1x80x128xi32, #tpu.memory_space<hbm>> -> memref<80x128xi32, #tpu.memory_space<hbm>>
      tpu.enqueue_dma source(%dma_start3A_79 : memref<80x128xi32, #tpu.memory_space<hbm>>) target(%arg7 : memref<80x128xi32, #tpu.memory_space<vmem>>) target_semaphore(%run_scoped3A : memref<!tpu.dma_semaphore, #tpu.memory_space<semaphore_mem>>)
      %dma_wait3A_80 = arith.constant 0 : i32
      %dma_wait3A_81 = arith.constant 0 : i32
      %dma_wait3A_82 = tpu.memref_slice %arg3[%add3A, %dma_wait3A_80, %dma_wait3A_81] : memref<32x80x128xi32, #tpu.memory_space<hbm>> -> memref<1x80x128xi32, #tpu.memory_space<hbm>>
      %dma_wait3A_83 = tpu.memref_squeeze %dma_wait3A_82 : memref<1x80x128xi32, #tpu.memory_space<hbm>> -> memref<80x128xi32, #tpu.memory_space<hbm>>
      %dma_wait3A_84 = arith.constant 0 : i32
      %dma_wait3A_85 = arith.constant 0 : i32
      %dma_wait3A_86 = tpu.memref_slice %arg3[%add3A, %dma_wait3A_84, %dma_wait3A_85] : memref<32x80x128xi32, #tpu.memory_space<hbm>> -> memref<1x80x128xi32, #tpu.memory_space<hbm>>
      %dma_wait3A_87 = tpu.memref_squeeze %dma_wait3A_86 : memref<1x80x128xi32, #tpu.memory_space<hbm>> -> memref<80x128xi32, #tpu.memory_space<hbm>>
      tpu.wait_dma2 semaphore(%run_scoped3A : memref<!tpu.dma_semaphore, #tpu.memory_space<semaphore_mem>>) src(%dma_wait3A_87 : memref<80x128xi32, #tpu.memory_space<hbm>>) dst(%arg7 : memref<80x128xi32, #tpu.memory_space<vmem>>)
      tpu.yield
    }) : () -> ()
    "tpu.region"() ({
      %run_scoped3A = tpu.sem_alloc : memref<!tpu.dma_semaphore, #tpu.memory_space<semaphore_mem>>
      %dma_start3A_72 = arith.constant 0 : i32
      %dma_start3A_73 = arith.constant 0 : i32
      %dma_start3A_74 = tpu.memref_slice %arg4[%add3A, %dma_start3A_72, %dma_start3A_73] : memref<32x80x128xi32, #tpu.memory_space<hbm>> -> memref<1x80x128xi32, #tpu.memory_space<hbm>>
      %dma_start3A_75 = tpu.memref_squeeze %dma_start3A_74 : memref<1x80x128xi32, #tpu.memory_space<hbm>> -> memref<80x128xi32, #tpu.memory_space<hbm>>
      %dma_start3A_76 = arith.constant 0 : i32
      %dma_start3A_77 = arith.constant 0 : i32
      %dma_start3A_78 = tpu.memref_slice %arg4[%add3A, %dma_start3A_76, %dma_start3A_77] : memref<32x80x128xi32, #tpu.memory_space<hbm>> -> memref<1x80x128xi32, #tpu.memory_space<hbm>>
      %dma_start3A_79 = tpu.memref_squeeze %dma_start3A_78 : memref<1x80x128xi32, #tpu.memory_space<hbm>> -> memref<80x128xi32, #tpu.memory_space<hbm>>
      tpu.enqueue_dma source(%dma_start3A_79 : memref<80x128xi32, #tpu.memory_space<hbm>>) target(%arg8 : memref<80x128xi32, #tpu.memory_space<vmem>>) target_semaphore(%run_scoped3A : memref<!tpu.dma_semaphore, #tpu.memory_space<semaphore_mem>>)
      %dma_wait3A_80 = arith.constant 0 : i32
      %dma_wait3A_81 = arith.constant 0 : i32
      %dma_wait3A_82 = tpu.memref_slice %arg4[%add3A, %dma_wait3A_80, %dma_wait3A_81] : memref<32x80x128xi32, #tpu.memory_space<hbm>> -> memref<1x80x128xi32, #tpu.memory_space<hbm>>
      %dma_wait3A_83 = tpu.memref_squeeze %dma_wait3A_82 : memref<1x80x128xi32, #tpu.memory_space<hbm>> -> memref<80x128xi32, #tpu.memory_space<hbm>>
      %dma_wait3A_84 = arith.constant 0 : i32
      %dma_wait3A_85 = arith.constant 0 : i32
      %dma_wait3A_86 = tpu.memref_slice %arg4[%add3A, %dma_wait3A_84, %dma_wait3A_85] : memref<32x80x128xi32, #tpu.memory_space<hbm>> -> memref<1x80x128xi32, #tpu.memory_space<hbm>>
      %dma_wait3A_87 = tpu.memref_squeeze %dma_wait3A_86 : memref<1x80x128xi32, #tpu.memory_space<hbm>> -> memref<80x128xi32, #tpu.memory_space<hbm>>
      tpu.wait_dma2 semaphore(%run_scoped3A : memref<!tpu.dma_semaphore, #tpu.memory_space<semaphore_mem>>) src(%dma_wait3A_87 : memref<80x128xi32, #tpu.memory_space<hbm>>) dst(%arg8 : memref<80x128xi32, #tpu.memory_space<vmem>>)
      tpu.yield
    }) : () -> ()
    %barrier3A = arith.constant 0 : index
    tpu.barrier barrier_id(%barrier3A)
    %dma_start3A = arith.constant 0 : i32
    %dma_start3A_5 = arith.constant 0 : i32
    %dma_start3A_6 = tpu.memref_slice %arg7[%dma_start3A, %dma_start3A_5] : memref<80x128xi32, #tpu.memory_space<vmem>> -> memref<1x128xi32, #tpu.memory_space<vmem>>
    %dma_start3A_7 = tpu.memref_squeeze %dma_start3A_6 : memref<1x128xi32, #tpu.memory_space<vmem>> -> memref<128xi32, #tpu.memory_space<vmem>>
    %dma_start3A_8 = arith.constant 0 : i32
    %dma_start3A_9 = arith.constant 0 : i32
    %dma_start3A_10 = tpu.memref_slice %arg2[%dma_start3A_8, %dma_start3A_9] : memref<10000x32xf32, #tpu.memory_space<hbm>> -> memref<10000x32xf32, #tpu.memory_space<hbm>>
    tpu.enqueue_indirect_dma source(%dma_start3A_10 : memref<10000x32xf32, #tpu.memory_space<hbm>>) target(%arg9 : memref<128x32xf32, #tpu.memory_space<vmem>>) offsets(%dma_start3A_7 : memref<128xi32, #tpu.memory_space<vmem>>) semaphore(%arg12 : memref<!tpu.dma_semaphore, #tpu.memory_space<semaphore_mem>>)
    %dma_start3A_11 = arith.constant 1 : i32
    %dma_start3A_12 = arith.constant 0 : i32
    %dma_start3A_13 = tpu.memref_slice %arg7[%dma_start3A_11, %dma_start3A_12] : memref<80x128xi32, #tpu.memory_space<vmem>> -> memref<1x128xi32, #tpu.memory_space<vmem>>
    %dma_start3A_14 = tpu.memref_squeeze %dma_start3A_13 : memref<1x128xi32, #tpu.memory_space<vmem>> -> memref<128xi32, #tpu.memory_space<vmem>>
    %dma_start3A_15 = arith.constant 0 : i32
    %dma_start3A_16 = arith.constant 0 : i32
    %dma_start3A_17 = tpu.memref_slice %arg2[%dma_start3A_15, %dma_start3A_16] : memref<10000x32xf32, #tpu.memory_space<hbm>> -> memref<10000x32xf32, #tpu.memory_space<hbm>>
    tpu.enqueue_indirect_dma source(%dma_start3A_17 : memref<10000x32xf32, #tpu.memory_space<hbm>>) target(%arg10 : memref<128x32xf32, #tpu.memory_space<vmem>>) offsets(%dma_start3A_14 : memref<128xi32, #tpu.memory_space<vmem>>) semaphore(%arg13 : memref<!tpu.dma_semaphore, #tpu.memory_space<semaphore_mem>>)
    %scan3A = arith.constant 0 : i32
    %scan3A_18 = arith.constant 0 : i32
    %scan3A_19 = arith.constant 39 : i32
    %scan3A_20 = arith.addi %scan3A_18, %scan3A_19 : i32
    %scan3A_21 = arith.constant 1 : i32
    scf.for %scan3A_72 = %scan3A_18 to %scan3A_20 step %scan3A_21  : i32 {
      %mul3A_73 = arith.constant 2 : i32
      %mul3A_74 = arith.muli %mul3A_73, %scan3A_72 : i32
      %dma_wait3A_75 = arith.constant 0 : i32
      %dma_wait3A_76 = tpu.memref_slice %arg7[%mul3A_74, %dma_wait3A_75] : memref<80x128xi32, #tpu.memory_space<vmem>> -> memref<1x128xi32, #tpu.memory_space<vmem>>
      %dma_wait3A_77 = tpu.memref_squeeze %dma_wait3A_76 : memref<1x128xi32, #tpu.memory_space<vmem>> -> memref<128xi32, #tpu.memory_space<vmem>>
      %dma_wait3A_78 = arith.constant 0 : i32
      %dma_wait3A_79 = arith.constant 0 : i32
      %dma_wait3A_80 = tpu.memref_slice %arg2[%dma_wait3A_78, %dma_wait3A_79] : memref<10000x32xf32, #tpu.memory_space<hbm>> -> memref<10000x32xf32, #tpu.memory_space<hbm>>
      tpu.wait_indirect_dma semaphore(%arg12 : memref<!tpu.dma_semaphore, #tpu.memory_space<semaphore_mem>>) src(%dma_wait3A_80 : memref<10000x32xf32, #tpu.memory_space<hbm>>) dst(%arg9 : memref<128x32xf32, #tpu.memory_space<vmem>>)
      %dma_start3A_81 = arith.constant 0 : i32
      %dma_start3A_82 = tpu.memref_slice %arg8[%mul3A_74, %dma_start3A_81] : memref<80x128xi32, #tpu.memory_space<vmem>> -> memref<1x128xi32, #tpu.memory_space<vmem>>
      %dma_start3A_83 = tpu.memref_squeeze %dma_start3A_82 : memref<1x128xi32, #tpu.memory_space<vmem>> -> memref<128xi32, #tpu.memory_space<vmem>>
      %dma_start3A_84 = arith.constant 0 : i32
      %dma_start3A_85 = arith.constant 0 : i32
      %dma_start3A_86 = tpu.memref_slice %arg11[%dma_start3A_84, %dma_start3A_85] : memref<10016x32xf32, #tpu.memory_space<vmem_shared>> -> memref<10016x32xf32, #tpu.memory_space<vmem_shared>>
      tpu.enqueue_indirect_dma source(%arg9 : memref<128x32xf32, #tpu.memory_space<vmem>>) target(%dma_start3A_86 : memref<10016x32xf32, #tpu.memory_space<vmem_shared>>) offsets(%dma_start3A_83 : memref<128xi32, #tpu.memory_space<vmem>>) semaphore(%arg14 : memref<!tpu.dma_semaphore, #tpu.memory_space<semaphore_mem>>) {add = true}
      %add3A_87 = arith.constant 1 : i32
      %add3A_88 = arith.addi %mul3A_74, %add3A_87 : i32
      %dma_wait3A_89 = arith.constant 0 : i32
      %dma_wait3A_90 = tpu.memref_slice %arg7[%add3A_88, %dma_wait3A_89] : memref<80x128xi32, #tpu.memory_space<vmem>> -> memref<1x128xi32, #tpu.memory_space<vmem>>
      %dma_wait3A_91 = tpu.memref_squeeze %dma_wait3A_90 : memref<1x128xi32, #tpu.memory_space<vmem>> -> memref<128xi32, #tpu.memory_space<vmem>>
      %dma_wait3A_92 = arith.constant 0 : i32
      %dma_wait3A_93 = arith.constant 0 : i32
      %dma_wait3A_94 = tpu.memref_slice %arg2[%dma_wait3A_92, %dma_wait3A_93] : memref<10000x32xf32, #tpu.memory_space<hbm>> -> memref<10000x32xf32, #tpu.memory_space<hbm>>
      tpu.wait_indirect_dma semaphore(%arg13 : memref<!tpu.dma_semaphore, #tpu.memory_space<semaphore_mem>>) src(%dma_wait3A_94 : memref<10000x32xf32, #tpu.memory_space<hbm>>) dst(%arg10 : memref<128x32xf32, #tpu.memory_space<vmem>>)
      %add3A_95 = arith.constant 1 : i32
      %add3A_96 = arith.addi %mul3A_74, %add3A_95 : i32
      %dma_start3A_97 = arith.constant 0 : i32
      %dma_start3A_98 = tpu.memref_slice %arg8[%add3A_96, %dma_start3A_97] : memref<80x128xi32, #tpu.memory_space<vmem>> -> memref<1x128xi32, #tpu.memory_space<vmem>>
      %dma_start3A_99 = tpu.memref_squeeze %dma_start3A_98 : memref<1x128xi32, #tpu.memory_space<vmem>> -> memref<128xi32, #tpu.memory_space<vmem>>
      %dma_start3A_100 = arith.constant 0 : i32
      %dma_start3A_101 = arith.constant 0 : i32
      %dma_start3A_102 = tpu.memref_slice %arg11[%dma_start3A_100, %dma_start3A_101] : memref<10016x32xf32, #tpu.memory_space<vmem_shared>> -> memref<10016x32xf32, #tpu.memory_space<vmem_shared>>
      tpu.enqueue_indirect_dma source(%arg10 : memref<128x32xf32, #tpu.memory_space<vmem>>) target(%dma_start3A_102 : memref<10016x32xf32, #tpu.memory_space<vmem_shared>>) offsets(%dma_start3A_99 : memref<128xi32, #tpu.memory_space<vmem>>) semaphore(%arg15 : memref<!tpu.dma_semaphore, #tpu.memory_space<semaphore_mem>>) {add = true}
      %dma_wait3A_103 = arith.constant 0 : i32
      %dma_wait3A_104 = tpu.memref_slice %arg8[%mul3A_74, %dma_wait3A_103] : memref<80x128xi32, #tpu.memory_space<vmem>> -> memref<1x128xi32, #tpu.memory_space<vmem>>
      %dma_wait3A_105 = tpu.memref_squeeze %dma_wait3A_104 : memref<1x128xi32, #tpu.memory_space<vmem>> -> memref<128xi32, #tpu.memory_space<vmem>>
      %dma_wait3A_106 = arith.constant 0 : i32
      %dma_wait3A_107 = arith.constant 0 : i32
      %dma_wait3A_108 = tpu.memref_slice %arg11[%dma_wait3A_106, %dma_wait3A_107] : memref<10016x32xf32, #tpu.memory_space<vmem_shared>> -> memref<10016x32xf32, #tpu.memory_space<vmem_shared>>
      tpu.wait_indirect_dma semaphore(%arg14 : memref<!tpu.dma_semaphore, #tpu.memory_space<semaphore_mem>>) src(%arg9 : memref<128x32xf32, #tpu.memory_space<vmem>>) dst(%dma_wait3A_108 : memref<10016x32xf32, #tpu.memory_space<vmem_shared>>)
      %add3A_109 = arith.constant 2 : i32
      %add3A_110 = arith.addi %mul3A_74, %add3A_109 : i32
      %dma_start3A_111 = arith.constant 0 : i32
      %dma_start3A_112 = tpu.memref_slice %arg7[%add3A_110, %dma_start3A_111] : memref<80x128xi32, #tpu.memory_space<vmem>> -> memref<1x128xi32, #tpu.memory_space<vmem>>
      %dma_start3A_113 = tpu.memref_squeeze %dma_start3A_112 : memref<1x128xi32, #tpu.memory_space<vmem>> -> memref<128xi32, #tpu.memory_space<vmem>>
      %dma_start3A_114 = arith.constant 0 : i32
      %dma_start3A_115 = arith.constant 0 : i32
      %dma_start3A_116 = tpu.memref_slice %arg2[%dma_start3A_114, %dma_start3A_115] : memref<10000x32xf32, #tpu.memory_space<hbm>> -> memref<10000x32xf32, #tpu.memory_space<hbm>>
      tpu.enqueue_indirect_dma source(%dma_start3A_116 : memref<10000x32xf32, #tpu.memory_space<hbm>>) target(%arg9 : memref<128x32xf32, #tpu.memory_space<vmem>>) offsets(%dma_start3A_113 : memref<128xi32, #tpu.memory_space<vmem>>) semaphore(%arg12 : memref<!tpu.dma_semaphore, #tpu.memory_space<semaphore_mem>>)
      %add3A_117 = arith.constant 1 : i32
      %add3A_118 = arith.addi %mul3A_74, %add3A_117 : i32
      %dma_wait3A_119 = arith.constant 0 : i32
      %dma_wait3A_120 = tpu.memref_slice %arg8[%add3A_118, %dma_wait3A_119] : memref<80x128xi32, #tpu.memory_space<vmem>> -> memref<1x128xi32, #tpu.memory_space<vmem>>
      %dma_wait3A_121 = tpu.memref_squeeze %dma_wait3A_120 : memref<1x128xi32, #tpu.memory_space<vmem>> -> memref<128xi32, #tpu.memory_space<vmem>>
      %dma_wait3A_122 = arith.constant 0 : i32
      %dma_wait3A_123 = arith.constant 0 : i32
      %dma_wait3A_124 = tpu.memref_slice %arg11[%dma_wait3A_122, %dma_wait3A_123] : memref<10016x32xf32, #tpu.memory_space<vmem_shared>> -> memref<10016x32xf32, #tpu.memory_space<vmem_shared>>
      tpu.wait_indirect_dma semaphore(%arg15 : memref<!tpu.dma_semaphore, #tpu.memory_space<semaphore_mem>>) src(%arg10 : memref<128x32xf32, #tpu.memory_space<vmem>>) dst(%dma_wait3A_124 : memref<10016x32xf32, #tpu.memory_space<vmem_shared>>)
      %add3A_125 = arith.constant 3 : i32
      %add3A_126 = arith.addi %mul3A_74, %add3A_125 : i32
      %dma_start3A_127 = arith.constant 0 : i32
      %dma_start3A_128 = tpu.memref_slice %arg7[%add3A_126, %dma_start3A_127] : memref<80x128xi32, #tpu.memory_space<vmem>> -> memref<1x128xi32, #tpu.memory_space<vmem>>
      %dma_start3A_129 = tpu.memref_squeeze %dma_start3A_128 : memref<1x128xi32, #tpu.memory_space<vmem>> -> memref<128xi32, #tpu.memory_space<vmem>>
      %dma_start3A_130 = arith.constant 0 : i32
      %dma_start3A_131 = arith.constant 0 : i32
      %dma_start3A_132 = tpu.memref_slice %arg2[%dma_start3A_130, %dma_start3A_131] : memref<10000x32xf32, #tpu.memory_space<hbm>> -> memref<10000x32xf32, #tpu.memory_space<hbm>>
      tpu.enqueue_indirect_dma source(%dma_start3A_132 : memref<10000x32xf32, #tpu.memory_space<hbm>>) target(%arg10 : memref<128x32xf32, #tpu.memory_space<vmem>>) offsets(%dma_start3A_129 : memref<128xi32, #tpu.memory_space<vmem>>) semaphore(%arg13 : memref<!tpu.dma_semaphore, #tpu.memory_space<semaphore_mem>>)
    }
    %scan3A_22 = arith.constant 39 : i32
    %dma_wait3A = arith.constant 78 : i32
    %dma_wait3A_23 = arith.constant 0 : i32
    %dma_wait3A_24 = tpu.memref_slice %arg7[%dma_wait3A, %dma_wait3A_23] : memref<80x128xi32, #tpu.memory_space<vmem>> -> memref<1x128xi32, #tpu.memory_space<vmem>>
    %dma_wait3A_25 = tpu.memref_squeeze %dma_wait3A_24 : memref<1x128xi32, #tpu.memory_space<vmem>> -> memref<128xi32, #tpu.memory_space<vmem>>
    %dma_wait3A_26 = arith.constant 0 : i32
    %dma_wait3A_27 = arith.constant 0 : i32
    %dma_wait3A_28 = tpu.memref_slice %arg2[%dma_wait3A_26, %dma_wait3A_27] : memref<10000x32xf32, #tpu.memory_space<hbm>> -> memref<10000x32xf32, #tpu.memory_space<hbm>>
    tpu.wait_indirect_dma semaphore(%arg12 : memref<!tpu.dma_semaphore, #tpu.memory_space<semaphore_mem>>) src(%dma_wait3A_28 : memref<10000x32xf32, #tpu.memory_space<hbm>>) dst(%arg9 : memref<128x32xf32, #tpu.memory_space<vmem>>)
    %dma_start3A_29 = arith.constant 78 : i32
    %dma_start3A_30 = arith.constant 0 : i32
    %dma_start3A_31 = tpu.memref_slice %arg8[%dma_start3A_29, %dma_start3A_30] : memref<80x128xi32, #tpu.memory_space<vmem>> -> memref<1x128xi32, #tpu.memory_space<vmem>>
    %dma_start3A_32 = tpu.memref_squeeze %dma_start3A_31 : memref<1x128xi32, #tpu.memory_space<vmem>> -> memref<128xi32, #tpu.memory_space<vmem>>
    %dma_start3A_33 = arith.constant 0 : i32
    %dma_start3A_34 = arith.constant 0 : i32
    %dma_start3A_35 = tpu.memref_slice %arg11[%dma_start3A_33, %dma_start3A_34] : memref<10016x32xf32, #tpu.memory_space<vmem_shared>> -> memref<10016x32xf32, #tpu.memory_space<vmem_shared>>
    tpu.enqueue_indirect_dma source(%arg9 : memref<128x32xf32, #tpu.memory_space<vmem>>) target(%dma_start3A_35 : memref<10016x32xf32, #tpu.memory_space<vmem_shared>>) offsets(%dma_start3A_32 : memref<128xi32, #tpu.memory_space<vmem>>) semaphore(%arg14 : memref<!tpu.dma_semaphore, #tpu.memory_space<semaphore_mem>>) {add = true}
    %dma_wait3A_36 = arith.constant 79 : i32
    %dma_wait3A_37 = arith.constant 0 : i32
    %dma_wait3A_38 = tpu.memref_slice %arg7[%dma_wait3A_36, %dma_wait3A_37] : memref<80x128xi32, #tpu.memory_space<vmem>> -> memref<1x128xi32, #tpu.memory_space<vmem>>
    %dma_wait3A_39 = tpu.memref_squeeze %dma_wait3A_38 : memref<1x128xi32, #tpu.memory_space<vmem>> -> memref<128xi32, #tpu.memory_space<vmem>>
    %dma_wait3A_40 = arith.constant 0 : i32
    %dma_wait3A_41 = arith.constant 0 : i32
    %dma_wait3A_42 = tpu.memref_slice %arg2[%dma_wait3A_40, %dma_wait3A_41] : memref<10000x32xf32, #tpu.memory_space<hbm>> -> memref<10000x32xf32, #tpu.memory_space<hbm>>
    tpu.wait_indirect_dma semaphore(%arg13 : memref<!tpu.dma_semaphore, #tpu.memory_space<semaphore_mem>>) src(%dma_wait3A_42 : memref<10000x32xf32, #tpu.memory_space<hbm>>) dst(%arg10 : memref<128x32xf32, #tpu.memory_space<vmem>>)
    %dma_start3A_43 = arith.constant 79 : i32
    %dma_start3A_44 = arith.constant 0 : i32
    %dma_start3A_45 = tpu.memref_slice %arg8[%dma_start3A_43, %dma_start3A_44] : memref<80x128xi32, #tpu.memory_space<vmem>> -> memref<1x128xi32, #tpu.memory_space<vmem>>
    %dma_start3A_46 = tpu.memref_squeeze %dma_start3A_45 : memref<1x128xi32, #tpu.memory_space<vmem>> -> memref<128xi32, #tpu.memory_space<vmem>>
    %dma_start3A_47 = arith.constant 0 : i32
    %dma_start3A_48 = arith.constant 0 : i32
    %dma_start3A_49 = tpu.memref_slice %arg11[%dma_start3A_47, %dma_start3A_48] : memref<10016x32xf32, #tpu.memory_space<vmem_shared>> -> memref<10016x32xf32, #tpu.memory_space<vmem_shared>>
    tpu.enqueue_indirect_dma source(%arg10 : memref<128x32xf32, #tpu.memory_space<vmem>>) target(%dma_start3A_49 : memref<10016x32xf32, #tpu.memory_space<vmem_shared>>) offsets(%dma_start3A_46 : memref<128xi32, #tpu.memory_space<vmem>>) semaphore(%arg15 : memref<!tpu.dma_semaphore, #tpu.memory_space<semaphore_mem>>) {add = true}
    %dma_wait3A_50 = arith.constant 78 : i32
    %dma_wait3A_51 = arith.constant 0 : i32
    %dma_wait3A_52 = tpu.memref_slice %arg8[%dma_wait3A_50, %dma_wait3A_51] : memref<80x128xi32, #tpu.memory_space<vmem>> -> memref<1x128xi32, #tpu.memory_space<vmem>>
    %dma_wait3A_53 = tpu.memref_squeeze %dma_wait3A_52 : memref<1x128xi32, #tpu.memory_space<vmem>> -> memref<128xi32, #tpu.memory_space<vmem>>
    %dma_wait3A_54 = arith.constant 0 : i32
    %dma_wait3A_55 = arith.constant 0 : i32
    %dma_wait3A_56 = tpu.memref_slice %arg11[%dma_wait3A_54, %dma_wait3A_55] : memref<10016x32xf32, #tpu.memory_space<vmem_shared>> -> memref<10016x32xf32, #tpu.memory_space<vmem_shared>>
    tpu.wait_indirect_dma semaphore(%arg14 : memref<!tpu.dma_semaphore, #tpu.memory_space<semaphore_mem>>) src(%arg9 : memref<128x32xf32, #tpu.memory_space<vmem>>) dst(%dma_wait3A_56 : memref<10016x32xf32, #tpu.memory_space<vmem_shared>>)
    %dma_wait3A_57 = arith.constant 79 : i32
    %dma_wait3A_58 = arith.constant 0 : i32
    %dma_wait3A_59 = tpu.memref_slice %arg8[%dma_wait3A_57, %dma_wait3A_58] : memref<80x128xi32, #tpu.memory_space<vmem>> -> memref<1x128xi32, #tpu.memory_space<vmem>>
    %dma_wait3A_60 = tpu.memref_squeeze %dma_wait3A_59 : memref<1x128xi32, #tpu.memory_space<vmem>> -> memref<128xi32, #tpu.memory_space<vmem>>
    %dma_wait3A_61 = arith.constant 0 : i32
    %dma_wait3A_62 = arith.constant 0 : i32
    %dma_wait3A_63 = tpu.memref_slice %arg11[%dma_wait3A_61, %dma_wait3A_62] : memref<10016x32xf32, #tpu.memory_space<vmem_shared>> -> memref<10016x32xf32, #tpu.memory_space<vmem_shared>>
    tpu.wait_indirect_dma semaphore(%arg15 : memref<!tpu.dma_semaphore, #tpu.memory_space<semaphore_mem>>) src(%arg10 : memref<128x32xf32, #tpu.memory_space<vmem>>) dst(%dma_wait3A_63 : memref<10016x32xf32, #tpu.memory_space<vmem_shared>>)
    %barrier3A_64 = arith.constant 0 : index
    tpu.barrier barrier_id(%barrier3A_64)
    %mul3A_65 = arith.constant 624 : i32
    %mul3A_66 = arith.muli %arg1, %mul3A_65 : i32
    "tpu.region"() ({
      %run_scoped3A = tpu.sem_alloc : memref<!tpu.dma_semaphore, #tpu.memory_space<semaphore_mem>>
      %dma_start3A_72 = arith.constant 0 : i32
      %dma_start3A_73 = tpu.memref_slice %arg6[%arg0, %mul3A_66, %dma_start3A_72] : memref<2x10000x32xf32, #tpu.memory_space<hbm>> -> memref<1x624x32xf32, #tpu.memory_space<hbm>>
      %dma_start3A_74 = tpu.memref_squeeze %dma_start3A_73 : memref<1x624x32xf32, #tpu.memory_space<hbm>> -> memref<624x32xf32, #tpu.memory_space<hbm>>
      %dma_start3A_75 = arith.constant 0 : i32
      %dma_start3A_76 = tpu.memref_slice %arg11[%mul3A_66, %dma_start3A_75] : memref<10016x32xf32, #tpu.memory_space<vmem_shared>> -> memref<624x32xf32, #tpu.memory_space<vmem_shared>>
      tpu.enqueue_dma source(%dma_start3A_76 : memref<624x32xf32, #tpu.memory_space<vmem_shared>>) target(%dma_start3A_74 : memref<624x32xf32, #tpu.memory_space<hbm>>) target_semaphore(%run_scoped3A : memref<!tpu.dma_semaphore, #tpu.memory_space<semaphore_mem>>)
      %dma_wait3A_77 = arith.constant 0 : i32
      %dma_wait3A_78 = tpu.memref_slice %arg6[%arg0, %mul3A_66, %dma_wait3A_77] : memref<2x10000x32xf32, #tpu.memory_space<hbm>> -> memref<1x624x32xf32, #tpu.memory_space<hbm>>
      %dma_wait3A_79 = tpu.memref_squeeze %dma_wait3A_78 : memref<1x624x32xf32, #tpu.memory_space<hbm>> -> memref<624x32xf32, #tpu.memory_space<hbm>>
      %dma_wait3A_80 = arith.constant 0 : i32
      %dma_wait3A_81 = tpu.memref_slice %arg11[%mul3A_66, %dma_wait3A_80] : memref<10016x32xf32, #tpu.memory_space<vmem_shared>> -> memref<624x32xf32, #tpu.memory_space<vmem_shared>>
      tpu.wait_dma2 semaphore(%run_scoped3A : memref<!tpu.dma_semaphore, #tpu.memory_space<semaphore_mem>>) src(%dma_wait3A_81 : memref<624x32xf32, #tpu.memory_space<vmem_shared>>) dst(%dma_wait3A_79 : memref<624x32xf32, #tpu.memory_space<hbm>>)
      tpu.yield
    }) : () -> ()
    %eq3A_67 = arith.constant 15 : i32
    %eq3A_68 = arith.cmpi eq, %arg1, %eq3A_67 : i32
    %convert_element_type3A_69 = arith.extui %eq3A_68 : i1 to i32
    %cond3A_70 = arith.constant 0 : i32
    %cond3A_71 = arith.cmpi ne, %convert_element_type3A_69, %cond3A_70 : i32
    scf.if %cond3A_71 {
      "tpu.region"() ({
        %run_scoped3A = tpu.sem_alloc : memref<!tpu.dma_semaphore, #tpu.memory_space<semaphore_mem>>
        %dma_start3A_72 = arith.constant 9984 : i32
        %dma_start3A_73 = arith.constant 0 : i32
        %dma_start3A_74 = tpu.memref_slice %arg6[%arg0, %dma_start3A_72, %dma_start3A_73] : memref<2x10000x32xf32, #tpu.memory_space<hbm>> -> memref<1x16x32xf32, #tpu.memory_space<hbm>>
        %dma_start3A_75 = tpu.memref_squeeze %dma_start3A_74 : memref<1x16x32xf32, #tpu.memory_space<hbm>> -> memref<16x32xf32, #tpu.memory_space<hbm>>
        %dma_start3A_76 = arith.constant 9984 : i32
        %dma_start3A_77 = arith.constant 0 : i32
        %dma_start3A_78 = tpu.memref_slice %arg11[%dma_start3A_76, %dma_start3A_77] : memref<10016x32xf32, #tpu.memory_space<vmem_shared>> -> memref<16x32xf32, #tpu.memory_space<vmem_shared>>
        tpu.enqueue_dma source(%dma_start3A_78 : memref<16x32xf32, #tpu.memory_space<vmem_shared>>) target(%dma_start3A_75 : memref<16x32xf32, #tpu.memory_space<hbm>>) target_semaphore(%run_scoped3A : memref<!tpu.dma_semaphore, #tpu.memory_space<semaphore_mem>>)
        %dma_wait3A_79 = arith.constant 9984 : i32
        %dma_wait3A_80 = arith.constant 0 : i32
        %dma_wait3A_81 = tpu.memref_slice %arg6[%arg0, %dma_wait3A_79, %dma_wait3A_80] : memref<2x10000x32xf32, #tpu.memory_space<hbm>> -> memref<1x16x32xf32, #tpu.memory_space<hbm>>
        %dma_wait3A_82 = tpu.memref_squeeze %dma_wait3A_81 : memref<1x16x32xf32, #tpu.memory_space<hbm>> -> memref<16x32xf32, #tpu.memory_space<hbm>>
        %dma_wait3A_83 = arith.constant 9984 : i32
        %dma_wait3A_84 = arith.constant 0 : i32
        %dma_wait3A_85 = tpu.memref_slice %arg11[%dma_wait3A_83, %dma_wait3A_84] : memref<10016x32xf32, #tpu.memory_space<vmem_shared>> -> memref<16x32xf32, #tpu.memory_space<vmem_shared>>
        tpu.wait_dma2 semaphore(%run_scoped3A : memref<!tpu.dma_semaphore, #tpu.memory_space<semaphore_mem>>) src(%dma_wait3A_85 : memref<16x32xf32, #tpu.memory_space<vmem_shared>>) dst(%dma_wait3A_82 : memref<16x32xf32, #tpu.memory_space<hbm>>)
        tpu.yield
      }) : () -> ()
    } else {
    }
    return
  }
}

#map = affine_map<(d0, d1) -> (0, 0)>
#map1 = affine_map<(d0, d1) -> (0, 0, 0)>
module attributes {stable_mosaic.version = 14 : i64} {
  func.func @_conv_body(%arg0: i32, %arg1: i32, %arg2: memref<10000x32xf32, #tpu.memory_space<hbm>>, %arg3: memref<32x80x128xi32, #tpu.memory_space<hbm>>, %arg4: memref<32x80x128xi32, #tpu.memory_space<hbm>>, %arg5: memref<10016x32xf32, #tpu.memory_space<hbm>>, %arg6: memref<2x10000x32xf32, #tpu.memory_space<hbm>>, %arg7: memref<80x128xi32, #tpu.memory_space<vmem>>, %arg8: memref<80x128xi32, #tpu.memory_space<vmem>>, %arg9: memref<128x32xf32, #tpu.memory_space<vmem>>, %arg10: memref<128x32xf32, #tpu.memory_space<vmem>>, %arg11: memref<10016x32xf32, #tpu.memory_space<vmem_shared>>, %arg12: memref<!tpu.dma_semaphore, #tpu.memory_space<semaphore_mem>>, %arg13: memref<!tpu.dma_semaphore, #tpu.memory_space<semaphore_mem>>, %arg14: memref<!tpu.dma_semaphore, #tpu.memory_space<semaphore_mem>>, %arg15: memref<!tpu.dma_semaphore, #tpu.memory_space<semaphore_mem>>) attributes {dimension_semantics = [#tpu.dimension_semantics<core_parallel>, #tpu.dimension_semantics<subcore_parallel>], iteration_bounds = array<i64: 2, 16>, scalar_prefetch = 0 : i64, scratch_operands = 9 : i64, tpu.core_type = #tpu.core_type<sc_vector_subcore>, window_params = [{transform_indices = #map}, {transform_indices = #map1}, {transform_indices = #map1}, {transform_indices = #map}, {transform_indices = #map1}]} {
    %mul3A = arith.constant 16 : i32
    %mul3A_0 = arith.muli %arg0, %mul3A : i32
    %add3A = arith.addi %mul3A_0, %arg1 : i32
    %mul3A_1 = arith.constant 624 : i32
    %mul3A_2 = arith.muli %arg1, %mul3A_1 : i32
    "tpu.region"() ({
      %run_scoped3A = tpu.sem_alloc : memref<!tpu.dma_semaphore, #tpu.memory_space<semaphore_mem>>
      %dma_start3A_72 = arith.constant 0 : i32
      %dma_start3A_73 = tpu.memref_slice %arg11[%mul3A_2, %dma_start3A_72] : memref<10016x32xf32, #tpu.memory_space<vmem_shared>> -> memref<624x32xf32, #tpu.memory_space<vmem_shared>>
      %dma_start3A_74 = arith.constant 0 : i32
      %dma_start3A_75 = tpu.memref_slice %arg5[%mul3A_2, %dma_start3A_74] : memref<10016x32xf32, #tpu.memory_space<hbm>> -> memref<624x32xf32, #tpu.memory_space<hbm>>
      tpu.enqueue_dma source(%dma_start3A_75 : memref<624x32xf32, #tpu.memory_space<hbm>>) target(%dma_start3A_73 : memref<624x32xf32, #tpu.memory_space<vmem_shared>>) target_semaphore(%run_scoped3A : memref<!tpu.dma_semaphore, #tpu.memory_space<semaphore_mem>>)
      %dma_wait3A_76 = arith.constant 0 : i32
      %dma_wait3A_77 = tpu.memref_slice %arg11[%mul3A_2, %dma_wait3A_76] : memref<10016x32xf32, #tpu.memory_space<vmem_shared>> -> memref<624x32xf32, #tpu.memory_space<vmem_shared>>
      %dma_wait3A_78 = arith.constant 0 : i32
      %dma_wait3A_79 = tpu.memref_slice %arg5[%mul3A_2, %dma_wait3A_78] : memref<10016x32xf32, #tpu.memory_space<hbm>> -> memref<624x32xf32, #tpu.memory_space<hbm>>
      tpu.wait_dma2 semaphore(%run_scoped3A : memref<!tpu.dma_semaphore, #tpu.memory_space<semaphore_mem>>) src(%dma_wait3A_79 : memref<624x32xf32, #tpu.memory_space<hbm>>) dst(%dma_wait3A_77 : memref<624x32xf32, #tpu.memory_space<vmem_shared>>)
      tpu.yield
    }) : () -> ()
    %eq3A = arith.constant 15 : i32
    %eq3A_3 = arith.cmpi eq, %arg1, %eq3A : i32
    %convert_element_type3A = arith.extui %eq3A_3 : i1 to i32
    %cond3A = arith.constant 0 : i32
    %cond3A_4 = arith.cmpi ne, %convert_element_type3A, %cond3A : i32
    scf.if %cond3A_4 {
      "tpu.region"() ({
        %run_scoped3A = tpu.sem_alloc : memref<!tpu.dma_semaphore, #tpu.memory_space<semaphore_mem>>
        %dma_start3A_72 = arith.constant 9984 : i32
        %dma_start3A_73 = arith.constant 0 : i32
        %dma_start3A_74 = tpu.memref_slice %arg11[%dma_start3A_72, %dma_start3A_73] : memref<10016x32xf32, #tpu.memory_space<vmem_shared>> -> memref<32x32xf32, #tpu.memory_space<vmem_shared>>
        %dma_start3A_75 = arith.constant 9984 : i32
        %dma_start3A_76 = arith.constant 0 : i32
        %dma_start3A_77 = tpu.memref_slice %arg5[%dma_start3A_75, %dma_start3A_76] : memref<10016x32xf32, #tpu.memory_space<hbm>> -> memref<32x32xf32, #tpu.memory_space<hbm>>
        tpu.enqueue_dma source(%dma_start3A_77 : memref<32x32xf32, #tpu.memory_space<hbm>>) target(%dma_start3A_74 : memref<32x32xf32, #tpu.memory_space<vmem_shared>>) target_semaphore(%run_scoped3A : memref<!tpu.dma_semaphore, #tpu.memory_space<semaphore_mem>>)
        %dma_wait3A_78 = arith.constant 9984 : i32
        %dma_wait3A_79 = arith.constant 0 : i32
        %dma_wait3A_80 = tpu.memref_slice %arg11[%dma_wait3A_78, %dma_wait3A_79] : memref<10016x32xf32, #tpu.memory_space<vmem_shared>> -> memref<32x32xf32, #tpu.memory_space<vmem_shared>>
        %dma_wait3A_81 = arith.constant 9984 : i32
        %dma_wait3A_82 = arith.constant 0 : i32
        %dma_wait3A_83 = tpu.memref_slice %arg5[%dma_wait3A_81, %dma_wait3A_82] : memref<10016x32xf32, #tpu.memory_space<hbm>> -> memref<32x32xf32, #tpu.memory_space<hbm>>
        tpu.wait_dma2 semaphore(%run_scoped3A : memref<!tpu.dma_semaphore, #tpu.memory_space<semaphore_mem>>) src(%dma_wait3A_83 : memref<32x32xf32, #tpu.memory_space<hbm>>) dst(%dma_wait3A_80 : memref<32x32xf32, #tpu.memory_space<vmem_shared>>)
        tpu.yield
      }) : () -> ()
    } else {
    }
    "tpu.region"() ({
      %run_scoped3A = tpu.sem_alloc : memref<!tpu.dma_semaphore, #tpu.memory_space<semaphore_mem>>
      %dma_start3A_72 = arith.constant 0 : i32
      %dma_start3A_73 = arith.constant 0 : i32
      %dma_start3A_74 = tpu.memref_slice %arg3[%add3A, %dma_start3A_72, %dma_start3A_73] : memref<32x80x128xi32, #tpu.memory_space<hbm>> -> memref<1x80x128xi32, #tpu.memory_space<hbm>>
      %dma_start3A_75 = tpu.memref_squeeze %dma_start3A_74 : memref<1x80x128xi32, #tpu.memory_space<hbm>> -> memref<80x128xi32, #tpu.memory_space<hbm>>
      %dma_start3A_76 = arith.constant 0 : i32
      %dma_start3A_77 = arith.constant 0 : i32
      %dma_start3A_78 = tpu.memref_slice %arg3[%add3A, %dma_start3A_76, %dma_start3A_77] : memref<32x80x128xi32, #tpu.memory_space<hbm>> -> memref<1x80x128xi32, #tpu.memory_space<hbm>>
      %dma_start3A_79 = tpu.memref_squeeze %dma_start3A_78 : memref<1x80x128xi32, #tpu.memory_space<hbm>> -> memref<80x128xi32, #tpu.memory_space<hbm>>
      tpu.enqueue_dma source(%dma_start3A_79 : memref<80x128xi32, #tpu.memory_space<hbm>>) target(%arg7 : memref<80x128xi32, #tpu.memory_space<vmem>>) target_semaphore(%run_scoped3A : memref<!tpu.dma_semaphore, #tpu.memory_space<semaphore_mem>>)
      %dma_wait3A_80 = arith.constant 0 : i32
      %dma_wait3A_81 = arith.constant 0 : i32
      %dma_wait3A_82 = tpu.memref_slice %arg3[%add3A, %dma_wait3A_80, %dma_wait3A_81] : memref<32x80x128xi32, #tpu.memory_space<hbm>> -> memref<1x80x128xi32, #tpu.memory_space<hbm>>
      %dma_wait3A_83 = tpu.memref_squeeze %dma_wait3A_82 : memref<1x80x128xi32, #tpu.memory_space<hbm>> -> memref<80x128xi32, #tpu.memory_space<hbm>>
      %dma_wait3A_84 = arith.constant 0 : i32
      %dma_wait3A_85 = arith.constant 0 : i32
      %dma_wait3A_86 = tpu.memref_slice %arg3[%add3A, %dma_wait3A_84, %dma_wait3A_85] : memref<32x80x128xi32, #tpu.memory_space<hbm>> -> memref<1x80x128xi32, #tpu.memory_space<hbm>>
      %dma_wait3A_87 = tpu.memref_squeeze %dma_wait3A_86 : memref<1x80x128xi32, #tpu.memory_space<hbm>> -> memref<80x128xi32, #tpu.memory_space<hbm>>
      tpu.wait_dma2 semaphore(%run_scoped3A : memref<!tpu.dma_semaphore, #tpu.memory_space<semaphore_mem>>) src(%dma_wait3A_87 : memref<80x128xi32, #tpu.memory_space<hbm>>) dst(%arg7 : memref<80x128xi32, #tpu.memory_space<vmem>>)
      tpu.yield
    }) : () -> ()
    "tpu.region"() ({
      %run_scoped3A = tpu.sem_alloc : memref<!tpu.dma_semaphore, #tpu.memory_space<semaphore_mem>>
      %dma_start3A_72 = arith.constant 0 : i32
      %dma_start3A_73 = arith.constant 0 : i32
      %dma_start3A_74 = tpu.memref_slice %arg4[%add3A, %dma_start3A_72, %dma_start3A_73] : memref<32x80x128xi32, #tpu.memory_space<hbm>> -> memref<1x80x128xi32, #tpu.memory_space<hbm>>
      %dma_start3A_75 = tpu.memref_squeeze %dma_start3A_74 : memref<1x80x128xi32, #tpu.memory_space<hbm>> -> memref<80x128xi32, #tpu.memory_space<hbm>>
      %dma_start3A_76 = arith.constant 0 : i32
      %dma_start3A_77 = arith.constant 0 : i32
      %dma_start3A_78 = tpu.memref_slice %arg4[%add3A, %dma_start3A_76, %dma_start3A_77] : memref<32x80x128xi32, #tpu.memory_space<hbm>> -> memref<1x80x128xi32, #tpu.memory_space<hbm>>
      %dma_start3A_79 = tpu.memref_squeeze %dma_start3A_78 : memref<1x80x128xi32, #tpu.memory_space<hbm>> -> memref<80x128xi32, #tpu.memory_space<hbm>>
      tpu.enqueue_dma source(%dma_start3A_79 : memref<80x128xi32, #tpu.memory_space<hbm>>) target(%arg8 : memref<80x128xi32, #tpu.memory_space<vmem>>) target_semaphore(%run_scoped3A : memref<!tpu.dma_semaphore, #tpu.memory_space<semaphore_mem>>)
      %dma_wait3A_80 = arith.constant 0 : i32
      %dma_wait3A_81 = arith.constant 0 : i32
      %dma_wait3A_82 = tpu.memref_slice %arg4[%add3A, %dma_wait3A_80, %dma_wait3A_81] : memref<32x80x128xi32, #tpu.memory_space<hbm>> -> memref<1x80x128xi32, #tpu.memory_space<hbm>>
      %dma_wait3A_83 = tpu.memref_squeeze %dma_wait3A_82 : memref<1x80x128xi32, #tpu.memory_space<hbm>> -> memref<80x128xi32, #tpu.memory_space<hbm>>
      %dma_wait3A_84 = arith.constant 0 : i32
      %dma_wait3A_85 = arith.constant 0 : i32
      %dma_wait3A_86 = tpu.memref_slice %arg4[%add3A, %dma_wait3A_84, %dma_wait3A_85] : memref<32x80x128xi32, #tpu.memory_space<hbm>> -> memref<1x80x128xi32, #tpu.memory_space<hbm>>
      %dma_wait3A_87 = tpu.memref_squeeze %dma_wait3A_86 : memref<1x80x128xi32, #tpu.memory_space<hbm>> -> memref<80x128xi32, #tpu.memory_space<hbm>>
      tpu.wait_dma2 semaphore(%run_scoped3A : memref<!tpu.dma_semaphore, #tpu.memory_space<semaphore_mem>>) src(%dma_wait3A_87 : memref<80x128xi32, #tpu.memory_space<hbm>>) dst(%arg8 : memref<80x128xi32, #tpu.memory_space<vmem>>)
      tpu.yield
    }) : () -> ()
    %barrier3A = arith.constant 0 : index
    tpu.barrier barrier_id(%barrier3A)
    %dma_start3A = arith.constant 0 : i32
    %dma_start3A_5 = arith.constant 0 : i32
    %dma_start3A_6 = tpu.memref_slice %arg7[%dma_start3A, %dma_start3A_5] : memref<80x128xi32, #tpu.memory_space<vmem>> -> memref<1x128xi32, #tpu.memory_space<vmem>>
    %dma_start3A_7 = tpu.memref_squeeze %dma_start3A_6 : memref<1x128xi32, #tpu.memory_space<vmem>> -> memref<128xi32, #tpu.memory_space<vmem>>
    %dma_start3A_8 = arith.constant 0 : i32
    %dma_start3A_9 = arith.constant 0 : i32
    %dma_start3A_10 = tpu.memref_slice %arg2[%dma_start3A_8, %dma_start3A_9] : memref<10000x32xf32, #tpu.memory_space<hbm>> -> memref<10000x32xf32, #tpu.memory_space<hbm>>
    tpu.enqueue_indirect_dma source(%dma_start3A_10 : memref<10000x32xf32, #tpu.memory_space<hbm>>) target(%arg9 : memref<128x32xf32, #tpu.memory_space<vmem>>) offsets(%dma_start3A_7 : memref<128xi32, #tpu.memory_space<vmem>>) semaphore(%arg12 : memref<!tpu.dma_semaphore, #tpu.memory_space<semaphore_mem>>)
    %dma_start3A_11 = arith.constant 1 : i32
    %dma_start3A_12 = arith.constant 0 : i32
    %dma_start3A_13 = tpu.memref_slice %arg7[%dma_start3A_11, %dma_start3A_12] : memref<80x128xi32, #tpu.memory_space<vmem>> -> memref<1x128xi32, #tpu.memory_space<vmem>>
    %dma_start3A_14 = tpu.memref_squeeze %dma_start3A_13 : memref<1x128xi32, #tpu.memory_space<vmem>> -> memref<128xi32, #tpu.memory_space<vmem>>
    %dma_start3A_15 = arith.constant 0 : i32
    %dma_start3A_16 = arith.constant 0 : i32
    %dma_start3A_17 = tpu.memref_slice %arg2[%dma_start3A_15, %dma_start3A_16] : memref<10000x32xf32, #tpu.memory_space<hbm>> -> memref<10000x32xf32, #tpu.memory_space<hbm>>
    tpu.enqueue_indirect_dma source(%dma_start3A_17 : memref<10000x32xf32, #tpu.memory_space<hbm>>) target(%arg10 : memref<128x32xf32, #tpu.memory_space<vmem>>) offsets(%dma_start3A_14 : memref<128xi32, #tpu.memory_space<vmem>>) semaphore(%arg13 : memref<!tpu.dma_semaphore, #tpu.memory_space<semaphore_mem>>)
    %scan3A = arith.constant 0 : i32
    %scan3A_18 = arith.constant 0 : i32
    %scan3A_19 = arith.constant 39 : i32
    %scan3A_20 = arith.addi %scan3A_18, %scan3A_19 : i32
    %scan3A_21 = arith.constant 1 : i32
    scf.for %scan3A_72 = %scan3A_18 to %scan3A_20 step %scan3A_21  : i32 {
      %mul3A_73 = arith.constant 2 : i32
      %mul3A_74 = arith.muli %mul3A_73, %scan3A_72 : i32
      %dma_wait3A_75 = arith.constant 0 : i32
      %dma_wait3A_76 = tpu.memref_slice %arg7[%mul3A_74, %dma_wait3A_75] : memref<80x128xi32, #tpu.memory_space<vmem>> -> memref<1x128xi32, #tpu.memory_space<vmem>>
      %dma_wait3A_77 = tpu.memref_squeeze %dma_wait3A_76 : memref<1x128xi32, #tpu.memory_space<vmem>> -> memref<128xi32, #tpu.memory_space<vmem>>
      %dma_wait3A_78 = arith.constant 0 : i32
      %dma_wait3A_79 = arith.constant 0 : i32
      %dma_wait3A_80 = tpu.memref_slice %arg2[%dma_wait3A_78, %dma_wait3A_79] : memref<10000x32xf32, #tpu.memory_space<hbm>> -> memref<10000x32xf32, #tpu.memory_space<hbm>>
      tpu.wait_indirect_dma semaphore(%arg12 : memref<!tpu.dma_semaphore, #tpu.memory_space<semaphore_mem>>) src(%dma_wait3A_80 : memref<10000x32xf32, #tpu.memory_space<hbm>>) dst(%arg9 : memref<128x32xf32, #tpu.memory_space<vmem>>)
      %dma_start3A_81 = arith.constant 0 : i32
      %dma_start3A_82 = tpu.memref_slice %arg8[%mul3A_74, %dma_start3A_81] : memref<80x128xi32, #tpu.memory_space<vmem>> -> memref<1x128xi32, #tpu.memory_space<vmem>>
      %dma_start3A_83 = tpu.memref_squeeze %dma_start3A_82 : memref<1x128xi32, #tpu.memory_space<vmem>> -> memref<128xi32, #tpu.memory_space<vmem>>
      %dma_start3A_84 = arith.constant 0 : i32
      %dma_start3A_85 = arith.constant 0 : i32
      %dma_start3A_86 = tpu.memref_slice %arg11[%dma_start3A_84, %dma_start3A_85] : memref<10016x32xf32, #tpu.memory_space<vmem_shared>> -> memref<10016x32xf32, #tpu.memory_space<vmem_shared>>
      tpu.enqueue_indirect_dma source(%arg9 : memref<128x32xf32, #tpu.memory_space<vmem>>) target(%dma_start3A_86 : memref<10016x32xf32, #tpu.memory_space<vmem_shared>>) offsets(%dma_start3A_83 : memref<128xi32, #tpu.memory_space<vmem>>) semaphore(%arg14 : memref<!tpu.dma_semaphore, #tpu.memory_space<semaphore_mem>>) {add = true}
      %add3A_87 = arith.constant 1 : i32
      %add3A_88 = arith.addi %mul3A_74, %add3A_87 : i32
      %dma_wait3A_89 = arith.constant 0 : i32
      %dma_wait3A_90 = tpu.memref_slice %arg7[%add3A_88, %dma_wait3A_89] : memref<80x128xi32, #tpu.memory_space<vmem>> -> memref<1x128xi32, #tpu.memory_space<vmem>>
      %dma_wait3A_91 = tpu.memref_squeeze %dma_wait3A_90 : memref<1x128xi32, #tpu.memory_space<vmem>> -> memref<128xi32, #tpu.memory_space<vmem>>
      %dma_wait3A_92 = arith.constant 0 : i32
      %dma_wait3A_93 = arith.constant 0 : i32
      %dma_wait3A_94 = tpu.memref_slice %arg2[%dma_wait3A_92, %dma_wait3A_93] : memref<10000x32xf32, #tpu.memory_space<hbm>> -> memref<10000x32xf32, #tpu.memory_space<hbm>>
      tpu.wait_indirect_dma semaphore(%arg13 : memref<!tpu.dma_semaphore, #tpu.memory_space<semaphore_mem>>) src(%dma_wait3A_94 : memref<10000x32xf32, #tpu.memory_space<hbm>>) dst(%arg10 : memref<128x32xf32, #tpu.memory_space<vmem>>)
      %add3A_95 = arith.constant 1 : i32
      %add3A_96 = arith.addi %mul3A_74, %add3A_95 : i32
      %dma_start3A_97 = arith.constant 0 : i32
      %dma_start3A_98 = tpu.memref_slice %arg8[%add3A_96, %dma_start3A_97] : memref<80x128xi32, #tpu.memory_space<vmem>> -> memref<1x128xi32, #tpu.memory_space<vmem>>
      %dma_start3A_99 = tpu.memref_squeeze %dma_start3A_98 : memref<1x128xi32, #tpu.memory_space<vmem>> -> memref<128xi32, #tpu.memory_space<vmem>>
      %dma_start3A_100 = arith.constant 0 : i32
      %dma_start3A_101 = arith.constant 0 : i32
      %dma_start3A_102 = tpu.memref_slice %arg11[%dma_start3A_100, %dma_start3A_101] : memref<10016x32xf32, #tpu.memory_space<vmem_shared>> -> memref<10016x32xf32, #tpu.memory_space<vmem_shared>>
      tpu.enqueue_indirect_dma source(%arg10 : memref<128x32xf32, #tpu.memory_space<vmem>>) target(%dma_start3A_102 : memref<10016x32xf32, #tpu.memory_space<vmem_shared>>) offsets(%dma_start3A_99 : memref<128xi32, #tpu.memory_space<vmem>>) semaphore(%arg15 : memref<!tpu.dma_semaphore, #tpu.memory_space<semaphore_mem>>) {add = true}
      %dma_wait3A_103 = arith.constant 0 : i32
      %dma_wait3A_104 = tpu.memref_slice %arg8[%mul3A_74, %dma_wait3A_103] : memref<80x128xi32, #tpu.memory_space<vmem>> -> memref<1x128xi32, #tpu.memory_space<vmem>>
      %dma_wait3A_105 = tpu.memref_squeeze %dma_wait3A_104 : memref<1x128xi32, #tpu.memory_space<vmem>> -> memref<128xi32, #tpu.memory_space<vmem>>
      %dma_wait3A_106 = arith.constant 0 : i32
      %dma_wait3A_107 = arith.constant 0 : i32
      %dma_wait3A_108 = tpu.memref_slice %arg11[%dma_wait3A_106, %dma_wait3A_107] : memref<10016x32xf32, #tpu.memory_space<vmem_shared>> -> memref<10016x32xf32, #tpu.memory_space<vmem_shared>>
      tpu.wait_indirect_dma semaphore(%arg14 : memref<!tpu.dma_semaphore, #tpu.memory_space<semaphore_mem>>) src(%arg9 : memref<128x32xf32, #tpu.memory_space<vmem>>) dst(%dma_wait3A_108 : memref<10016x32xf32, #tpu.memory_space<vmem_shared>>)
      %add3A_109 = arith.constant 2 : i32
      %add3A_110 = arith.addi %mul3A_74, %add3A_109 : i32
      %dma_start3A_111 = arith.constant 0 : i32
      %dma_start3A_112 = tpu.memref_slice %arg7[%add3A_110, %dma_start3A_111] : memref<80x128xi32, #tpu.memory_space<vmem>> -> memref<1x128xi32, #tpu.memory_space<vmem>>
      %dma_start3A_113 = tpu.memref_squeeze %dma_start3A_112 : memref<1x128xi32, #tpu.memory_space<vmem>> -> memref<128xi32, #tpu.memory_space<vmem>>
      %dma_start3A_114 = arith.constant 0 : i32
      %dma_start3A_115 = arith.constant 0 : i32
      %dma_start3A_116 = tpu.memref_slice %arg2[%dma_start3A_114, %dma_start3A_115] : memref<10000x32xf32, #tpu.memory_space<hbm>> -> memref<10000x32xf32, #tpu.memory_space<hbm>>
      tpu.enqueue_indirect_dma source(%dma_start3A_116 : memref<10000x32xf32, #tpu.memory_space<hbm>>) target(%arg9 : memref<128x32xf32, #tpu.memory_space<vmem>>) offsets(%dma_start3A_113 : memref<128xi32, #tpu.memory_space<vmem>>) semaphore(%arg12 : memref<!tpu.dma_semaphore, #tpu.memory_space<semaphore_mem>>)
      %add3A_117 = arith.constant 1 : i32
      %add3A_118 = arith.addi %mul3A_74, %add3A_117 : i32
      %dma_wait3A_119 = arith.constant 0 : i32
      %dma_wait3A_120 = tpu.memref_slice %arg8[%add3A_118, %dma_wait3A_119] : memref<80x128xi32, #tpu.memory_space<vmem>> -> memref<1x128xi32, #tpu.memory_space<vmem>>
      %dma_wait3A_121 = tpu.memref_squeeze %dma_wait3A_120 : memref<1x128xi32, #tpu.memory_space<vmem>> -> memref<128xi32, #tpu.memory_space<vmem>>
      %dma_wait3A_122 = arith.constant 0 : i32
      %dma_wait3A_123 = arith.constant 0 : i32
      %dma_wait3A_124 = tpu.memref_slice %arg11[%dma_wait3A_122, %dma_wait3A_123] : memref<10016x32xf32, #tpu.memory_space<vmem_shared>> -> memref<10016x32xf32, #tpu.memory_space<vmem_shared>>
      tpu.wait_indirect_dma semaphore(%arg15 : memref<!tpu.dma_semaphore, #tpu.memory_space<semaphore_mem>>) src(%arg10 : memref<128x32xf32, #tpu.memory_space<vmem>>) dst(%dma_wait3A_124 : memref<10016x32xf32, #tpu.memory_space<vmem_shared>>)
      %add3A_125 = arith.constant 3 : i32
      %add3A_126 = arith.addi %mul3A_74, %add3A_125 : i32
      %dma_start3A_127 = arith.constant 0 : i32
      %dma_start3A_128 = tpu.memref_slice %arg7[%add3A_126, %dma_start3A_127] : memref<80x128xi32, #tpu.memory_space<vmem>> -> memref<1x128xi32, #tpu.memory_space<vmem>>
      %dma_start3A_129 = tpu.memref_squeeze %dma_start3A_128 : memref<1x128xi32, #tpu.memory_space<vmem>> -> memref<128xi32, #tpu.memory_space<vmem>>
      %dma_start3A_130 = arith.constant 0 : i32
      %dma_start3A_131 = arith.constant 0 : i32
      %dma_start3A_132 = tpu.memref_slice %arg2[%dma_start3A_130, %dma_start3A_131] : memref<10000x32xf32, #tpu.memory_space<hbm>> -> memref<10000x32xf32, #tpu.memory_space<hbm>>
      tpu.enqueue_indirect_dma source(%dma_start3A_132 : memref<10000x32xf32, #tpu.memory_space<hbm>>) target(%arg10 : memref<128x32xf32, #tpu.memory_space<vmem>>) offsets(%dma_start3A_129 : memref<128xi32, #tpu.memory_space<vmem>>) semaphore(%arg13 : memref<!tpu.dma_semaphore, #tpu.memory_space<semaphore_mem>>)
    }
    %scan3A_22 = arith.constant 39 : i32
    %dma_wait3A = arith.constant 78 : i32
    %dma_wait3A_23 = arith.constant 0 : i32
    %dma_wait3A_24 = tpu.memref_slice %arg7[%dma_wait3A, %dma_wait3A_23] : memref<80x128xi32, #tpu.memory_space<vmem>> -> memref<1x128xi32, #tpu.memory_space<vmem>>
    %dma_wait3A_25 = tpu.memref_squeeze %dma_wait3A_24 : memref<1x128xi32, #tpu.memory_space<vmem>> -> memref<128xi32, #tpu.memory_space<vmem>>
    %dma_wait3A_26 = arith.constant 0 : i32
    %dma_wait3A_27 = arith.constant 0 : i32
    %dma_wait3A_28 = tpu.memref_slice %arg2[%dma_wait3A_26, %dma_wait3A_27] : memref<10000x32xf32, #tpu.memory_space<hbm>> -> memref<10000x32xf32, #tpu.memory_space<hbm>>
    tpu.wait_indirect_dma semaphore(%arg12 : memref<!tpu.dma_semaphore, #tpu.memory_space<semaphore_mem>>) src(%dma_wait3A_28 : memref<10000x32xf32, #tpu.memory_space<hbm>>) dst(%arg9 : memref<128x32xf32, #tpu.memory_space<vmem>>)
    %dma_start3A_29 = arith.constant 78 : i32
    %dma_start3A_30 = arith.constant 0 : i32
    %dma_start3A_31 = tpu.memref_slice %arg8[%dma_start3A_29, %dma_start3A_30] : memref<80x128xi32, #tpu.memory_space<vmem>> -> memref<1x128xi32, #tpu.memory_space<vmem>>
    %dma_start3A_32 = tpu.memref_squeeze %dma_start3A_31 : memref<1x128xi32, #tpu.memory_space<vmem>> -> memref<128xi32, #tpu.memory_space<vmem>>
    %dma_start3A_33 = arith.constant 0 : i32
    %dma_start3A_34 = arith.constant 0 : i32
    %dma_start3A_35 = tpu.memref_slice %arg11[%dma_start3A_33, %dma_start3A_34] : memref<10016x32xf32, #tpu.memory_space<vmem_shared>> -> memref<10016x32xf32, #tpu.memory_space<vmem_shared>>
    tpu.enqueue_indirect_dma source(%arg9 : memref<128x32xf32, #tpu.memory_space<vmem>>) target(%dma_start3A_35 : memref<10016x32xf32, #tpu.memory_space<vmem_shared>>) offsets(%dma_start3A_32 : memref<128xi32, #tpu.memory_space<vmem>>) semaphore(%arg14 : memref<!tpu.dma_semaphore, #tpu.memory_space<semaphore_mem>>) {add = true}
    %dma_wait3A_36 = arith.constant 79 : i32
    %dma_wait3A_37 = arith.constant 0 : i32
    %dma_wait3A_38 = tpu.memref_slice %arg7[%dma_wait3A_36, %dma_wait3A_37] : memref<80x128xi32, #tpu.memory_space<vmem>> -> memref<1x128xi32, #tpu.memory_space<vmem>>
    %dma_wait3A_39 = tpu.memref_squeeze %dma_wait3A_38 : memref<1x128xi32, #tpu.memory_space<vmem>> -> memref<128xi32, #tpu.memory_space<vmem>>
    %dma_wait3A_40 = arith.constant 0 : i32
    %dma_wait3A_41 = arith.constant 0 : i32
    %dma_wait3A_42 = tpu.memref_slice %arg2[%dma_wait3A_40, %dma_wait3A_41] : memref<10000x32xf32, #tpu.memory_space<hbm>> -> memref<10000x32xf32, #tpu.memory_space<hbm>>
    tpu.wait_indirect_dma semaphore(%arg13 : memref<!tpu.dma_semaphore, #tpu.memory_space<semaphore_mem>>) src(%dma_wait3A_42 : memref<10000x32xf32, #tpu.memory_space<hbm>>) dst(%arg10 : memref<128x32xf32, #tpu.memory_space<vmem>>)
    %dma_start3A_43 = arith.constant 79 : i32
    %dma_start3A_44 = arith.constant 0 : i32
    %dma_start3A_45 = tpu.memref_slice %arg8[%dma_start3A_43, %dma_start3A_44] : memref<80x128xi32, #tpu.memory_space<vmem>> -> memref<1x128xi32, #tpu.memory_space<vmem>>
    %dma_start3A_46 = tpu.memref_squeeze %dma_start3A_45 : memref<1x128xi32, #tpu.memory_space<vmem>> -> memref<128xi32, #tpu.memory_space<vmem>>
    %dma_start3A_47 = arith.constant 0 : i32
    %dma_start3A_48 = arith.constant 0 : i32
    %dma_start3A_49 = tpu.memref_slice %arg11[%dma_start3A_47, %dma_start3A_48] : memref<10016x32xf32, #tpu.memory_space<vmem_shared>> -> memref<10016x32xf32, #tpu.memory_space<vmem_shared>>
    tpu.enqueue_indirect_dma source(%arg10 : memref<128x32xf32, #tpu.memory_space<vmem>>) target(%dma_start3A_49 : memref<10016x32xf32, #tpu.memory_space<vmem_shared>>) offsets(%dma_start3A_46 : memref<128xi32, #tpu.memory_space<vmem>>) semaphore(%arg15 : memref<!tpu.dma_semaphore, #tpu.memory_space<semaphore_mem>>) {add = true}
    %dma_wait3A_50 = arith.constant 78 : i32
    %dma_wait3A_51 = arith.constant 0 : i32
    %dma_wait3A_52 = tpu.memref_slice %arg8[%dma_wait3A_50, %dma_wait3A_51] : memref<80x128xi32, #tpu.memory_space<vmem>> -> memref<1x128xi32, #tpu.memory_space<vmem>>
    %dma_wait3A_53 = tpu.memref_squeeze %dma_wait3A_52 : memref<1x128xi32, #tpu.memory_space<vmem>> -> memref<128xi32, #tpu.memory_space<vmem>>
    %dma_wait3A_54 = arith.constant 0 : i32
    %dma_wait3A_55 = arith.constant 0 : i32
    %dma_wait3A_56 = tpu.memref_slice %arg11[%dma_wait3A_54, %dma_wait3A_55] : memref<10016x32xf32, #tpu.memory_space<vmem_shared>> -> memref<10016x32xf32, #tpu.memory_space<vmem_shared>>
    tpu.wait_indirect_dma semaphore(%arg14 : memref<!tpu.dma_semaphore, #tpu.memory_space<semaphore_mem>>) src(%arg9 : memref<128x32xf32, #tpu.memory_space<vmem>>) dst(%dma_wait3A_56 : memref<10016x32xf32, #tpu.memory_space<vmem_shared>>)
    %dma_wait3A_57 = arith.constant 79 : i32
    %dma_wait3A_58 = arith.constant 0 : i32
    %dma_wait3A_59 = tpu.memref_slice %arg8[%dma_wait3A_57, %dma_wait3A_58] : memref<80x128xi32, #tpu.memory_space<vmem>> -> memref<1x128xi32, #tpu.memory_space<vmem>>
    %dma_wait3A_60 = tpu.memref_squeeze %dma_wait3A_59 : memref<1x128xi32, #tpu.memory_space<vmem>> -> memref<128xi32, #tpu.memory_space<vmem>>
    %dma_wait3A_61 = arith.constant 0 : i32
    %dma_wait3A_62 = arith.constant 0 : i32
    %dma_wait3A_63 = tpu.memref_slice %arg11[%dma_wait3A_61, %dma_wait3A_62] : memref<10016x32xf32, #tpu.memory_space<vmem_shared>> -> memref<10016x32xf32, #tpu.memory_space<vmem_shared>>
    tpu.wait_indirect_dma semaphore(%arg15 : memref<!tpu.dma_semaphore, #tpu.memory_space<semaphore_mem>>) src(%arg10 : memref<128x32xf32, #tpu.memory_space<vmem>>) dst(%dma_wait3A_63 : memref<10016x32xf32, #tpu.memory_space<vmem_shared>>)
    %barrier3A_64 = arith.constant 0 : index
    tpu.barrier barrier_id(%barrier3A_64)
    %mul3A_65 = arith.constant 624 : i32
    %mul3A_66 = arith.muli %arg1, %mul3A_65 : i32
    "tpu.region"() ({
      %run_scoped3A = tpu.sem_alloc : memref<!tpu.dma_semaphore, #tpu.memory_space<semaphore_mem>>
      %dma_start3A_72 = arith.constant 0 : i32
      %dma_start3A_73 = tpu.memref_slice %arg6[%arg0, %mul3A_66, %dma_start3A_72] : memref<2x10000x32xf32, #tpu.memory_space<hbm>> -> memref<1x624x32xf32, #tpu.memory_space<hbm>>
      %dma_start3A_74 = tpu.memref_squeeze %dma_start3A_73 : memref<1x624x32xf32, #tpu.memory_space<hbm>> -> memref<624x32xf32, #tpu.memory_space<hbm>>
      %dma_start3A_75 = arith.constant 0 : i32
      %dma_start3A_76 = tpu.memref_slice %arg11[%mul3A_66, %dma_start3A_75] : memref<10016x32xf32, #tpu.memory_space<vmem_shared>> -> memref<624x32xf32, #tpu.memory_space<vmem_shared>>
      tpu.enqueue_dma source(%dma_start3A_76 : memref<624x32xf32, #tpu.memory_space<vmem_shared>>) target(%dma_start3A_74 : memref<624x32xf32, #tpu.memory_space<hbm>>) target_semaphore(%run_scoped3A : memref<!tpu.dma_semaphore, #tpu.memory_space<semaphore_mem>>)
      %dma_wait3A_77 = arith.constant 0 : i32
      %dma_wait3A_78 = tpu.memref_slice %arg6[%arg0, %mul3A_66, %dma_wait3A_77] : memref<2x10000x32xf32, #tpu.memory_space<hbm>> -> memref<1x624x32xf32, #tpu.memory_space<hbm>>
      %dma_wait3A_79 = tpu.memref_squeeze %dma_wait3A_78 : memref<1x624x32xf32, #tpu.memory_space<hbm>> -> memref<624x32xf32, #tpu.memory_space<hbm>>
      %dma_wait3A_80 = arith.constant 0 : i32
      %dma_wait3A_81 = tpu.memref_slice %arg11[%mul3A_66, %dma_wait3A_80] : memref<10016x32xf32, #tpu.memory_space<vmem_shared>> -> memref<624x32xf32, #tpu.memory_space<vmem_shared>>
      tpu.wait_dma2 semaphore(%run_scoped3A : memref<!tpu.dma_semaphore, #tpu.memory_space<semaphore_mem>>) src(%dma_wait3A_81 : memref<624x32xf32, #tpu.memory_space<vmem_shared>>) dst(%dma_wait3A_79 : memref<624x32xf32, #tpu.memory_space<hbm>>)
      tpu.yield
    }) : () -> ()
    %eq3A_67 = arith.constant 15 : i32
    %eq3A_68 = arith.cmpi eq, %arg1, %eq3A_67 : i32
    %convert_element_type3A_69 = arith.extui %eq3A_68 : i1 to i32
    %cond3A_70 = arith.constant 0 : i32
    %cond3A_71 = arith.cmpi ne, %convert_element_type3A_69, %cond3A_70 : i32
    scf.if %cond3A_71 {
      "tpu.region"() ({
        %run_scoped3A = tpu.sem_alloc : memref<!tpu.dma_semaphore, #tpu.memory_space<semaphore_mem>>
        %dma_start3A_72 = arith.constant 9984 : i32
        %dma_start3A_73 = arith.constant 0 : i32
        %dma_start3A_74 = tpu.memref_slice %arg6[%arg0, %dma_start3A_72, %dma_start3A_73] : memref<2x10000x32xf32, #tpu.memory_space<hbm>> -> memref<1x16x32xf32, #tpu.memory_space<hbm>>
        %dma_start3A_75 = tpu.memref_squeeze %dma_start3A_74 : memref<1x16x32xf32, #tpu.memory_space<hbm>> -> memref<16x32xf32, #tpu.memory_space<hbm>>
        %dma_start3A_76 = arith.constant 9984 : i32
        %dma_start3A_77 = arith.constant 0 : i32
        %dma_start3A_78 = tpu.memref_slice %arg11[%dma_start3A_76, %dma_start3A_77] : memref<10016x32xf32, #tpu.memory_space<vmem_shared>> -> memref<16x32xf32, #tpu.memory_space<vmem_shared>>
        tpu.enqueue_dma source(%dma_start3A_78 : memref<16x32xf32, #tpu.memory_space<vmem_shared>>) target(%dma_start3A_75 : memref<16x32xf32, #tpu.memory_space<hbm>>) target_semaphore(%run_scoped3A : memref<!tpu.dma_semaphore, #tpu.memory_space<semaphore_mem>>)
        %dma_wait3A_79 = arith.constant 9984 : i32
        %dma_wait3A_80 = arith.constant 0 : i32
        %dma_wait3A_81 = tpu.memref_slice %arg6[%arg0, %dma_wait3A_79, %dma_wait3A_80] : memref<2x10000x32xf32, #tpu.memory_space<hbm>> -> memref<1x16x32xf32, #tpu.memory_space<hbm>>
        %dma_wait3A_82 = tpu.memref_squeeze %dma_wait3A_81 : memref<1x16x32xf32, #tpu.memory_space<hbm>> -> memref<16x32xf32, #tpu.memory_space<hbm>>
        %dma_wait3A_83 = arith.constant 9984 : i32
        %dma_wait3A_84 = arith.constant 0 : i32
        %dma_wait3A_85 = tpu.memref_slice %arg11[%dma_wait3A_83, %dma_wait3A_84] : memref<10016x32xf32, #tpu.memory_space<vmem_shared>> -> memref<16x32xf32, #tpu.memory_space<vmem_shared>>
        tpu.wait_dma2 semaphore(%run_scoped3A : memref<!tpu.dma_semaphore, #tpu.memory_space<semaphore_mem>>) src(%dma_wait3A_85 : memref<16x32xf32, #tpu.memory_space<vmem_shared>>) dst(%dma_wait3A_82 : memref<16x32xf32, #tpu.memory_space<hbm>>)
        tpu.yield
      }) : () -> ()
    } else {
    }
    return
  }
}

module attributes {stable_mosaic.version = 14 : i64} {
  func.func @_tc0_body(%arg0: memref<2x10000x16xf32, #tpu.memory_space<vmem>>, %arg1: memref<10000x128xf32, #tpu.memory_space<vmem>>, %arg2: memref<128x64xf32, #tpu.memory_space<vmem>>, %arg3: memref<10000x64xf32, #tpu.memory_space<vmem>>) attributes {dimension_semantics = [], scalar_prefetch = 0 : i64, scratch_operands = 0 : i64, tpu.core_type = #tpu.core_type<tc>} {
    %get3A = arith.constant 0 : index
    %get3A_0 = arith.constant 0 : index
    %get3A_1 = vector.load %arg1[%get3A, %get3A_0] : memref<10000x128xf32, #tpu.memory_space<vmem>>, vector<10000x128xf32>
    %get3A_2 = arith.constant 0 : index
    %get3A_3 = arith.constant 0 : index
    %get3A_4 = vector.load %arg2[%get3A_2, %get3A_3] : memref<128x64xf32, #tpu.memory_space<vmem>>, vector<128x64xf32>
    %dot_general3A = arith.constant dense<0.000000e+00> : vector<10000x64xf32>
    %dot_general3A_5 = tpu.matmul %get3A_1, %get3A_4, %dot_general3A {dimension_numbers = #tpu.dot_dimension_numbers<[1], [0], [0], [1], [0, 0, 1, 1], [], []>, transpose_lhs_hint = false} : vector<10000x128xf32>, vector<128x64xf32>, vector<10000x64xf32> -> vector<10000x64xf32>
    %get3A_6 = arith.constant 0 : index
    %get3A_7 = arith.constant 0 : index
    %get3A_8 = arith.constant 0 : index
    %get3A_9 = vector.load %arg0[%get3A_6, %get3A_7, %get3A_8] : memref<2x10000x16xf32, #tpu.memory_space<vmem>>, vector<1x10000x1xf32>
    %get3A_10 = vector.shape_cast %get3A_9 : vector<1x10000x1xf32> to vector<10000x1xf32>
    %get3A_11 = arith.constant 1 : index
    %get3A_12 = arith.constant 0 : index
    %get3A_13 = arith.constant 0 : index
    %get3A_14 = vector.load %arg0[%get3A_11, %get3A_12, %get3A_13] : memref<2x10000x16xf32, #tpu.memory_space<vmem>>, vector<1x10000x1xf32>
    %get3A_15 = vector.shape_cast %get3A_14 : vector<1x10000x1xf32> to vector<10000x1xf32>
    %add3A = arith.addf %get3A_10, %get3A_15 : vector<10000x1xf32>
    %add3A_16 = arith.constant 1.000000e+00 : f32
    %add3A_17 = vector.broadcast %add3A_16 : f32 to vector<10000x1xf32>
    %add3A_18 = arith.addf %add3A, %add3A_17 : vector<10000x1xf32>
    %rsqrt3A = math.rsqrt %add3A_18 : vector<10000x1xf32>
    %mul3A = vector.broadcast %rsqrt3A : vector<10000x1xf32> to vector<10000x64xf32>
    %mul3A_19 = arith.mulf %dot_general3A_5, %mul3A : vector<10000x64xf32>
    %swap3A = arith.constant 0 : index
    %swap3A_20 = arith.constant 0 : index
    %swap3A_21 = vector.load %arg3[%swap3A, %swap3A_20] : memref<10000x64xf32, #tpu.memory_space<vmem>>, vector<10000x64xf32>
    tpu.vector_store %arg3[%swap3A, %swap3A_20], %mul3A_19 {strides = array<i32>} : memref<10000x64xf32, #tpu.memory_space<vmem>>, vector<10000x64xf32>,
    return
  }
}

module attributes {stable_mosaic.version = 14 : i64} {
  func.func @_tcmid_body(%arg0: memref<2x10000x16xf32, #tpu.memory_space<vmem>>, %arg1: memref<2x10000x64xf32, #tpu.memory_space<vmem>>, %arg2: memref<10000x64xf32, #tpu.memory_space<vmem>>, %arg3: memref<1x64xf32, #tpu.memory_space<vmem>>, %arg4: memref<64x32xf32, #tpu.memory_space<vmem>>, %arg5: memref<10000x32xf32, #tpu.memory_space<vmem>>) attributes {dimension_semantics = [], scalar_prefetch = 0 : i64, scratch_operands = 0 : i64, tpu.core_type = #tpu.core_type<tc>} {
    %get3A = arith.constant 0 : index
    %get3A_0 = arith.constant 0 : index
    %get3A_1 = arith.constant 0 : index
    %get3A_2 = vector.load %arg0[%get3A, %get3A_0, %get3A_1] : memref<2x10000x16xf32, #tpu.memory_space<vmem>>, vector<1x10000x1xf32>
    %get3A_3 = vector.shape_cast %get3A_2 : vector<1x10000x1xf32> to vector<10000x1xf32>
    %get3A_4 = arith.constant 1 : index
    %get3A_5 = arith.constant 0 : index
    %get3A_6 = arith.constant 0 : index
    %get3A_7 = vector.load %arg0[%get3A_4, %get3A_5, %get3A_6] : memref<2x10000x16xf32, #tpu.memory_space<vmem>>, vector<1x10000x1xf32>
    %get3A_8 = vector.shape_cast %get3A_7 : vector<1x10000x1xf32> to vector<10000x1xf32>
    %add3A = arith.addf %get3A_3, %get3A_8 : vector<10000x1xf32>
    %add3A_9 = arith.constant 1.000000e+00 : f32
    %add3A_10 = vector.broadcast %add3A_9 : f32 to vector<10000x1xf32>
    %add3A_11 = arith.addf %add3A, %add3A_10 : vector<10000x1xf32>
    %rsqrt3A = math.rsqrt %add3A_11 : vector<10000x1xf32>
    %get3A_12 = arith.constant 0 : index
    %get3A_13 = arith.constant 0 : index
    %get3A_14 = arith.constant 0 : index
    %get3A_15 = vector.load %arg1[%get3A_12, %get3A_13, %get3A_14] : memref<2x10000x64xf32, #tpu.memory_space<vmem>>, vector<1x10000x64xf32>
    %get3A_16 = vector.shape_cast %get3A_15 : vector<1x10000x64xf32> to vector<10000x64xf32>
    %get3A_17 = arith.constant 1 : index
    %get3A_18 = arith.constant 0 : index
    %get3A_19 = arith.constant 0 : index
    %get3A_20 = vector.load %arg1[%get3A_17, %get3A_18, %get3A_19] : memref<2x10000x64xf32, #tpu.memory_space<vmem>>, vector<1x10000x64xf32>
    %get3A_21 = vector.shape_cast %get3A_20 : vector<1x10000x64xf32> to vector<10000x64xf32>
    %add3A_22 = arith.addf %get3A_16, %get3A_21 : vector<10000x64xf32>
    %get3A_23 = arith.constant 0 : index
    %get3A_24 = arith.constant 0 : index
    %get3A_25 = vector.load %arg2[%get3A_23, %get3A_24] : memref<10000x64xf32, #tpu.memory_space<vmem>>, vector<10000x64xf32>
    %add3A_26 = arith.addf %add3A_22, %get3A_25 : vector<10000x64xf32>
    %mul3A = vector.broadcast %rsqrt3A : vector<10000x1xf32> to vector<10000x64xf32>
    %mul3A_27 = arith.mulf %mul3A, %add3A_26 : vector<10000x64xf32>
    %get3A_28 = arith.constant 0 : index
    %get3A_29 = arith.constant 0 : index
    %get3A_30 = vector.load %arg3[%get3A_28, %get3A_29] : memref<1x64xf32, #tpu.memory_space<vmem>>, vector<1x64xf32>
    %add3A_31 = vector.broadcast %get3A_30 : vector<1x64xf32> to vector<10000x64xf32>
    %add3A_32 = arith.addf %mul3A_27, %add3A_31 : vector<10000x64xf32>
    %max3A = arith.constant 0.000000e+00 : f32
    %max3A_33 = vector.broadcast %max3A : f32 to vector<10000x64xf32>
    %max3A_34 = arith.maximumf %add3A_32, %max3A_33 : vector<10000x64xf32>
    %get3A_35 = arith.constant 0 : index
    %get3A_36 = arith.constant 0 : index
    %get3A_37 = vector.load %arg4[%get3A_35, %get3A_36] : memref<64x32xf32, #tpu.memory_space<vmem>>, vector<64x32xf32>
    %dot_general3A = arith.constant dense<0.000000e+00> : vector<10000x32xf32>
    %dot_general3A_38 = tpu.matmul %max3A_34, %get3A_37, %dot_general3A {dimension_numbers = #tpu.dot_dimension_numbers<[1], [0], [0], [1], [0, 0, 1, 1], [], []>, transpose_lhs_hint = false} : vector<10000x64xf32>, vector<64x32xf32>, vector<10000x32xf32> -> vector<10000x32xf32>
    %mul3A_39 = vector.broadcast %rsqrt3A : vector<10000x1xf32> to vector<10000x32xf32>
    %mul3A_40 = arith.mulf %dot_general3A_38, %mul3A_39 : vector<10000x32xf32>
    %swap3A = arith.constant 0 : index
    %swap3A_41 = arith.constant 0 : index
    %swap3A_42 = vector.load %arg5[%swap3A, %swap3A_41] : memref<10000x32xf32, #tpu.memory_space<vmem>>, vector<10000x32xf32>
    tpu.vector_store %arg5[%swap3A, %swap3A_41], %mul3A_40 {strides = array<i32>} : memref<10000x32xf32, #tpu.memory_space<vmem>>, vector<10000x32xf32>,
    return
  }
}

module attributes {stable_mosaic.version = 14 : i64} {
  func.func @_tcmid_body(%arg0: memref<2x10000x16xf32, #tpu.memory_space<vmem>>, %arg1: memref<2x10000x32xf32, #tpu.memory_space<vmem>>, %arg2: memref<10000x32xf32, #tpu.memory_space<vmem>>, %arg3: memref<1x32xf32, #tpu.memory_space<vmem>>, %arg4: memref<32x32xf32, #tpu.memory_space<vmem>>, %arg5: memref<10000x32xf32, #tpu.memory_space<vmem>>) attributes {dimension_semantics = [], scalar_prefetch = 0 : i64, scratch_operands = 0 : i64, tpu.core_type = #tpu.core_type<tc>} {
    %get3A = arith.constant 0 : index
    %get3A_0 = arith.constant 0 : index
    %get3A_1 = arith.constant 0 : index
    %get3A_2 = vector.load %arg0[%get3A, %get3A_0, %get3A_1] : memref<2x10000x16xf32, #tpu.memory_space<vmem>>, vector<1x10000x1xf32>
    %get3A_3 = vector.shape_cast %get3A_2 : vector<1x10000x1xf32> to vector<10000x1xf32>
    %get3A_4 = arith.constant 1 : index
    %get3A_5 = arith.constant 0 : index
    %get3A_6 = arith.constant 0 : index
    %get3A_7 = vector.load %arg0[%get3A_4, %get3A_5, %get3A_6] : memref<2x10000x16xf32, #tpu.memory_space<vmem>>, vector<1x10000x1xf32>
    %get3A_8 = vector.shape_cast %get3A_7 : vector<1x10000x1xf32> to vector<10000x1xf32>
    %add3A = arith.addf %get3A_3, %get3A_8 : vector<10000x1xf32>
    %add3A_9 = arith.constant 1.000000e+00 : f32
    %add3A_10 = vector.broadcast %add3A_9 : f32 to vector<10000x1xf32>
    %add3A_11 = arith.addf %add3A, %add3A_10 : vector<10000x1xf32>
    %rsqrt3A = math.rsqrt %add3A_11 : vector<10000x1xf32>
    %get3A_12 = arith.constant 0 : index
    %get3A_13 = arith.constant 0 : index
    %get3A_14 = arith.constant 0 : index
    %get3A_15 = vector.load %arg1[%get3A_12, %get3A_13, %get3A_14] : memref<2x10000x32xf32, #tpu.memory_space<vmem>>, vector<1x10000x32xf32>
    %get3A_16 = vector.shape_cast %get3A_15 : vector<1x10000x32xf32> to vector<10000x32xf32>
    %get3A_17 = arith.constant 1 : index
    %get3A_18 = arith.constant 0 : index
    %get3A_19 = arith.constant 0 : index
    %get3A_20 = vector.load %arg1[%get3A_17, %get3A_18, %get3A_19] : memref<2x10000x32xf32, #tpu.memory_space<vmem>>, vector<1x10000x32xf32>
    %get3A_21 = vector.shape_cast %get3A_20 : vector<1x10000x32xf32> to vector<10000x32xf32>
    %add3A_22 = arith.addf %get3A_16, %get3A_21 : vector<10000x32xf32>
    %get3A_23 = arith.constant 0 : index
    %get3A_24 = arith.constant 0 : index
    %get3A_25 = vector.load %arg2[%get3A_23, %get3A_24] : memref<10000x32xf32, #tpu.memory_space<vmem>>, vector<10000x32xf32>
    %add3A_26 = arith.addf %add3A_22, %get3A_25 : vector<10000x32xf32>
    %mul3A = vector.broadcast %rsqrt3A : vector<10000x1xf32> to vector<10000x32xf32>
    %mul3A_27 = arith.mulf %mul3A, %add3A_26 : vector<10000x32xf32>
    %get3A_28 = arith.constant 0 : index
    %get3A_29 = arith.constant 0 : index
    %get3A_30 = vector.load %arg3[%get3A_28, %get3A_29] : memref<1x32xf32, #tpu.memory_space<vmem>>, vector<1x32xf32>
    %add3A_31 = vector.broadcast %get3A_30 : vector<1x32xf32> to vector<10000x32xf32>
    %add3A_32 = arith.addf %mul3A_27, %add3A_31 : vector<10000x32xf32>
    %max3A = arith.constant 0.000000e+00 : f32
    %max3A_33 = vector.broadcast %max3A : f32 to vector<10000x32xf32>
    %max3A_34 = arith.maximumf %add3A_32, %max3A_33 : vector<10000x32xf32>
    %get3A_35 = arith.constant 0 : index
    %get3A_36 = arith.constant 0 : index
    %get3A_37 = vector.load %arg4[%get3A_35, %get3A_36] : memref<32x32xf32, #tpu.memory_space<vmem>>, vector<32x32xf32>
    %dot_general3A = arith.constant dense<0.000000e+00> : vector<10000x32xf32>
    %dot_general3A_38 = tpu.matmul %max3A_34, %get3A_37, %dot_general3A {dimension_numbers = #tpu.dot_dimension_numbers<[1], [0], [0], [1], [0, 0, 1, 1], [], []>, transpose_lhs_hint = false} : vector<10000x32xf32>, vector<32x32xf32>, vector<10000x32xf32> -> vector<10000x32xf32>
    %mul3A_39 = vector.broadcast %rsqrt3A : vector<10000x1xf32> to vector<10000x32xf32>
    %mul3A_40 = arith.mulf %dot_general3A_38, %mul3A_39 : vector<10000x32xf32>
    %swap3A = arith.constant 0 : index
    %swap3A_41 = arith.constant 0 : index
    %swap3A_42 = vector.load %arg5[%swap3A, %swap3A_41] : memref<10000x32xf32, #tpu.memory_space<vmem>>, vector<10000x32xf32>
    tpu.vector_store %arg5[%swap3A, %swap3A_41], %mul3A_40 {strides = array<i32>} : memref<10000x32xf32, #tpu.memory_space<vmem>>, vector<10000x32xf32>,
    return
  }
}

module attributes {stable_mosaic.version = 14 : i64} {
  func.func @_tc3_body(%arg0: memref<2x10000x16xf32, #tpu.memory_space<vmem>>, %arg1: memref<2x10000x32xf32, #tpu.memory_space<vmem>>, %arg2: memref<10000x32xf32, #tpu.memory_space<vmem>>, %arg3: memref<1x32xf32, #tpu.memory_space<vmem>>, %arg4: memref<1x10000xi32, #tpu.memory_space<vmem>>, %arg5: memref<32x10xf32, #tpu.memory_space<vmem>>, %arg6: memref<1x10xf32, #tpu.memory_space<vmem>>, %arg7: memref<64x10xf32, #tpu.memory_space<vmem>>) attributes {dimension_semantics = [], scalar_prefetch = 0 : i64, scratch_operands = 0 : i64, tpu.core_type = #tpu.core_type<tc>} {
    %get3A = arith.constant 0 : index
    %get3A_0 = arith.constant 0 : index
    %get3A_1 = arith.constant 0 : index
    %get3A_2 = vector.load %arg0[%get3A, %get3A_0, %get3A_1] : memref<2x10000x16xf32, #tpu.memory_space<vmem>>, vector<1x10000x1xf32>
    %get3A_3 = vector.shape_cast %get3A_2 : vector<1x10000x1xf32> to vector<10000x1xf32>
    %get3A_4 = arith.constant 1 : index
    %get3A_5 = arith.constant 0 : index
    %get3A_6 = arith.constant 0 : index
    %get3A_7 = vector.load %arg0[%get3A_4, %get3A_5, %get3A_6] : memref<2x10000x16xf32, #tpu.memory_space<vmem>>, vector<1x10000x1xf32>
    %get3A_8 = vector.shape_cast %get3A_7 : vector<1x10000x1xf32> to vector<10000x1xf32>
    %add3A = arith.addf %get3A_3, %get3A_8 : vector<10000x1xf32>
    %add3A_9 = arith.constant 1.000000e+00 : f32
    %add3A_10 = vector.broadcast %add3A_9 : f32 to vector<10000x1xf32>
    %add3A_11 = arith.addf %add3A, %add3A_10 : vector<10000x1xf32>
    %rsqrt3A = math.rsqrt %add3A_11 : vector<10000x1xf32>
    %get3A_12 = arith.constant 0 : index
    %get3A_13 = arith.constant 0 : index
    %get3A_14 = arith.constant 0 : index
    %get3A_15 = vector.load %arg1[%get3A_12, %get3A_13, %get3A_14] : memref<2x10000x32xf32, #tpu.memory_space<vmem>>, vector<1x10000x32xf32>
    %get3A_16 = vector.shape_cast %get3A_15 : vector<1x10000x32xf32> to vector<10000x32xf32>
    %get3A_17 = arith.constant 1 : index
    %get3A_18 = arith.constant 0 : index
    %get3A_19 = arith.constant 0 : index
    %get3A_20 = vector.load %arg1[%get3A_17, %get3A_18, %get3A_19] : memref<2x10000x32xf32, #tpu.memory_space<vmem>>, vector<1x10000x32xf32>
    %get3A_21 = vector.shape_cast %get3A_20 : vector<1x10000x32xf32> to vector<10000x32xf32>
    %add3A_22 = arith.addf %get3A_16, %get3A_21 : vector<10000x32xf32>
    %get3A_23 = arith.constant 0 : index
    %get3A_24 = arith.constant 0 : index
    %get3A_25 = vector.load %arg2[%get3A_23, %get3A_24] : memref<10000x32xf32, #tpu.memory_space<vmem>>, vector<10000x32xf32>
    %add3A_26 = arith.addf %add3A_22, %get3A_25 : vector<10000x32xf32>
    %mul3A = vector.broadcast %rsqrt3A : vector<10000x1xf32> to vector<10000x32xf32>
    %mul3A_27 = arith.mulf %mul3A, %add3A_26 : vector<10000x32xf32>
    %get3A_28 = arith.constant 0 : index
    %get3A_29 = arith.constant 0 : index
    %get3A_30 = vector.load %arg3[%get3A_28, %get3A_29] : memref<1x32xf32, #tpu.memory_space<vmem>>, vector<1x32xf32>
    %add3A_31 = vector.broadcast %get3A_30 : vector<1x32xf32> to vector<10000x32xf32>
    %add3A_32 = arith.addf %mul3A_27, %add3A_31 : vector<10000x32xf32>
    %get3A_33 = arith.constant 0 : index
    %get3A_34 = arith.constant 0 : index
    %get3A_35 = vector.load %arg4[%get3A_33, %get3A_34] : memref<1x10000xi32, #tpu.memory_space<vmem>>, vector<1x10000xi32>
    %iota3A = tpu.iota {dimensions = array<i32: 0>} : vector<64x1xi32>
    %eq3A = vector.broadcast %get3A_35 : vector<1x10000xi32> to vector<64x10000xi32>
    %eq3A_36 = vector.broadcast %iota3A : vector<64x1xi32> to vector<64x10000xi32>
    %eq3A_37 = arith.cmpi eq, %eq3A, %eq3A_36 : vector<64x10000xi32>
    %convert_element_type3A = arith.extui %eq3A_37 : vector<64x10000xi1> to vector<64x10000xi32>
    %convert_element_type3A_38 = arith.sitofp %convert_element_type3A : vector<64x10000xi32> to vector<64x10000xf32>
    %dot_general3A = arith.constant dense<0.000000e+00> : vector<64x32xf32>
    %dot_general3A_39 = tpu.matmul %convert_element_type3A_38, %add3A_32, %dot_general3A {dimension_numbers = #tpu.dot_dimension_numbers<[1], [0], [0], [1], [0, 0, 1, 1], [], []>, transpose_lhs_hint = false} : vector<64x10000xf32>, vector<10000x32xf32>, vector<64x32xf32> -> vector<64x32xf32>
    %reduce_sum3A = arith.constant dense<0.000000e+00> : vector<64xf32>
    %reduce_sum3A_40 = vector.multi_reduction <add>, %convert_element_type3A_38, %reduce_sum3A [1] : vector<64x10000xf32> to vector<64xf32>
    %broadcast_in_dim3A = vector.shape_cast %reduce_sum3A_40 : vector<64xf32> to vector<64x1xf32>
    %max3A = arith.constant 1.000000e+00 : f32
    %max3A_41 = vector.broadcast %max3A : f32 to vector<64x1xf32>
    %max3A_42 = arith.maximumf %broadcast_in_dim3A, %max3A_41 : vector<64x1xf32>
    %div3A = vector.broadcast %max3A_42 : vector<64x1xf32> to vector<64x32xf32>
    %div3A_43 = arith.divf %dot_general3A_39, %div3A : vector<64x32xf32>
    %get3A_44 = arith.constant 0 : index
    %get3A_45 = arith.constant 0 : index
    %get3A_46 = vector.load %arg5[%get3A_44, %get3A_45] : memref<32x10xf32, #tpu.memory_space<vmem>>, vector<32x10xf32>
    %dot_general3A_47 = arith.constant dense<0.000000e+00> : vector<64x10xf32>
    %dot_general3A_48 = tpu.matmul %div3A_43, %get3A_46, %dot_general3A_47 {dimension_numbers = #tpu.dot_dimension_numbers<[1], [0], [0], [1], [0, 0, 1, 1], [], []>, transpose_lhs_hint = false} : vector<64x32xf32>, vector<32x10xf32>, vector<64x10xf32> -> vector<64x10xf32>
    %get3A_49 = arith.constant 0 : index
    %get3A_50 = arith.constant 0 : index
    %get3A_51 = vector.load %arg6[%get3A_49, %get3A_50] : memref<1x10xf32, #tpu.memory_space<vmem>>, vector<1x10xf32>
    %add3A_52 = vector.broadcast %get3A_51 : vector<1x10xf32> to vector<64x10xf32>
    %add3A_53 = arith.addf %dot_general3A_48, %add3A_52 : vector<64x10xf32>
    %swap3A = arith.constant 0 : index
    %swap3A_54 = arith.constant 0 : index
    %swap3A_55 = vector.load %arg7[%swap3A, %swap3A_54] : memref<64x10xf32, #tpu.memory_space<vmem>>, vector<64x10xf32>
    tpu.vector_store %arg7[%swap3A, %swap3A_54], %add3A_53 {strides = array<i32>} : memref<64x10xf32, #tpu.memory_space<vmem>>, vector<64x10xf32>,
    return
  }
}

</mosaic_0001>

<sc_bundles>
// kernel: kernel.10.cloned.1.call-start
scs
__scs_entry_jumppad:
0x0: {  	(pc) =	sbr.rel $0x88, $3  }
0x1: {  	(tag) =	ssettag $0x0;
	lr =	simm.s32 $0x1  }
0x2: {  	[smem:$0x3F96] =	sst lr;
	_ =	strace $0xD0000000  }
0x3: {  	_ = 	snop  }
0x4: {  	_ = 	snop  }
0x5: {  	_ = 	snop  }
0x6: {  	_ = 	snop  }
0x7: {  	_ = 	snop  }
__scs_overlays_trampoline_lowered:
0x8: {  	[smem:$0x3FA5] =	sst s0  }
0x9: {  	[smem:$0x3FA6] =	sst s1  }
0xa: {  	[smem:$0x3FA7] =	sst s2  }
0xb: {  	[smem:$0x3FA8] =	sst s3  }
0xc: {  	[smem:$0x3FA9] =	sst s4  }
0xd: {  	[smem:$0x3FAA] =	sst s5  }
0xe: {  	[smem:$0x3FAB] =	sst s6  }
0xf: {  	[smem:$0x3FAC] =	sst s7  }
0x10: {  	[smem:$0x3FAD] =	sst s8  }
0x11: {  	[smem:$0x3FAE] =	sst s9;
	s0 =	simm.s32 @!p0 $0x0  }
0x12: {  	s1 =	sld [smem:$0x3F94];
	s0 =	simm.s32 @p0 $0x1  }
0x13: {  	[smem:$0x3FAF] =	sst s0;
	s0 =	simm.s32 @!p1 $0x0  }
0x14: {  	s2 =	sld [smem:$0x3F93];
	s0 =	simm.s32 @p1 $0x1  }
0x15: {  	[smem:$0x3FB0] =	sst s0;
	s0 =	simm.s32 @!p2 $0x0  }
0x16: {  	s3 =	sld [smem:$0x3FDB];
	s0 =	simm.s32 @p2 $0x1  }
0x17: {  	s4 =	simm.s32 $0x1BF5;
	[smem:$0x3FB2] =	sst s0  }
0x18: {  	s0 =	sld [smem:$0x3F95];
	_ =	swait.ge [sflag:s4], $0x0  }
0x19: {  	s7 =	sld [smem:$0x3F96]  }
0x1a: {  	s8 =	sadd.s32 $0xFFFFE003, lr  }
0x1b: {  	s9 =	sadd.s32 $0xFFFFFEF7, lr;
	s5 =	simm.s32 $0xFFFFFFFF;
	p2 =	slt.u32 s8, $0xFFFFF086  }
0x1c: {  	p1 =	slt.u32 s9, $0xF7A;
	s5 =	simm.s32 @!p2 $0x0  }
0x1d: {  	s5 =	simm.s32 @p1 $0x1;
	p0 =	seq.s32 s7, s2  }
0x1e: {  	s7 =	smul.u32 @!p0 $0xF7A, s2;
	p2 =	seq.s32 @!p0 s5, $0x0  }
0x1f: {  	s9 =	smul.u32 $0xF7A, s1;
	s8 =	simm.s32 @!p0 $0x1BF5;
	p2 =	por !p2, p0  }
0x20: {  	[sflag:s8] =	ssyncset.s32 @!p0 $0xFFFFF086;
	s6 =	sadd.s32 @!p0 s3, s7;
	s7 =	simm.s32 @!p0 $0x108  }
0x21: {  	s3 =	sadd.s32 s3, s9;
	s6 =	sadd.s32 @!p0 $0x88, s6;
	s7 =	simm.s32 @p2 $0x1082  }
0x22: {  	[simem:s7], [sflag:s8] =	dma.local @!p0 [hbm:s6], $0xF7A  }
0x23: {  	s9 =	sor.u32 $0xD0000000, s2;
	s6 =	simm.s32 $0x108;
	_ =	swait.ge @!p0 [sflag:s8], $0x0  }
0x24: {  	s3 =	sadd.s32 $0x88, s3;
	s6 =	simm.s32 @!p1 $0x1082;
	[sflag:s4] =	ssyncset.s32 $0xFFFFF086  }
0x25: {  	[simem:s6], [sflag:s4] =	dma.local [hbm:s3], $0xF7A  }
0x26: {  	[smem:$0x3F96] =	sst s1;
	(tag) =	ssettag s2;
	_ =	strace s9  }
0x27: {  	s1 =	sld [smem:$0x3FA6]  }
0x28: {  	s2 =	sld [smem:$0x3FA7]  }
0x29: {  	s4 =	sld [smem:$0x3FA9]  }
0x2a: {  	p0 =	seq.s32 s5, $0x0;
	s5 =	sld [smem:$0x3FAA]  }
0x2b: {  	s6 =	sld [smem:$0x3FAB]  }
0x2c: {  	s7 =	sld [smem:$0x3FAC]  }
0x2d: {  	s3 =	simm.s32 $0x108;
	s8 =	sld [smem:$0x3FAD]  }
0x2e: {  	s3 =	simm.s32 @!p0 $0x1082;
	s9 =	sld [smem:$0x3FAE]  }
0x2f: {  	lr =	sadd.s32 s0, s3;
	s0 =	sld [smem:$0x3FA5]  }
0x30: {  	s3 =	sld [smem:$0x3FA8]  }
0x31: {  	[smem:$0x3FB1] =	sst s10  }
0x32: {  	s10 =	sld [smem:$0x3FAF];
	_ =	sdelay $0x3  }
0x33: {  	p0 =	seq.s32 s10, $0x1;
	s10 =	sld [smem:$0x3FB1];
	_ =	sdelay $0x3  }
0x34: {  	[smem:$0x3FB1] =	sst s10  }
0x35: {  	s10 =	sld [smem:$0x3FB0];
	_ =	sdelay $0x3  }
0x36: {  	p1 =	seq.s32 s10, $0x1;
	s10 =	sld [smem:$0x3FB1];
	_ =	sdelay $0x3  }
0x37: {  	[smem:$0x3FB1] =	sst s10  }
0x38: {  	s10 =	sld [smem:$0x3FB2]  }
0x39: {  	_ = 	snop;
	(pc) =	sbr.ind lr, $3  }
0x3a: {  	_ = 	snop  }
0x3b: {  	_ = 	snop  }
0x3c: {  	p2 =	seq.s32 s10, $0x1;
	s10 =	sld [smem:$0x3FB1]  }
0x3d: {  	_ =	shalt  }
0x3e: {  	_ =	shalt  }
0x3f: {  	_ =	shalt  }
0x40: {  	_ =	shalt  }
0x41: {  	_ =	shalt  }
0x42: {  	_ =	shalt  }
0x43: {  	_ =	shalt  }
0x44: {  	_ =	shalt  }
0x45: {  	_ =	shalt  }
0x46: {  	_ =	shalt  }
0x47: {  	_ =	shalt  }
0x48: {  	_ =	shalt  }
0x49: {  	_ =	shalt  }
0x4a: {  	_ =	shalt  }
0x4b: {  	_ =	shalt  }
0x4c: {  	_ =	shalt  }
0x4d: {  	_ =	shalt  }
0x4e: {  	_ =	shalt  }
0x4f: {  	_ =	shalt  }
0x50: {  	_ =	shalt  }
0x51: {  	_ =	shalt  }
0x52: {  	_ =	shalt  }
0x53: {  	_ =	shalt  }
0x54: {  	_ =	shalt  }
0x55: {  	_ =	shalt  }
0x56: {  	_ =	shalt  }
0x57: {  	_ =	shalt  }
0x58: {  	_ =	shalt  }
0x59: {  	_ =	shalt  }
0x5a: {  	_ =	shalt  }
0x5b: {  	_ =	shalt  }
0x5c: {  	_ =	shalt  }
0x5d: {  	_ =	shalt  }
0x5e: {  	_ =	shalt  }
0x5f: {  	_ =	shalt  }
0x60: {  	_ =	shalt  }
0x61: {  	_ =	shalt  }
0x62: {  	_ =	shalt  }
0x63: {  	_ =	shalt  }
0x64: {  	_ =	shalt  }
0x65: {  	_ =	shalt  }
0x66: {  	_ =	shalt  }
0x67: {  	_ =	shalt  }
0x68: {  	_ =	shalt  }
0x69: {  	_ =	shalt  }
0x6a: {  	_ =	shalt  }
0x6b: {  	_ =	shalt  }
0x6c: {  	_ =	shalt  }
0x6d: {  	_ =	shalt  }
0x6e: {  	_ =	shalt  }
0x6f: {  	_ =	shalt  }
0x70: {  	_ =	shalt  }
0x71: {  	_ =	shalt  }
0x72: {  	_ =	shalt  }
0x73: {  	_ =	shalt  }
0x74: {  	_ =	shalt  }
0x75: {  	_ =	shalt  }
0x76: {  	_ =	shalt  }
0x77: {  	_ =	shalt  }
0x78: {  	_ =	shalt  }
0x79: {  	_ =	shalt  }
0x7a: {  	_ =	shalt  }
0x7b: {  	_ =	shalt  }
0x7c: {  	_ =	shalt  }
0x7d: {  	_ =	shalt  }
0x7e: {  	_ =	shalt  }
0x7f: {  	_ =	shalt  }
0x80: {  	_ =	shalt  }
0x81: {  	_ =	shalt  }
0x82: {  	_ =	shalt  }
0x83: {  	_ =	shalt  }
0x84: {  	_ =	shalt  }
0x85: {  	_ =	shalt  }
0x86: {  	_ =	shalt  }
0x87: {  	_ =	shalt  }
.Lfunc_end0:
.L_simem_size_0:
called_computation_lowered:
.L_overlay_start_0:
0x88: {  	s2 =	sld [smem:$0x3FD9]  }
0x89: {  	s3 =	sld [smem:$0x3FFE];
	_ =	sdelay $0x1  }
0x8a: {  	s1 =	srdreg.scid  }
0x8b: {  	s0 =	sand.u32 $0x1, s1  }
0x8c: {  	s17 =	sshll.u32 s0, $0xA;
	s2 =	sadd.s32 s3, s2  }
0x8d: {  	s2 =	sadd.s32 s2, s17  }
0x8e: {  	[smem:$0x3FBD] =	sst s2  }
0x8f: {  	_ = 	snop  }
0x90: {  	s2 =	sld [smem:$0x3FD0];
	(tm) =	ssettm $0x1  }
0x91: {  	s18 =	sld [smem:$0x3FFB];
	_ =	sdelay $0x3  }
0x92: {  	_ =	strace s18  }
0x93: {  	s3 =	sld [smem:$0x3FFC];
	_ =	sdelay $0x3  }
0x94: {  	_ =	strace s3  }
0x95: {  	s3 =	sld [smem:$0x3FFD];
	_ =	sdelay $0x3  }
0x96: {  	_ =	strace s3  }
0x97: {  	_ =	strace $0x8FFFFFFF  }
0x98: {  	s19 =	sld [smem:$0x3FDB];
	_ =	sdelay $0x1  }
0x99: {  	s4 =	simm.s32 $_scs_section_size  }
0x9a: {  	s5 =	simm.s32 $_size__tile_overlayer_lowered;
	s6 =	simm.s32 $_tile_overlayer_lowered  }
0x9b: {  	s22 =	simm.s32 $0x1BFF;
	s21 =	sshll.u32 s6, $0x1;
	s3 =	sadd.s32 s4, s19  }
0x9c: {  	s7 =	simm.s32 $0x0;
	s20 =	sshll.u32 s5, $0x1;
	s5 =	sadd.s32 s21, s3  }
0x9d: {  	[timem:s7], [sflag:s22] =	dma.local [hbm:s5], s20  }
0x9e: {  	_ =	swait.ge [sflag:s22], s20  }
0x9f: {  	s4 =	ssub.s32 $0x0, s20;
	[sflag:s22] =	ssyncset.done $0x0  }
0xa0: {  	[sflag:s22] =	ssyncadd.s32 s4;
	_ =	sdelay $0x1  }
0xa1: {  	s23 =	simm.s32 $0x1B8B  }
0xa2: {  	_ =	swait.ge [sflag:s23], $0x1  }
0xa3: {  	[sflag:s23] =	ssyncset.done $0x0  }
0xa4: {  	s25 =	simm.s32 $0x1B8E;
	s24 =	sld [smem:$0x3FFE];
	[sflag:s23] =	ssyncadd.s32 $0xFFFFFFFF  }
0xa5: {  	s26 =	simm.s32 $execute0_lowered;
	[smem:$0x3FD2] =	sst s25  }
0xa6: {  	s5 =	sshll.u32 s26, $0x1;
	_ =	strace $0x80000046;
	[dreg:$0x1] =	wrdreg $0xFFFFFFFF  }
0xa7: {  	s28 =	simm.s32 $_size_execute0_lowered;
	s3 =	sadd.s32 s3, s5;
	[dreg:$0x0] =	wrdreg $0x0  }
0xa8: {  	s5 =	sshll.u32 s28, $0x1;
	[dreg:$0x2] =	wrdreg s3  }
0xa9: {  	[dreg:$0x3] =	wrdreg s5  }
0xaa: {  	[dreg:$0x4] =	wrdreg $0xC0  }
0xab: {  	_ =	task [dreg:s7], $0x5FFFF  }
0xac: {  	[dreg:$0x1] =	wrdreg $0xFFFFFFFF  }
0xad: {  	[dreg:$0x0] =	wrdreg $0x60  }
0xae: {  	[dreg:$0x2] =	wrdreg s24  }
0xaf: {  	[dreg:$0x3] =	wrdreg s2  }
0xb0: {  	[dreg:$0x4] =	wrdreg $0x30000  }
0xb1: {  	[dreg:$0x5] =	wrdreg $0x9  }
0xb2: {  	_ =	task.clear_ibuf [dreg:s7], $0x6FFFF;
	_ =	strace $0x90000046  }
0xb3: {  	s29 =	simm.s32 $0x9;
	_ =	strace $0x80000048  }
0xb4: {  	_ =	swait.ge [sflag:s29], $0x1  }
0xb5: {  	[sflag:s29] =	ssyncadd.s32 $0xFFFFFFFF  }
0xb6: {  	_ =	strace $0x90000048  }
0xb7: {  	_ =	sfence  }
0xb8: {  	s30 =	sld [smem:$0x0];
	_ =	sdelay $0x2  }
0xb9: {  	s31 =	sshll.u32 s1, $0xD;
	s1 =	sshrl.u32 s1, $0x2  }
0xba: {  	s3 =	sand.u32 $0x4000, s31;
	s1 =	sadd.s32 s1, s30  }
0xbb: {  	s0 =	sor.u32 s3, s0;
	s1 =	sshll.u32 s1, $0x11  }
0xbc: {  	s0 =	sor.u32 s1, s0  }
0xbd: {  	s0 =	sadd.s32 $0x8F2B, s0  }
0xbe: {  	[sflag:s0] =	ssyncadd.remote.s32 $0x1  }
0xbf: {  	_ =	sfence.sel $0xFFFF  }
0xc0: {  	[dreg:$0x0] =	wrdreg $0xFFFFFFFF;
	(pc) =	sbr.abs _section_cstart, $3  }
0xc1: {  	[dreg:$0x1] =	wrdreg $0xFFFFFFFF  }
0xc2: {  	_ =	task.clear_ibuf [dreg:s7], $0x2FFFF;
	_ =	strace $0x9FFFFFFF  }
0xc3: {  	(tm) =	ssettm $0x7FFFFFFF  }
tec
execute0_lowered:
.L_overlay_start_1:
0x0: {  	(tag) =	ssettag $0x1  }
0x1: {  	s7 =	rddreg [dreg:$0x0]  }
0x2: {  	s2 =	rddreg [dreg:$0x1]  }
0x3: {  	s0 =	srdreg.scid;
	s3 =	rddreg [dreg:$0x2];
	s4 =	simm.s32 $0x0  }
0x4: {  	s16 =	simm.s32 $0x80;
	s17 =	simm.s32 $0x1;
	s18 =	simm.s32 $0x0  }
0x5: {  	s5 =	sand.u32 $0x1, s0;
	s0 =	stileid.u32;
	[smem:$0x7FF] =	sst s4  }
0x6: {  	s11 =	sadd.s32 $0x11200, s7;
	s15 =	sadd.s32 $0x27000, s3;
	s1 =	sshll.u32 s5, $0x4  }
0x7: {  	s8 =	smul.u32 $0x2700, s0;
	s10 =	ssub.s32 $0x2, s5;
	s29 =	sshll.u32 s0, $0x6  }
0x8: {  	s13 =	smul.u32 $0x27100, s5;
	p0 =	sne.s32 s0, $0xF;
	s6 =	sor.u32 s0, s1  }
0x9: {  	s1 =	rddreg [dreg:$0x3];
	_ =	strace $0x80000047;
	s12 =	sshrl.u32 s10, $0x1  }
0xa: {  	s6 =	smul.u32 $0x500, s6;
	s28 =	sshrl.u32 s8, $0x3;
	s12 =	ssub.s32 s10, s12  }
0xb: {  	s14 =	sadd.s32 s8, s3;
	s8 =	sadd.s32 s8, s13;
	s30 =	sshrl.u32 s13, $0x3  }
0xc: {  	s13 =	simm.s32 $0x2;
	s31 =	sshrl.u32 s8, $0x3;
	s10 =	sadd.s32 s11, s30  }
0xd: {  	s9 =	sadd.s32 s6, s7;
	s6 =	sadd.s32 s28, s7;
	s7 =	sadd.s32 $0x11000, s7  }
0xe: {  	s10 =	sadd.s32 $0x4E00, s10;
	s5 =	sadd.s32 $0xC200, s6;
	s6 =	sor.u32 $0x1C02, s29  }
0xf: {  	s8 =	sadd.s32 $0x2200, s9;
	s9 =	sadd.s32 s11, s31;
	s11 =	smax.u32 s12, $0x1  }
0x10: {  	s12 =	sshrl.u32 s14, $0x3;
	s14 =	sshrl.u32 @!p0 s15, $0x3;
	s15 =	simm.s32 $0x2800  }
.LBB2_1:
0x11: {  	[spmem:s12], [sflag:s6] =	dma.local [hbm:s5], $0x4E0  }
0x12: {  	_ =	swait.ge [sflag:s13], $0x4E0  }
0x13: {  	[sflag:s13] =	ssyncset.done $0x0  }
0x14: {  	s19 =	simm.s32 @!p0 $0x2;
	[sflag:s13] =	ssyncadd.s32 $0xFFFFFB20  }
0x15: {  	[spmem:s14], [sflag:s6] =	dma.local @!p0 [hbm:s7], $0x40  }
0x16: {  	_ =	swait.ge @!p0 [sflag:s19], $0x40  }
0x17: {  	[sflag:s19] =	ssyncset.done @!p0 $0x0  }
0x18: {  	[sflag:s19] =	ssyncadd.s32 @!p0 $0xFFFFFFC0  }
0x19: {  	[tilespmem:s4], [sflag:$0x2] =	stream.linear.gather [hbm4b:s8+s4], $0x2800, $0x38;
	[tilespmem:$0x5720] =	vst v63  }
0x1a: {  	_ =	swait.ge [sflag:s13], $0x2800  }
0x1b: {  	[sflag:s13] =	ssyncset.done $0x0  }
0x1c: {  	[sflag:s13] =	ssyncadd.s32 $0xFFFFD800  }
0x1d: {  	[tilespmem:s15], [sflag:$0x2] =	stream.linear.gather [hbm4b:s2+s4], $0x800, $0x38;
	[tilespmem:$0x5720] =	vst v63  }
0x1e: {  	_ =	swait.ge [sflag:s13], $0x800  }
0x1f: {  	[sflag:s13] =	ssyncset.done $0x0  }
0x20: {  	[sflag:s13] =	ssyncadd.s32 $0xFFFFF800  }
0x21: {  	s23 =	simm.s32 $0x0;
	[bflag:$0x0] =	sbarrier.arrive $0xFFFF  }
0x22: {  	[spmem:s3] =	stream.indirect.scatter.add.f32 [tilespmem:s15], [sflag:$0x1], $0x10, s23, s16, $0xb8;
	[tilespmem:$0x5720] =	vst v63  }
0x23: {  	s24 =	simm.s32 $0x80  }
0x24: {  	[spmem:s3] =	stream.indirect.scatter.add.f32 [tilespmem:s15], [sflag:$0x1], $0x10, s24, s16, $0xb8;
	[tilespmem:$0x5720] =	vst v63  }
0x25: {  	s25 =	simm.s32 $0x100  }
0x26: {  	[spmem:s3] =	stream.indirect.scatter.add.f32 [tilespmem:s15], [sflag:$0x1], $0x10, s25, s16, $0xb8;
	[tilespmem:$0x5720] =	vst v63  }
0x27: {  	s26 =	simm.s32 $0x180  }
0x28: {  	[spmem:s3] =	stream.indirect.scatter.add.f32 [tilespmem:s15], [sflag:$0x1], $0x10, s26, s16, $0xb8;
	[tilespmem:$0x5720] =	vst v63  }
0x29: {  	s28 =	simm.s32 $0x200  }
0x2a: {  	[spmem:s3] =	stream.indirect.scatter.add.f32 [tilespmem:s15], [sflag:$0x1], $0x10, s28, s16, $0xb8;
	[tilespmem:$0x5720] =	vst v63  }
0x2b: {  	s29 =	simm.s32 $0x280  }
0x2c: {  	[spmem:s3] =	stream.indirect.scatter.add.f32 [tilespmem:s15], [sflag:$0x1], $0x10, s29, s16, $0xb8;
	[tilespmem:$0x5720] =	vst v63  }
0x2d: {  	s30 =	simm.s32 $0x300  }
0x2e: {  	[spmem:s3] =	stream.indirect.scatter.add.f32 [tilespmem:s15], [sflag:$0x1], $0x10, s30, s16, $0xb8;
	[tilespmem:$0x5720] =	vst v63  }
0x2f: {  	s31 =	simm.s32 $0x380  }
0x30: {  	[spmem:s3] =	stream.indirect.scatter.add.f32 [tilespmem:s15], [sflag:$0x1], $0x10, s31, s16, $0xb8;
	[tilespmem:$0x5720] =	vst v63  }
0x31: {  	_ =	swait.ge [sflag:s17], $0x800  }
0x32: {  	[sflag:s17] =	ssyncset.done $0x0  }
0x33: {  	[sflag:s17] =	ssyncadd.s32 $0xFFFFF800  }
0x34: {  	_ =	swait.ge [sflag:s17], $0x800  }
0x35: {  	[sflag:s17] =	ssyncset.done $0x0  }
0x36: {  	[sflag:s17] =	ssyncadd.s32 $0xFFFFF800  }
0x37: {  	_ =	swait.ge [sflag:s17], $0x800  }
0x38: {  	[sflag:s17] =	ssyncset.done $0x0  }
0x39: {  	[sflag:s17] =	ssyncadd.s32 $0xFFFFF800  }
0x3a: {  	_ =	swait.ge [sflag:s17], $0x800  }
0x3b: {  	[sflag:s17] =	ssyncset.done $0x0  }
0x3c: {  	[sflag:s17] =	ssyncadd.s32 $0xFFFFF800  }
0x3d: {  	_ =	swait.ge [sflag:s17], $0x800  }
0x3e: {  	[sflag:s17] =	ssyncset.done $0x0  }
0x3f: {  	[sflag:s17] =	ssyncadd.s32 $0xFFFFF800  }
0x40: {  	_ =	swait.ge [sflag:s17], $0x800  }
0x41: {  	[sflag:s17] =	ssyncset.done $0x0  }
0x42: {  	[sflag:s17] =	ssyncadd.s32 $0xFFFFF800  }
0x43: {  	_ =	swait.ge [sflag:s17], $0x800  }
0x44: {  	[sflag:s17] =	ssyncset.done $0x0  }
0x45: {  	[sflag:s17] =	ssyncadd.s32 $0xFFFFF800  }
0x46: {  	_ =	swait.ge [sflag:s17], $0x800  }
0x47: {  	s21 =	simm.s32 $0x2000;
	s19 =	simm.s32 $0x1000;
	[sflag:s17] =	ssyncset.done $0x0  }
.LBB2_2:
0x48: {  	s22 =	sshra.s32 s19, $0x2  }
0x49: {  	[sflag:s17] =	ssyncadd.s32 $0xFFFFF800;
	s19 =	smov.u32 s21;
	s20 =	sadd.s32 $0x1000, s21  }
0x4a: {  	[spmem:s3] =	stream.indirect.scatter.add.f32 [tilespmem:s15], [sflag:$0x1], $0x10, s22, s16, $0xb8;
	[tilespmem:$0x5720] =	vst v63  }
0x4b: {  	p1 =	sne.s32 s21, $0x9000;
	s21 =	sadd.s32 $0x80, s22  }
0x4c: {  	[spmem:s3] =	stream.indirect.scatter.add.f32 [tilespmem:s15], [sflag:$0x1], $0x10, s21, s16, $0xb8;
	[tilespmem:$0x5720] =	vst v63  }
0x4d: {  	s21 =	sadd.s32 $0x100, s22  }
0x4e: {  	[spmem:s3] =	stream.indirect.scatter.add.f32 [tilespmem:s15], [sflag:$0x1], $0x10, s21, s16, $0xb8;
	[tilespmem:$0x5720] =	vst v63  }
0x4f: {  	s21 =	sadd.s32 $0x180, s22  }
0x50: {  	[spmem:s3] =	stream.indirect.scatter.add.f32 [tilespmem:s15], [sflag:$0x1], $0x10, s21, s16, $0xb8;
	[tilespmem:$0x5720] =	vst v63  }
0x51: {  	s21 =	sadd.s32 $0x200, s22  }
0x52: {  	[spmem:s3] =	stream.indirect.scatter.add.f32 [tilespmem:s15], [sflag:$0x1], $0x10, s21, s16, $0xb8;
	[tilespmem:$0x5720] =	vst v63  }
0x53: {  	s21 =	sadd.s32 $0x280, s22  }
0x54: {  	[spmem:s3] =	stream.indirect.scatter.add.f32 [tilespmem:s15], [sflag:$0x1], $0x10, s21, s16, $0xb8;
	[tilespmem:$0x5720] =	vst v63  }
0x55: {  	s21 =	sadd.s32 $0x300, s22  }
0x56: {  	[spmem:s3] =	stream.indirect.scatter.add.f32 [tilespmem:s15], [sflag:$0x1], $0x10, s21, s16, $0xb8;
	[tilespmem:$0x5720] =	vst v63  }
0x57: {  	s21 =	sadd.s32 $0x380, s22  }
0x58: {  	[spmem:s3] =	stream.indirect.scatter.add.f32 [tilespmem:s15], [sflag:$0x1], $0x10, s21, s16, $0xb8;
	[tilespmem:$0x5720] =	vst v63  }
0x59: {  	_ =	swait.ge [sflag:s17], $0x800  }
0x5a: {  	[sflag:s17] =	ssyncset.done $0x0  }
0x5b: {  	[sflag:s17] =	ssyncadd.s32 $0xFFFFF800  }
0x5c: {  	_ =	swait.ge [sflag:s17], $0x800  }
0x5d: {  	[sflag:s17] =	ssyncset.done $0x0  }
0x5e: {  	[sflag:s17] =	ssyncadd.s32 $0xFFFFF800  }
0x5f: {  	_ =	swait.ge [sflag:s17], $0x800  }
0x60: {  	[sflag:s17] =	ssyncset.done $0x0  }
0x61: {  	[sflag:s17] =	ssyncadd.s32 $0xFFFFF800  }
0x62: {  	_ =	swait.ge [sflag:s17], $0x800  }
0x63: {  	[sflag:s17] =	ssyncset.done $0x0  }
0x64: {  	[sflag:s17] =	ssyncadd.s32 $0xFFFFF800  }
0x65: {  	_ =	swait.ge [sflag:s17], $0x800  }
0x66: {  	[sflag:s17] =	ssyncset.done $0x0  }
0x67: {  	[sflag:s17] =	ssyncadd.s32 $0xFFFFF800  }
0x68: {  	_ =	swait.ge [sflag:s17], $0x800  }
0x69: {  	[sflag:s17] =	ssyncset.done $0x0  }
0x6a: {  	[sflag:s17] =	ssyncadd.s32 $0xFFFFF800  }
.Ltmp0:
0x6b: {  	_ =	swait.ge [sflag:s17], $0x800;
	(pc) =	sbr.rel @p1 .LBB2_2-.Ltmp0, $4  }
0x6c: {  	[sflag:s17] =	ssyncset.done $0x0  }
0x6d: {  	[sflag:s17] =	ssyncadd.s32 $0xFFFFF800  }
0x6e: {  	_ =	swait.ge [sflag:s17], $0x800  }
0x6f: {  	s21 =	smov.u32 s20;
	[sflag:s17] =	ssyncset.done $0x0  }
0x70: {  	s19 =	sshra.s32 s19, $0x2;
	[sflag:s17] =	ssyncadd.s32 $0xFFFFF800  }
0x71: {  	[spmem:s3] =	stream.indirect.scatter.add.f32 [tilespmem:s15], [sflag:$0x1], $0x10, s19, s16, $0xb8;
	[tilespmem:$0x5720] =	vst v63  }
0x72: {  	s20 =	sadd.s32 $0x80, s19  }
0x73: {  	[spmem:s3] =	stream.indirect.scatter.add.f32 [tilespmem:s15], [sflag:$0x1], $0x10, s20, s16, $0xb8;
	[tilespmem:$0x5720] =	vst v63  }
0x74: {  	s26 =	sadd.s32 $0x100, s19  }
0x75: {  	[spmem:s3] =	stream.indirect.scatter.add.f32 [tilespmem:s15], [sflag:$0x1], $0x10, s26, s16, $0xb8;
	[tilespmem:$0x5720] =	vst v63  }
0x76: {  	s28 =	sadd.s32 $0x180, s19  }
0x77: {  	[spmem:s3] =	stream.indirect.scatter.add.f32 [tilespmem:s15], [sflag:$0x1], $0x10, s28, s16, $0xb8;
	[tilespmem:$0x5720] =	vst v63  }
0x78: {  	s29 =	sadd.s32 $0x200, s19  }
0x79: {  	[spmem:s3] =	stream.indirect.scatter.add.f32 [tilespmem:s15], [sflag:$0x1], $0x10, s29, s16, $0xb8;
	[tilespmem:$0x5720] =	vst v63  }
0x7a: {  	s30 =	sadd.s32 $0x280, s19  }
0x7b: {  	[spmem:s3] =	stream.indirect.scatter.add.f32 [tilespmem:s15], [sflag:$0x1], $0x10, s30, s16, $0xb8;
	[tilespmem:$0x5720] =	vst v63  }
0x7c: {  	s31 =	sadd.s32 $0x300, s19  }
0x7d: {  	[spmem:s3] =	stream.indirect.scatter.add.f32 [tilespmem:s15], [sflag:$0x1], $0x10, s31, s16, $0xb8;
	[tilespmem:$0x5720] =	vst v63  }
0x7e: {  	s19 =	sadd.s32 $0x380, s19  }
0x7f: {  	[spmem:s3] =	stream.indirect.scatter.add.f32 [tilespmem:s15], [sflag:$0x1], $0x10, s19, s16, $0xb8;
	[tilespmem:$0x5720] =	vst v63  }
0x80: {  	_ =	swait.ge [sflag:s17], $0x800  }
0x81: {  	[sflag:s17] =	ssyncset.done $0x0  }
0x82: {  	[sflag:s17] =	ssyncadd.s32 $0xFFFFF800  }
0x83: {  	_ =	swait.ge [sflag:s17], $0x800  }
0x84: {  	[sflag:s17] =	ssyncset.done $0x0  }
0x85: {  	[sflag:s17] =	ssyncadd.s32 $0xFFFFF800  }
0x86: {  	_ =	swait.ge [sflag:s17], $0x800  }
0x87: {  	[sflag:s17] =	ssyncset.done $0x0  }
0x88: {  	[sflag:s17] =	ssyncadd.s32 $0xFFFFF800  }
0x89: {  	_ =	swait.ge [sflag:s17], $0x800  }
0x8a: {  	[sflag:s17] =	ssyncset.done $0x0  }
0x8b: {  	[sflag:s17] =	ssyncadd.s32 $0xFFFFF800  }
0x8c: {  	_ =	swait.ge [sflag:s17], $0x800  }
0x8d: {  	[sflag:s17] =	ssyncset.done $0x0  }
0x8e: {  	[sflag:s17] =	ssyncadd.s32 $0xFFFFF800  }
0x8f: {  	_ =	swait.ge [sflag:s17], $0x800  }
0x90: {  	[sflag:s17] =	ssyncset.done $0x0  }
0x91: {  	[sflag:s17] =	ssyncadd.s32 $0xFFFFF800  }
0x92: {  	_ =	swait.ge [sflag:s17], $0x800  }
0x93: {  	[sflag:s17] =	ssyncset.done $0x0  }
0x94: {  	[sflag:s17] =	ssyncadd.s32 $0xFFFFF800  }
0x95: {  	_ =	swait.ge [sflag:s17], $0x800  }
0x96: {  	[sflag:s17] =	ssyncset.done $0x0  }
0x97: {  	[sflag:s17] =	ssyncadd.s32 $0xFFFFF800  }
0x98: {  	[bflag:$0x0] =	sbarrier.arrive $0xFFFF  }
0x99: {  	[hbm:s9], [sflag:s6] =	dma.local [spmem:s12], $0x4E0  }
0x9a: {  	s18 =	sadd.s32 $0x1, s18;
	_ =	swait.ge [sflag:s13], $0x4E0  }
0x9b: {  	p1 =	sne.s32 s18, s11;
	[sflag:s13] =	ssyncset.done $0x0  }
.Ltmp1:
0x9c: {  	s19 =	simm.s32 @!p0 $0x2;
	[sflag:s13] =	ssyncadd.s32 $0xFFFFFB20;
	(pc) =	sbr.rel @p1 .LBB2_1-.Ltmp1, $4  }
0x9d: {  	[hbm:s10], [sflag:s6] =	dma.local @!p0 [spmem:s14], $0x20  }
0x9e: {  	_ =	swait.ge @!p0 [sflag:s19], $0x20  }
0x9f: {  	[sflag:s19] =	ssyncset.done @!p0 $0x0  }
0xa0: {  	[sflag:s19] =	ssyncadd.s32 @!p0 $0xFFFFFFE0  }
0xa1: {  	_ =	sfence.sel $0x180000  }
0xa2: {  	[bflag:$0x0] =	sbarrier.arrive $0xFFFF  }
0xa3: {  	p0 =	sne.s32 s0, $0x0;
	_ =	strace $0x90000047  }
0xa4: {  	s0 =	sadd.s32 @!p0 $0x100000, s1;
	[bflag:$0x2] =	sbarrier.arrive $0xFFFF  }
0xa5: {  	[sflag:s0] =	ssyncadd.tile.s32 @!p0 $0x1;
	_ =	shalt  }
.Lfunc_end2:
_tile_overlayer_lowered:
.L_overlay_start_2:
0xa6: {  	(tag) =	ssettag $0x2  }
0xa7: {  	s0 =	rddreg [dreg:$0x0];
	s2 =	stileid.u32  }
0xa8: {  	s1 =	rddreg [dreg:$0x1];
	p0 =	sne.s32 s2, $0x0  }
0xa9: {  	s3 =	rddreg [dreg:$0x2];
	[bflag:$0x3] =	sbarrier.arrive $0xFFFF;
	s2 =	simm.s32 @!p0 $0x1C02  }
0xaa: {  	[timem:s3], [sflag:s2] =	dma.local @!p0 [hbm:s0], s1  }
0xab: {  	s0 =	simm.s32 @!p0 $0x2  }
0xac: {  	_ =	swait.ge @!p0 [sflag:s0], s1  }
0xad: {  	s1 =	ssub.s32 @!p0 $0x0, s1;
	[sflag:s0] =	ssyncset.done @!p0 $0x0  }
0xae: {  	[sflag:s0] =	ssyncadd.s32 @!p0 s1  }
0xaf: {  	[bflag:$0x3] =	sbarrier.arrive $0xFFFF  }
0xb0: {  	_ =	shalt  }

// kernel: kernel.13.cloned.1.call-start
scs
__scs_entry_jumppad:
0x0: {  	(pc) =	sbr.rel $0x88, $3  }
0x1: {  	(tag) =	ssettag $0x0;
	lr =	simm.s32 $0x1  }
0x2: {  	[smem:$0x3F96] =	sst lr;
	_ =	strace $0xD0000000  }
0x3: {  	_ = 	snop  }
0x4: {  	_ = 	snop  }
0x5: {  	_ = 	snop  }
0x6: {  	_ = 	snop  }
0x7: {  	_ = 	snop  }
__scs_overlays_trampoline_lowered:
0x8: {  	[smem:$0x3FA5] =	sst s0  }
0x9: {  	[smem:$0x3FA6] =	sst s1  }
0xa: {  	[smem:$0x3FA7] =	sst s2  }
0xb: {  	[smem:$0x3FA8] =	sst s3  }
0xc: {  	[smem:$0x3FA9] =	sst s4  }
0xd: {  	[smem:$0x3FAA] =	sst s5  }
0xe: {  	[smem:$0x3FAB] =	sst s6  }
0xf: {  	[smem:$0x3FAC] =	sst s7  }
0x10: {  	[smem:$0x3FAD] =	sst s8  }
0x11: {  	[smem:$0x3FAE] =	sst s9;
	s0 =	simm.s32 @!p0 $0x0  }
0x12: {  	s1 =	sld [smem:$0x3F94];
	s0 =	simm.s32 @p0 $0x1  }
0x13: {  	[smem:$0x3FAF] =	sst s0;
	s0 =	simm.s32 @!p1 $0x0  }
0x14: {  	s2 =	sld [smem:$0x3F93];
	s0 =	simm.s32 @p1 $0x1  }
0x15: {  	[smem:$0x3FB0] =	sst s0;
	s0 =	simm.s32 @!p2 $0x0  }
0x16: {  	s3 =	sld [smem:$0x3FDB];
	s0 =	simm.s32 @p2 $0x1  }
0x17: {  	s4 =	simm.s32 $0x1BF5;
	[smem:$0x3FB2] =	sst s0  }
0x18: {  	s0 =	sld [smem:$0x3F95];
	_ =	swait.ge [sflag:s4], $0x0  }
0x19: {  	s7 =	sld [smem:$0x3F96]  }
0x1a: {  	s8 =	sadd.s32 $0xFFFFE003, lr  }
0x1b: {  	s9 =	sadd.s32 $0xFFFFFEF7, lr;
	s5 =	simm.s32 $0xFFFFFFFF;
	p2 =	slt.u32 s8, $0xFFFFF086  }
0x1c: {  	p1 =	slt.u32 s9, $0xF7A;
	s5 =	simm.s32 @!p2 $0x0  }
0x1d: {  	s5 =	simm.s32 @p1 $0x1;
	p0 =	seq.s32 s7, s2  }
0x1e: {  	s7 =	smul.u32 @!p0 $0xF7A, s2;
	p2 =	seq.s32 @!p0 s5, $0x0  }
0x1f: {  	s9 =	smul.u32 $0xF7A, s1;
	s8 =	simm.s32 @!p0 $0x1BF5;
	p2 =	por !p2, p0  }
0x20: {  	[sflag:s8] =	ssyncset.s32 @!p0 $0xFFFFF086;
	s6 =	sadd.s32 @!p0 s3, s7;
	s7 =	simm.s32 @!p0 $0x108  }
0x21: {  	s3 =	sadd.s32 s3, s9;
	s6 =	sadd.s32 @!p0 $0x88, s6;
	s7 =	simm.s32 @p2 $0x1082  }
0x22: {  	[simem:s7], [sflag:s8] =	dma.local @!p0 [hbm:s6], $0xF7A  }
0x23: {  	s9 =	sor.u32 $0xD0000000, s2;
	s6 =	simm.s32 $0x108;
	_ =	swait.ge @!p0 [sflag:s8], $0x0  }
0x24: {  	s3 =	sadd.s32 $0x88, s3;
	s6 =	simm.s32 @!p1 $0x1082;
	[sflag:s4] =	ssyncset.s32 $0xFFFFF086  }
0x25: {  	[simem:s6], [sflag:s4] =	dma.local [hbm:s3], $0xF7A  }
0x26: {  	[smem:$0x3F96] =	sst s1;
	(tag) =	ssettag s2;
	_ =	strace s9  }
0x27: {  	s1 =	sld [smem:$0x3FA6]  }
0x28: {  	s2 =	sld [smem:$0x3FA7]  }
0x29: {  	s4 =	sld [smem:$0x3FA9]  }
0x2a: {  	p0 =	seq.s32 s5, $0x0;
	s5 =	sld [smem:$0x3FAA]  }
0x2b: {  	s6 =	sld [smem:$0x3FAB]  }
0x2c: {  	s7 =	sld [smem:$0x3FAC]  }
0x2d: {  	s3 =	simm.s32 $0x108;
	s8 =	sld [smem:$0x3FAD]  }
0x2e: {  	s3 =	simm.s32 @!p0 $0x1082;
	s9 =	sld [smem:$0x3FAE]  }
0x2f: {  	lr =	sadd.s32 s0, s3;
	s0 =	sld [smem:$0x3FA5]  }
0x30: {  	s3 =	sld [smem:$0x3FA8]  }
0x31: {  	[smem:$0x3FB1] =	sst s10  }
0x32: {  	s10 =	sld [smem:$0x3FAF];
	_ =	sdelay $0x3  }
0x33: {  	p0 =	seq.s32 s10, $0x1;
	s10 =	sld [smem:$0x3FB1];
	_ =	sdelay $0x3  }
0x34: {  	[smem:$0x3FB1] =	sst s10  }
0x35: {  	s10 =	sld [smem:$0x3FB0];
	_ =	sdelay $0x3  }
0x36: {  	p1 =	seq.s32 s10, $0x1;
	s10 =	sld [smem:$0x3FB1];
	_ =	sdelay $0x3  }
0x37: {  	[smem:$0x3FB1] =	sst s10  }
0x38: {  	s10 =	sld [smem:$0x3FB2]  }
0x39: {  	_ = 	snop;
	(pc) =	sbr.ind lr, $3  }
0x3a: {  	_ = 	snop  }
0x3b: {  	_ = 	snop  }
0x3c: {  	p2 =	seq.s32 s10, $0x1;
	s10 =	sld [smem:$0x3FB1]  }
0x3d: {  	_ =	shalt  }
0x3e: {  	_ =	shalt  }
0x3f: {  	_ =	shalt  }
0x40: {  	_ =	shalt  }
0x41: {  	_ =	shalt  }
0x42: {  	_ =	shalt  }
0x43: {  	_ =	shalt  }
0x44: {  	_ =	shalt  }
0x45: {  	_ =	shalt  }
0x46: {  	_ =	shalt  }
0x47: {  	_ =	shalt  }
0x48: {  	_ =	shalt  }
0x49: {  	_ =	shalt  }
0x4a: {  	_ =	shalt  }
0x4b: {  	_ =	shalt  }
0x4c: {  	_ =	shalt  }
0x4d: {  	_ =	shalt  }
0x4e: {  	_ =	shalt  }
0x4f: {  	_ =	shalt  }
0x50: {  	_ =	shalt  }
0x51: {  	_ =	shalt  }
0x52: {  	_ =	shalt  }
0x53: {  	_ =	shalt  }
0x54: {  	_ =	shalt  }
0x55: {  	_ =	shalt  }
0x56: {  	_ =	shalt  }
0x57: {  	_ =	shalt  }
0x58: {  	_ =	shalt  }
0x59: {  	_ =	shalt  }
0x5a: {  	_ =	shalt  }
0x5b: {  	_ =	shalt  }
0x5c: {  	_ =	shalt  }
0x5d: {  	_ =	shalt  }
0x5e: {  	_ =	shalt  }
0x5f: {  	_ =	shalt  }
0x60: {  	_ =	shalt  }
0x61: {  	_ =	shalt  }
0x62: {  	_ =	shalt  }
0x63: {  	_ =	shalt  }
0x64: {  	_ =	shalt  }
0x65: {  	_ =	shalt  }
0x66: {  	_ =	shalt  }
0x67: {  	_ =	shalt  }
0x68: {  	_ =	shalt  }
0x69: {  	_ =	shalt  }
0x6a: {  	_ =	shalt  }
0x6b: {  	_ =	shalt  }
0x6c: {  	_ =	shalt  }
0x6d: {  	_ =	shalt  }
0x6e: {  	_ =	shalt  }
0x6f: {  	_ =	shalt  }
0x70: {  	_ =	shalt  }
0x71: {  	_ =	shalt  }
0x72: {  	_ =	shalt  }
0x73: {  	_ =	shalt  }
0x74: {  	_ =	shalt  }
0x75: {  	_ =	shalt  }
0x76: {  	_ =	shalt  }
0x77: {  	_ =	shalt  }
0x78: {  	_ =	shalt  }
0x79: {  	_ =	shalt  }
0x7a: {  	_ =	shalt  }
0x7b: {  	_ =	shalt  }
0x7c: {  	_ =	shalt  }
0x7d: {  	_ =	shalt  }
0x7e: {  	_ =	shalt  }
0x7f: {  	_ =	shalt  }
0x80: {  	_ =	shalt  }
0x81: {  	_ =	shalt  }
0x82: {  	_ =	shalt  }
0x83: {  	_ =	shalt  }
0x84: {  	_ =	shalt  }
0x85: {  	_ =	shalt  }
0x86: {  	_ =	shalt  }
0x87: {  	_ =	shalt  }
.Lfunc_end0:
.L_simem_size_0:
called_computation.1_lowered:
.L_overlay_start_0:
0x88: {  	s2 =	sld [smem:$0x3FD9]  }
0x89: {  	s3 =	sld [smem:$0x3FFE];
	_ =	sdelay $0x1  }
0x8a: {  	s1 =	srdreg.scid  }
0x8b: {  	s0 =	sand.u32 $0x1, s1  }
0x8c: {  	s16 =	sshll.u32 s0, $0xA;
	s2 =	sadd.s32 s3, s2  }
0x8d: {  	s2 =	sadd.s32 s2, s16  }
0x8e: {  	[smem:$0x3FBD] =	sst s2  }
0x8f: {  	_ = 	snop  }
0x90: {  	(tm) =	ssettm $0x1  }
0x91: {  	s17 =	sld [smem:$0x3FFB];
	_ =	sdelay $0x3  }
0x92: {  	_ =	strace s17  }
0x93: {  	s2 =	sld [smem:$0x3FFC];
	_ =	sdelay $0x3  }
0x94: {  	_ =	strace s2  }
0x95: {  	s2 =	sld [smem:$0x3FFD];
	_ =	sdelay $0x3  }
0x96: {  	_ =	strace s2  }
0x97: {  	_ =	strace $0x8FFFFFFF  }
0x98: {  	s18 =	sld [smem:$0x3FDB];
	_ =	sdelay $0x1  }
0x99: {  	s19 =	simm.s32 $_scs_section_size  }
0x9a: {  	s4 =	simm.s32 $_size__tile_overlayer_lowered;
	s5 =	simm.s32 $_tile_overlayer_lowered  }
0x9b: {  	s22 =	simm.s32 $0x1BFF;
	s21 =	sshll.u32 s5, $0x1;
	s2 =	sadd.s32 s19, s18  }
0x9c: {  	s6 =	simm.s32 $0x0;
	s20 =	sshll.u32 s4, $0x1;
	s4 =	sadd.s32 s21, s2  }
0x9d: {  	[timem:s6], [sflag:s22] =	dma.local [hbm:s4], s20  }
0x9e: {  	_ =	swait.ge [sflag:s22], s20  }
0x9f: {  	s3 =	ssub.s32 $0x0, s20;
	[sflag:s22] =	ssyncset.done $0x0  }
0xa0: {  	[sflag:s22] =	ssyncadd.s32 s3;
	_ =	sdelay $0x1  }
0xa1: {  	s23 =	simm.s32 $0x1B8B  }
0xa2: {  	_ =	swait.ge [sflag:s23], $0x1  }
0xa3: {  	[sflag:s23] =	ssyncset.done $0x0  }
0xa4: {  	s25 =	simm.s32 $0x1B8E;
	s24 =	sld [smem:$0x3FFE];
	[sflag:s23] =	ssyncadd.s32 $0xFFFFFFFF  }
0xa5: {  	s26 =	simm.s32 $execute0_lowered;
	[smem:$0x3FD2] =	sst s25  }
0xa6: {  	s4 =	sshll.u32 s26, $0x1;
	_ =	strace $0x80000049;
	[dreg:$0x1] =	wrdreg $0xFFFFFFFF  }
0xa7: {  	s28 =	simm.s32 $_size_execute0_lowered;
	s2 =	sadd.s32 s2, s4;
	[dreg:$0x0] =	wrdreg $0x0  }
0xa8: {  	s4 =	sshll.u32 s28, $0x1;
	[dreg:$0x2] =	wrdreg s2  }
0xa9: {  	[dreg:$0x3] =	wrdreg s4  }
0xaa: {  	[dreg:$0x4] =	wrdreg $0xC0  }
0xab: {  	_ =	task [dreg:s6], $0x5FFFF  }
0xac: {  	[dreg:$0x1] =	wrdreg $0xFFFFFFFF  }
0xad: {  	[dreg:$0x0] =	wrdreg $0x60  }
0xae: {  	[dreg:$0x2] =	wrdreg s24  }
0xaf: {  	[dreg:$0x3] =	wrdreg $0x90000  }
0xb0: {  	[dreg:$0x4] =	wrdreg $0x9  }
0xb1: {  	_ =	task.clear_ibuf [dreg:s6], $0x5FFFF;
	_ =	strace $0x90000049  }
0xb2: {  	s29 =	simm.s32 $0x9;
	_ =	strace $0x8000004B  }
0xb3: {  	_ =	swait.ge [sflag:s29], $0x1  }
0xb4: {  	[sflag:s29] =	ssyncadd.s32 $0xFFFFFFFF  }
0xb5: {  	_ =	strace $0x9000004B  }
0xb6: {  	_ =	sfence  }
0xb7: {  	s30 =	sld [smem:$0x0];
	_ =	sdelay $0x2  }
0xb8: {  	s31 =	sshll.u32 s1, $0xD;
	s1 =	sshrl.u32 s1, $0x2  }
0xb9: {  	s3 =	sand.u32 $0x4000, s31;
	s1 =	sadd.s32 s1, s30  }
0xba: {  	s0 =	sor.u32 s3, s0;
	s1 =	sshll.u32 s1, $0x11  }
0xbb: {  	s0 =	sor.u32 s1, s0  }
0xbc: {  	s0 =	sadd.s32 $0x8F2B, s0  }
0xbd: {  	[sflag:s0] =	ssyncadd.remote.s32 $0x1  }
0xbe: {  	_ =	sfence.sel $0xFFFF  }
0xbf: {  	[dreg:$0x0] =	wrdreg $0xFFFFFFFF;
	(pc) =	sbr.abs _section_cstart, $3  }
0xc0: {  	[dreg:$0x1] =	wrdreg $0xFFFFFFFF  }
0xc1: {  	_ =	task.clear_ibuf [dreg:s6], $0x2FFFF;
	_ =	strace $0x9FFFFFFF  }
0xc2: {  	(tm) =	ssettm $0x7FFFFFFF  }
0xc3: {  	_ =	shalt  }
tec
execute0_lowered:
.L_overlay_start_1:
0x0: {  	(tag) =	ssettag $0x1  }
0x1: {  	s7 =	rddreg [dreg:$0x0]  }
0x2: {  	s1 =	rddreg [dreg:$0x1]  }
0x3: {  	s2 =	srdreg.scid;
	s0 =	rddreg [dreg:$0x2]  }
0x4: {  	s3 =	simm.s32 $0x0;
	s17 =	simm.s32 $0x80;
	s18 =	simm.s32 $0x5000  }
0x5: {  	s19 =	simm.s32 $0x7000;
	s20 =	simm.s32 $0x1;
	s21 =	simm.s32 $0x2  }
0x6: {  	s22 =	simm.s32 $0x3;
	s23 =	simm.s32 $0x4;
	s24 =	simm.s32 $0x4F00  }
0x7: {  	s6 =	sand.u32 $0x1, s2;
	s2 =	stileid.u32;
	[smem:$0x7FF] =	sst s3  }
0x8: {  	s12 =	sadd.s32 $0x4C400, s7;
	s15 =	sadd.s32 $0x9C000, s1;
	s4 =	sshll.u32 s6, $0x4  }
0x9: {  	s9 =	smul.u32 $0x9C00, s2;
	_ =	strace $0x8000004A;
	s10 =	ssub.s32 $0x2, s6  }
0xa: {  	s28 =	sshll.u32 s2, $0x6;
	s29 =	smul.u32 $0x9C400, s6;
	p0 =	sne.s32 s2, $0xF  }
0xb: {  	s4 =	sor.u32 s2, s4;
	s26 =	sshrl.u32 s10, $0x1;
	s6 =	sor.u32 $0x1C05, s28  }
0xc: {  	s15 =	sshrl.u32 @!p0 s15, $0x3;
	s5 =	smul.u32 $0x500, s4;
	s4 =	sadd.s32 $0x25000, s7  }
0xd: {  	s8 =	sshrl.u32 s9, $0x3;
	s13 =	ssub.s32 s10, s26;
	s14 =	sadd.s32 s9, s1  }
0xe: {  	s16 =	sadd.s32 s9, s29;
	s10 =	sshrl.u32 s29, $0x3;
	s26 =	simm.s32 $0x0  }
0xf: {  	s25 =	sadd.s32 s8, s7;
	s30 =	sshrl.u32 s16, $0x3;
	s31 =	sadd.s32 s12, s10  }
0x10: {  	s16 =	simm.s32 $0x2800;
	s11 =	sadd.s32 s5, s7;
	s5 =	sadd.s32 $0x38A00, s25  }
0x11: {  	s7 =	sadd.s32 $0x4C200, s7;
	s10 =	sadd.s32 s12, s30;
	s12 =	smax.u32 s13, $0x1  }
0x12: {  	s13 =	sshrl.u32 s14, $0x3;
	s14 =	simm.s32 $0x5;
	s25 =	simm.s32 $0x4F80  }
0x13: {  	s8 =	sadd.s32 $0x1B000, s11;
	s9 =	sadd.s32 $0x2200, s11;
	s11 =	sadd.s32 $0x13800, s31  }
.LBB2_1:
0x14: {  	[spmem:s13], [sflag:s6] =	dma.local [hbm:s5], $0x1380  }
0x15: {  	_ =	swait.ge [sflag:s14], $0x1380  }
0x16: {  	[sflag:s14] =	ssyncset.done $0x0  }
0x17: {  	s28 =	simm.s32 @!p0 $0x5;
	[sflag:s14] =	ssyncadd.s32 $0xFFFFEC80  }
0x18: {  	[spmem:s15], [sflag:s6] =	dma.local @!p0 [hbm:s7], $0x100  }
0x19: {  	_ =	swait.ge @!p0 [sflag:s28], $0x100  }
0x1a: {  	[sflag:s28] =	ssyncset.done @!p0 $0x0  }
0x1b: {  	[sflag:s28] =	ssyncadd.s32 @!p0 $0xFFFFFF00  }
0x1c: {  	[tilespmem:s3], [sflag:$0x5] =	stream.linear.gather [hbm4b:s8+s3], $0x2800, $0x38;
	[tilespmem:$0x12C80] =	vst v63  }
0x1d: {  	_ =	swait.ge [sflag:s14], $0x2800  }
0x1e: {  	[sflag:s14] =	ssyncset.done $0x0  }
0x1f: {  	[sflag:s14] =	ssyncadd.s32 $0xFFFFD800  }
0x20: {  	[tilespmem:s16], [sflag:$0x5] =	stream.linear.gather [hbm4b:s9+s3], $0x2800, $0x38;
	[tilespmem:$0x12C80] =	vst v63  }
0x21: {  	_ =	swait.ge [sflag:s14], $0x2800  }
0x22: {  	[sflag:s14] =	ssyncset.done $0x0  }
0x23: {  	[sflag:s14] =	ssyncadd.s32 $0xFFFFD800  }
0x24: {  	[bflag:$0x0] =	sbarrier.arrive $0xFFFF  }
0x25: {  	[tilespmem:s18], [sflag:$0x1] =	stream.indirect.gather [hbm4b:s4+s17], $0x40, s3, s17, $0xb8;
	[tilespmem:$0x12C80] =	vst v63  }
0x26: {  	_ = 	snop  }
0x27: {  	[tilespmem:s19], [sflag:$0x2] =	stream.indirect.gather [hbm4b:s4+s17], $0x40, s17, s17, $0xb8;
	[tilespmem:$0x12C80] =	vst v63  }
0x28: {  	_ =	swait.ge [sflag:s20], $0x2000  }
0x29: {  	[sflag:s20] =	ssyncset.done $0x0  }
0x2a: {  	s28 =	simm.s32 $0x2800;
	[sflag:s20] =	ssyncadd.s32 $0xFFFFE000  }
0x2b: {  	[spmem:s1] =	stream.indirect.scatter.add.f32 [tilespmem:s18], [sflag:$0x3], $0x40, s28, s17, $0xb8;
	[tilespmem:$0x12C80] =	vst v63  }
0x2c: {  	_ =	swait.ge [sflag:s21], $0x2000  }
0x2d: {  	[sflag:s21] =	ssyncset.done $0x0  }
0x2e: {  	s28 =	simm.s32 $0x2880;
	[sflag:s21] =	ssyncadd.s32 $0xFFFFE000  }
0x2f: {  	[spmem:s1] =	stream.indirect.scatter.add.f32 [tilespmem:s19], [sflag:$0x4], $0x40, s28, s17, $0xb8;
	[tilespmem:$0x12C80] =	vst v63  }
0x30: {  	_ =	swait.ge [sflag:s22], $0x2000  }
0x31: {  	[sflag:s22] =	ssyncset.done $0x0  }
0x32: {  	s28 =	simm.s32 $0x100;
	[sflag:s22] =	ssyncadd.s32 $0xFFFFE000  }
0x33: {  	[tilespmem:s18], [sflag:$0x1] =	stream.indirect.gather [hbm4b:s4+s17], $0x40, s28, s17, $0xb8;
	[tilespmem:$0x12C80] =	vst v63  }
0x34: {  	_ =	swait.ge [sflag:s23], $0x2000  }
0x35: {  	[sflag:s23] =	ssyncset.done $0x0  }
0x36: {  	s29 =	simm.s32 $0x180;
	s28 =	simm.s32 $0x400;
	[sflag:s23] =	ssyncadd.s32 $0xFFFFE000  }
.LBB2_2:
0x37: {  	[tilespmem:s19], [sflag:$0x2] =	stream.indirect.gather [hbm4b:s4+s17], $0x40, s29, s17, $0xb8;
	[tilespmem:$0x12C80] =	vst v63  }
0x38: {  	s29 =	smov.u32 s28  }
0x39: {  	p1 =	sne.s32 s28, $0x9800;
	s28 =	sadd.s32 $0x400, s28;
	_ =	swait.ge [sflag:s20], $0x2000  }
0x3a: {  	s29 =	sshra.s32 s29, $0x2;
	[sflag:s20] =	ssyncset.done $0x0  }
0x3b: {  	s30 =	sadd.s32 $0x2800, s29;
	[sflag:s20] =	ssyncadd.s32 $0xFFFFE000  }
0x3c: {  	[spmem:s1] =	stream.indirect.scatter.add.f32 [tilespmem:s18], [sflag:$0x3], $0x40, s30, s17, $0xb8;
	[tilespmem:$0x12C80] =	vst v63  }
0x3d: {  	_ =	swait.ge [sflag:s21], $0x2000  }
0x3e: {  	[sflag:s21] =	ssyncset.done $0x0  }
0x3f: {  	s30 =	sadd.s32 $0x2880, s29;
	[sflag:s21] =	ssyncadd.s32 $0xFFFFE000  }
0x40: {  	[spmem:s1] =	stream.indirect.scatter.add.f32 [tilespmem:s19], [sflag:$0x4], $0x40, s30, s17, $0xb8;
	[tilespmem:$0x12C80] =	vst v63  }
0x41: {  	_ =	swait.ge [sflag:s22], $0x2000  }
0x42: {  	[sflag:s22] =	ssyncset.done $0x0  }
.Ltmp0:
0x43: {  	s30 =	sadd.s32 $0x100, s29;
	[sflag:s22] =	ssyncadd.s32 $0xFFFFE000;
	(pc) =	sbr.rel @p1 .LBB2_2-.Ltmp0, $4  }
0x44: {  	[tilespmem:s18], [sflag:$0x1] =	stream.indirect.gather [hbm4b:s4+s17], $0x40, s30, s17, $0xb8;
	[tilespmem:$0x12C80] =	vst v63  }
0x45: {  	_ =	swait.ge [sflag:s23], $0x2000  }
0x46: {  	[sflag:s23] =	ssyncset.done $0x0  }
0x47: {  	s29 =	sadd.s32 $0x180, s29;
	[sflag:s23] =	ssyncadd.s32 $0xFFFFE000  }
0x48: {  	[tilespmem:s19], [sflag:$0x2] =	stream.indirect.gather [hbm4b:s4+s17], $0x40, s29, s17, $0xb8;
	[tilespmem:$0x12C80] =	vst v63  }
0x49: {  	_ =	swait.ge [sflag:s20], $0x2000  }
0x4a: {  	[sflag:s20] =	ssyncset.done $0x0  }
0x4b: {  	[sflag:s20] =	ssyncadd.s32 $0xFFFFE000  }
0x4c: {  	[spmem:s1] =	stream.indirect.scatter.add.f32 [tilespmem:s18], [sflag:$0x3], $0x40, s24, s17, $0xb8;
	[tilespmem:$0x12C80] =	vst v63  }
0x4d: {  	_ =	swait.ge [sflag:s21], $0x2000  }
0x4e: {  	[sflag:s21] =	ssyncset.done $0x0  }
0x4f: {  	[sflag:s21] =	ssyncadd.s32 $0xFFFFE000  }
0x50: {  	[spmem:s1] =	stream.indirect.scatter.add.f32 [tilespmem:s19], [sflag:$0x4], $0x40, s25, s17, $0xb8;
	[tilespmem:$0x12C80] =	vst v63  }
0x51: {  	_ =	swait.ge [sflag:s22], $0x2000  }
0x52: {  	[sflag:s22] =	ssyncset.done $0x0  }
0x53: {  	[sflag:s22] =	ssyncadd.s32 $0xFFFFE000  }
0x54: {  	_ =	swait.ge [sflag:s23], $0x2000  }
0x55: {  	[sflag:s23] =	ssyncset.done $0x0  }
0x56: {  	[sflag:s23] =	ssyncadd.s32 $0xFFFFE000  }
0x57: {  	[bflag:$0x0] =	sbarrier.arrive $0xFFFF  }
0x58: {  	[hbm:s10], [sflag:s6] =	dma.local [spmem:s13], $0x1380  }
0x59: {  	s26 =	sadd.s32 $0x1, s26;
	_ =	swait.ge [sflag:s14], $0x1380  }
0x5a: {  	p1 =	sne.s32 s26, s12;
	[sflag:s14] =	ssyncset.done $0x0  }
.Ltmp1:
0x5b: {  	s28 =	simm.s32 @!p0 $0x5;
	[sflag:s14] =	ssyncadd.s32 $0xFFFFEC80;
	(pc) =	sbr.rel @p1 .LBB2_1-.Ltmp1, $4  }
0x5c: {  	[hbm:s11], [sflag:s6] =	dma.local @!p0 [spmem:s15], $0x80  }
0x5d: {  	_ =	swait.ge @!p0 [sflag:s28], $0x80  }
0x5e: {  	[sflag:s28] =	ssyncset.done @!p0 $0x0  }
0x5f: {  	[sflag:s28] =	ssyncadd.s32 @!p0 $0xFFFFFF80  }
0x60: {  	_ =	sfence.sel $0x180000  }
0x61: {  	[bflag:$0x0] =	sbarrier.arrive $0xFFFF  }
0x62: {  	p0 =	sne.s32 s2, $0x0;
	_ =	strace $0x9000004A  }
0x63: {  	s0 =	sadd.s32 @!p0 $0x100000, s0;
	[bflag:$0x2] =	sbarrier.arrive $0xFFFF  }
0x64: {  	[sflag:s0] =	ssyncadd.tile.s32 @!p0 $0x1;
	_ =	shalt  }
.Lfunc_end2:
_tile_overlayer_lowered:
.L_overlay_start_2:
0x65: {  	(tag) =	ssettag $0x2  }
0x66: {  	s0 =	rddreg [dreg:$0x0];
	s2 =	stileid.u32  }
0x67: {  	s1 =	rddreg [dreg:$0x1];
	p0 =	sne.s32 s2, $0x0  }
0x68: {  	s3 =	rddreg [dreg:$0x2];
	[bflag:$0x3] =	sbarrier.arrive $0xFFFF;
	s2 =	simm.s32 @!p0 $0x1C05  }
0x69: {  	[timem:s3], [sflag:s2] =	dma.local @!p0 [hbm:s0], s1  }
0x6a: {  	s0 =	simm.s32 @!p0 $0x5  }
0x6b: {  	_ =	swait.ge @!p0 [sflag:s0], s1  }
0x6c: {  	s1 =	ssub.s32 @!p0 $0x0, s1;
	[sflag:s0] =	ssyncset.done @!p0 $0x0  }
0x6d: {  	[sflag:s0] =	ssyncadd.s32 @!p0 s1  }
0x6e: {  	[bflag:$0x3] =	sbarrier.arrive $0xFFFF  }
0x6f: {  	_ =	shalt  }

// kernel: kernel.16.cloned.1.call-start
scs
__scs_entry_jumppad:
0x0: {  	(pc) =	sbr.rel $0x88, $3  }
0x1: {  	(tag) =	ssettag $0x0;
	lr =	simm.s32 $0x1  }
0x2: {  	[smem:$0x3F96] =	sst lr;
	_ =	strace $0xD0000000  }
0x3: {  	_ = 	snop  }
0x4: {  	_ = 	snop  }
0x5: {  	_ = 	snop  }
0x6: {  	_ = 	snop  }
0x7: {  	_ = 	snop  }
__scs_overlays_trampoline_lowered:
0x8: {  	[smem:$0x3FA5] =	sst s0  }
0x9: {  	[smem:$0x3FA6] =	sst s1  }
0xa: {  	[smem:$0x3FA7] =	sst s2  }
0xb: {  	[smem:$0x3FA8] =	sst s3  }
0xc: {  	[smem:$0x3FA9] =	sst s4  }
0xd: {  	[smem:$0x3FAA] =	sst s5  }
0xe: {  	[smem:$0x3FAB] =	sst s6  }
0xf: {  	[smem:$0x3FAC] =	sst s7  }
0x10: {  	[smem:$0x3FAD] =	sst s8  }
0x11: {  	[smem:$0x3FAE] =	sst s9;
	s0 =	simm.s32 @!p0 $0x0  }
0x12: {  	s1 =	sld [smem:$0x3F94];
	s0 =	simm.s32 @p0 $0x1  }
0x13: {  	[smem:$0x3FAF] =	sst s0;
	s0 =	simm.s32 @!p1 $0x0  }
0x14: {  	s2 =	sld [smem:$0x3F93];
	s0 =	simm.s32 @p1 $0x1  }
0x15: {  	[smem:$0x3FB0] =	sst s0;
	s0 =	simm.s32 @!p2 $0x0  }
0x16: {  	s3 =	sld [smem:$0x3FDB];
	s0 =	simm.s32 @p2 $0x1  }
0x17: {  	s4 =	simm.s32 $0x1BF5;
	[smem:$0x3FB2] =	sst s0  }
0x18: {  	s0 =	sld [smem:$0x3F95];
	_ =	swait.ge [sflag:s4], $0x0  }
0x19: {  	s7 =	sld [smem:$0x3F96]  }
0x1a: {  	s8 =	sadd.s32 $0xFFFFE003, lr  }
0x1b: {  	s9 =	sadd.s32 $0xFFFFFEF7, lr;
	s5 =	simm.s32 $0xFFFFFFFF;
	p2 =	slt.u32 s8, $0xFFFFF086  }
0x1c: {  	p1 =	slt.u32 s9, $0xF7A;
	s5 =	simm.s32 @!p2 $0x0  }
0x1d: {  	s5 =	simm.s32 @p1 $0x1;
	p0 =	seq.s32 s7, s2  }
0x1e: {  	s7 =	smul.u32 @!p0 $0xF7A, s2;
	p2 =	seq.s32 @!p0 s5, $0x0  }
0x1f: {  	s9 =	smul.u32 $0xF7A, s1;
	s8 =	simm.s32 @!p0 $0x1BF5;
	p2 =	por !p2, p0  }
0x20: {  	[sflag:s8] =	ssyncset.s32 @!p0 $0xFFFFF086;
	s6 =	sadd.s32 @!p0 s3, s7;
	s7 =	simm.s32 @!p0 $0x108  }
0x21: {  	s3 =	sadd.s32 s3, s9;
	s6 =	sadd.s32 @!p0 $0x88, s6;
	s7 =	simm.s32 @p2 $0x1082  }
0x22: {  	[simem:s7], [sflag:s8] =	dma.local @!p0 [hbm:s6], $0xF7A  }
0x23: {  	s9 =	sor.u32 $0xD0000000, s2;
	s6 =	simm.s32 $0x108;
	_ =	swait.ge @!p0 [sflag:s8], $0x0  }
0x24: {  	s3 =	sadd.s32 $0x88, s3;
	s6 =	simm.s32 @!p1 $0x1082;
	[sflag:s4] =	ssyncset.s32 $0xFFFFF086  }
0x25: {  	[simem:s6], [sflag:s4] =	dma.local [hbm:s3], $0xF7A  }
0x26: {  	[smem:$0x3F96] =	sst s1;
	(tag) =	ssettag s2;
	_ =	strace s9  }
0x27: {  	s1 =	sld [smem:$0x3FA6]  }
0x28: {  	s2 =	sld [smem:$0x3FA7]  }
0x29: {  	s4 =	sld [smem:$0x3FA9]  }
0x2a: {  	p0 =	seq.s32 s5, $0x0;
	s5 =	sld [smem:$0x3FAA]  }
0x2b: {  	s6 =	sld [smem:$0x3FAB]  }
0x2c: {  	s7 =	sld [smem:$0x3FAC]  }
0x2d: {  	s3 =	simm.s32 $0x108;
	s8 =	sld [smem:$0x3FAD]  }
0x2e: {  	s3 =	simm.s32 @!p0 $0x1082;
	s9 =	sld [smem:$0x3FAE]  }
0x2f: {  	lr =	sadd.s32 s0, s3;
	s0 =	sld [smem:$0x3FA5]  }
0x30: {  	s3 =	sld [smem:$0x3FA8]  }
0x31: {  	[smem:$0x3FB1] =	sst s10  }
0x32: {  	s10 =	sld [smem:$0x3FAF];
	_ =	sdelay $0x3  }
0x33: {  	p0 =	seq.s32 s10, $0x1;
	s10 =	sld [smem:$0x3FB1];
	_ =	sdelay $0x3  }
0x34: {  	[smem:$0x3FB1] =	sst s10  }
0x35: {  	s10 =	sld [smem:$0x3FB0];
	_ =	sdelay $0x3  }
0x36: {  	p1 =	seq.s32 s10, $0x1;
	s10 =	sld [smem:$0x3FB1];
	_ =	sdelay $0x3  }
0x37: {  	[smem:$0x3FB1] =	sst s10  }
0x38: {  	s10 =	sld [smem:$0x3FB2]  }
0x39: {  	_ = 	snop;
	(pc) =	sbr.ind lr, $3  }
0x3a: {  	_ = 	snop  }
0x3b: {  	_ = 	snop  }
0x3c: {  	p2 =	seq.s32 s10, $0x1;
	s10 =	sld [smem:$0x3FB1]  }
0x3d: {  	_ =	shalt  }
0x3e: {  	_ =	shalt  }
0x3f: {  	_ =	shalt  }
0x40: {  	_ =	shalt  }
0x41: {  	_ =	shalt  }
0x42: {  	_ =	shalt  }
0x43: {  	_ =	shalt  }
0x44: {  	_ =	shalt  }
0x45: {  	_ =	shalt  }
0x46: {  	_ =	shalt  }
0x47: {  	_ =	shalt  }
0x48: {  	_ =	shalt  }
0x49: {  	_ =	shalt  }
0x4a: {  	_ =	shalt  }
0x4b: {  	_ =	shalt  }
0x4c: {  	_ =	shalt  }
0x4d: {  	_ =	shalt  }
0x4e: {  	_ =	shalt  }
0x4f: {  	_ =	shalt  }
0x50: {  	_ =	shalt  }
0x51: {  	_ =	shalt  }
0x52: {  	_ =	shalt  }
0x53: {  	_ =	shalt  }
0x54: {  	_ =	shalt  }
0x55: {  	_ =	shalt  }
0x56: {  	_ =	shalt  }
0x57: {  	_ =	shalt  }
0x58: {  	_ =	shalt  }
0x59: {  	_ =	shalt  }
0x5a: {  	_ =	shalt  }
0x5b: {  	_ =	shalt  }
0x5c: {  	_ =	shalt  }
0x5d: {  	_ =	shalt  }
0x5e: {  	_ =	shalt  }
0x5f: {  	_ =	shalt  }
0x60: {  	_ =	shalt  }
0x61: {  	_ =	shalt  }
0x62: {  	_ =	shalt  }
0x63: {  	_ =	shalt  }
0x64: {  	_ =	shalt  }
0x65: {  	_ =	shalt  }
0x66: {  	_ =	shalt  }
0x67: {  	_ =	shalt  }
0x68: {  	_ =	shalt  }
0x69: {  	_ =	shalt  }
0x6a: {  	_ =	shalt  }
0x6b: {  	_ =	shalt  }
0x6c: {  	_ =	shalt  }
0x6d: {  	_ =	shalt  }
0x6e: {  	_ =	shalt  }
0x6f: {  	_ =	shalt  }
0x70: {  	_ =	shalt  }
0x71: {  	_ =	shalt  }
0x72: {  	_ =	shalt  }
0x73: {  	_ =	shalt  }
0x74: {  	_ =	shalt  }
0x75: {  	_ =	shalt  }
0x76: {  	_ =	shalt  }
0x77: {  	_ =	shalt  }
0x78: {  	_ =	shalt  }
0x79: {  	_ =	shalt  }
0x7a: {  	_ =	shalt  }
0x7b: {  	_ =	shalt  }
0x7c: {  	_ =	shalt  }
0x7d: {  	_ =	shalt  }
0x7e: {  	_ =	shalt  }
0x7f: {  	_ =	shalt  }
0x80: {  	_ =	shalt  }
0x81: {  	_ =	shalt  }
0x82: {  	_ =	shalt  }
0x83: {  	_ =	shalt  }
0x84: {  	_ =	shalt  }
0x85: {  	_ =	shalt  }
0x86: {  	_ =	shalt  }
0x87: {  	_ =	shalt  }
.Lfunc_end0:
.L_simem_size_0:
called_computation.2_lowered:
.L_overlay_start_0:
0x88: {  	s2 =	sld [smem:$0x3FD9]  }
0x89: {  	s3 =	sld [smem:$0x3FFE];
	_ =	sdelay $0x1  }
0x8a: {  	s1 =	srdreg.scid  }
0x8b: {  	s0 =	sand.u32 $0x1, s1  }
0x8c: {  	s16 =	sshll.u32 s0, $0xA;
	s2 =	sadd.s32 s3, s2  }
0x8d: {  	s2 =	sadd.s32 s2, s16  }
0x8e: {  	[smem:$0x3FBD] =	sst s2  }
0x8f: {  	_ = 	snop  }
0x90: {  	(tm) =	ssettm $0x1  }
0x91: {  	s17 =	sld [smem:$0x3FFB];
	_ =	sdelay $0x3  }
0x92: {  	_ =	strace s17  }
0x93: {  	s2 =	sld [smem:$0x3FFC];
	_ =	sdelay $0x3  }
0x94: {  	_ =	strace s2  }
0x95: {  	s2 =	sld [smem:$0x3FFD];
	_ =	sdelay $0x3  }
0x96: {  	_ =	strace s2  }
0x97: {  	_ =	strace $0x8FFFFFFF  }
0x98: {  	s18 =	sld [smem:$0x3FDB];
	_ =	sdelay $0x1  }
0x99: {  	s19 =	simm.s32 $_scs_section_size  }
0x9a: {  	s4 =	simm.s32 $_size__tile_overlayer_lowered;
	s5 =	simm.s32 $_tile_overlayer_lowered  }
0x9b: {  	s22 =	simm.s32 $0x1BFF;
	s21 =	sshll.u32 s5, $0x1;
	s2 =	sadd.s32 s19, s18  }
0x9c: {  	s6 =	simm.s32 $0x0;
	s20 =	sshll.u32 s4, $0x1;
	s4 =	sadd.s32 s21, s2  }
0x9d: {  	[timem:s6], [sflag:s22] =	dma.local [hbm:s4], s20  }
0x9e: {  	_ =	swait.ge [sflag:s22], s20  }
0x9f: {  	s3 =	ssub.s32 $0x0, s20;
	[sflag:s22] =	ssyncset.done $0x0  }
0xa0: {  	[sflag:s22] =	ssyncadd.s32 s3;
	_ =	sdelay $0x1  }
0xa1: {  	s23 =	simm.s32 $0x1B8B  }
0xa2: {  	_ =	swait.ge [sflag:s23], $0x1  }
0xa3: {  	[sflag:s23] =	ssyncset.done $0x0  }
0xa4: {  	s25 =	simm.s32 $0x1B8E;
	s24 =	sld [smem:$0x3FFE];
	[sflag:s23] =	ssyncadd.s32 $0xFFFFFFFF  }
0xa5: {  	s26 =	simm.s32 $execute0_lowered;
	[smem:$0x3FD2] =	sst s25  }
0xa6: {  	s4 =	sshll.u32 s26, $0x1;
	_ =	strace $0x8000004C;
	[dreg:$0x1] =	wrdreg $0xFFFFFFFF  }
0xa7: {  	s28 =	simm.s32 $_size_execute0_lowered;
	s2 =	sadd.s32 s2, s4;
	[dreg:$0x0] =	wrdreg $0x0  }
0xa8: {  	s4 =	sshll.u32 s28, $0x1;
	[dreg:$0x2] =	wrdreg s2  }
0xa9: {  	[dreg:$0x3] =	wrdreg s4  }
0xaa: {  	[dreg:$0x4] =	wrdreg $0xC0  }
0xab: {  	_ =	task [dreg:s6], $0x5FFFF  }
0xac: {  	[dreg:$0x1] =	wrdreg $0xFFFFFFFF  }
0xad: {  	[dreg:$0x0] =	wrdreg $0x60  }
0xae: {  	[dreg:$0x2] =	wrdreg s24  }
0xaf: {  	[dreg:$0x3] =	wrdreg $0x70000  }
0xb0: {  	[dreg:$0x4] =	wrdreg $0x9  }
0xb1: {  	_ =	task.clear_ibuf [dreg:s6], $0x5FFFF;
	_ =	strace $0x9000004C  }
0xb2: {  	s29 =	simm.s32 $0x9;
	_ =	strace $0x8000004E  }
0xb3: {  	_ =	swait.ge [sflag:s29], $0x1  }
0xb4: {  	[sflag:s29] =	ssyncadd.s32 $0xFFFFFFFF  }
0xb5: {  	_ =	strace $0x9000004E  }
0xb6: {  	_ =	sfence  }
0xb7: {  	s30 =	sld [smem:$0x0];
	_ =	sdelay $0x2  }
0xb8: {  	s31 =	sshll.u32 s1, $0xD;
	s1 =	sshrl.u32 s1, $0x2  }
0xb9: {  	s3 =	sand.u32 $0x4000, s31;
	s1 =	sadd.s32 s1, s30  }
0xba: {  	s0 =	sor.u32 s3, s0;
	s1 =	sshll.u32 s1, $0x11  }
0xbb: {  	s0 =	sor.u32 s1, s0  }
0xbc: {  	s0 =	sadd.s32 $0x8F2B, s0  }
0xbd: {  	[sflag:s0] =	ssyncadd.remote.s32 $0x1  }
0xbe: {  	_ =	sfence.sel $0xFFFF  }
0xbf: {  	[dreg:$0x0] =	wrdreg $0xFFFFFFFF;
	(pc) =	sbr.abs _section_cstart, $3  }
0xc0: {  	[dreg:$0x1] =	wrdreg $0xFFFFFFFF  }
0xc1: {  	_ =	task.clear_ibuf [dreg:s6], $0x2FFFF;
	_ =	strace $0x9FFFFFFF  }
0xc2: {  	(tm) =	ssettm $0x7FFFFFFF  }
0xc3: {  	_ =	shalt  }
tec
execute0_lowered:
.L_overlay_start_1:
0x0: {  	(tag) =	ssettag $0x1  }
0x1: {  	s7 =	rddreg [dreg:$0x0]  }
0x2: {  	s1 =	rddreg [dreg:$0x1]  }
0x3: {  	s2 =	srdreg.scid;
	s0 =	rddreg [dreg:$0x2]  }
0x4: {  	s3 =	simm.s32 $0x0;
	s17 =	simm.s32 $0x80;
	s18 =	simm.s32 $0x5000  }
0x5: {  	s19 =	simm.s32 $0x6000;
	s20 =	simm.s32 $0x1;
	s21 =	simm.s32 $0x2  }
0x6: {  	s22 =	simm.s32 $0x3;
	s23 =	simm.s32 $0x4;
	s24 =	simm.s32 $0x4F00  }
0x7: {  	s6 =	sand.u32 $0x1, s2;
	s2 =	stileid.u32;
	[smem:$0x7FF] =	sst s3  }
0x8: {  	s12 =	sadd.s32 $0x2EE00, s7;
	s15 =	sadd.s32 $0x4E000, s1;
	s4 =	sshll.u32 s6, $0x4  }
0x9: {  	s9 =	smul.u32 $0x4E00, s2;
	_ =	strace $0x8000004D;
	s10 =	ssub.s32 $0x2, s6  }
0xa: {  	s28 =	sshll.u32 s2, $0x6;
	s29 =	smul.u32 $0x4E200, s6;
	p0 =	sne.s32 s2, $0xF  }
0xb: {  	s4 =	sor.u32 s2, s4;
	s26 =	sshrl.u32 s10, $0x1;
	s6 =	sor.u32 $0x1C05, s28  }
0xc: {  	s15 =	sshrl.u32 @!p0 s15, $0x3;
	s5 =	smul.u32 $0x500, s4;
	s4 =	sadd.s32 $0xC200, s7  }
0xd: {  	s8 =	sshrl.u32 s9, $0x3;
	s13 =	ssub.s32 s10, s26;
	s14 =	sadd.s32 s9, s1  }
0xe: {  	s16 =	sadd.s32 s9, s29;
	s10 =	sshrl.u32 s29, $0x3;
	s26 =	simm.s32 $0x0  }
0xf: {  	s25 =	sadd.s32 s8, s7;
	s30 =	sshrl.u32 s16, $0x3;
	s31 =	sadd.s32 s12, s10  }
0x10: {  	s16 =	simm.s32 $0x2800;
	s11 =	sadd.s32 s5, s7;
	s5 =	sadd.s32 $0x25000, s25  }
0x11: {  	s7 =	sadd.s32 $0x2EC00, s7;
	s10 =	sadd.s32 s12, s30;
	s12 =	smax.u32 s13, $0x1  }
0x12: {  	s13 =	sshrl.u32 s14, $0x3;
	s14 =	simm.s32 $0x5;
	s25 =	simm.s32 $0x4F80  }
0x13: {  	s8 =	sadd.s32 $0x1B000, s11;
	s9 =	sadd.s32 $0x2200, s11;
	s11 =	sadd.s32 $0x9C00, s31  }
.LBB2_1:
0x14: {  	[spmem:s13], [sflag:s6] =	dma.local [hbm:s5], $0x9C0  }
0x15: {  	_ =	swait.ge [sflag:s14], $0x9C0  }
0x16: {  	[sflag:s14] =	ssyncset.done $0x0  }
0x17: {  	s28 =	simm.s32 @!p0 $0x5;
	[sflag:s14] =	ssyncadd.s32 $0xFFFFF640  }
0x18: {  	[spmem:s15], [sflag:s6] =	dma.local @!p0 [hbm:s7], $0x80  }
0x19: {  	_ =	swait.ge @!p0 [sflag:s28], $0x80  }
0x1a: {  	[sflag:s28] =	ssyncset.done @!p0 $0x0  }
0x1b: {  	[sflag:s28] =	ssyncadd.s32 @!p0 $0xFFFFFF80  }
0x1c: {  	[tilespmem:s3], [sflag:$0x5] =	stream.linear.gather [hbm4b:s8+s3], $0x2800, $0x38;
	[tilespmem:$0xBE40] =	vst v63  }
0x1d: {  	_ =	swait.ge [sflag:s14], $0x2800  }
0x1e: {  	[sflag:s14] =	ssyncset.done $0x0  }
0x1f: {  	[sflag:s14] =	ssyncadd.s32 $0xFFFFD800  }
0x20: {  	[tilespmem:s16], [sflag:$0x5] =	stream.linear.gather [hbm4b:s9+s3], $0x2800, $0x38;
	[tilespmem:$0xBE40] =	vst v63  }
0x21: {  	_ =	swait.ge [sflag:s14], $0x2800  }
0x22: {  	[sflag:s14] =	ssyncset.done $0x0  }
0x23: {  	[sflag:s14] =	ssyncadd.s32 $0xFFFFD800  }
0x24: {  	[bflag:$0x0] =	sbarrier.arrive $0xFFFF  }
0x25: {  	[tilespmem:s18], [sflag:$0x1] =	stream.indirect.gather [hbm4b:s4+s17], $0x20, s3, s17, $0xb8;
	[tilespmem:$0xBE40] =	vst v63  }
0x26: {  	_ = 	snop  }
0x27: {  	[tilespmem:s19], [sflag:$0x2] =	stream.indirect.gather [hbm4b:s4+s17], $0x20, s17, s17, $0xb8;
	[tilespmem:$0xBE40] =	vst v63  }
0x28: {  	_ =	swait.ge [sflag:s20], $0x1000  }
0x29: {  	[sflag:s20] =	ssyncset.done $0x0  }
0x2a: {  	s28 =	simm.s32 $0x2800;
	[sflag:s20] =	ssyncadd.s32 $0xFFFFF000  }
0x2b: {  	[spmem:s1] =	stream.indirect.scatter.add.f32 [tilespmem:s18], [sflag:$0x3], $0x20, s28, s17, $0xb8;
	[tilespmem:$0xBE40] =	vst v63  }
0x2c: {  	_ =	swait.ge [sflag:s21], $0x1000  }
0x2d: {  	[sflag:s21] =	ssyncset.done $0x0  }
0x2e: {  	s28 =	simm.s32 $0x2880;
	[sflag:s21] =	ssyncadd.s32 $0xFFFFF000  }
0x2f: {  	[spmem:s1] =	stream.indirect.scatter.add.f32 [tilespmem:s19], [sflag:$0x4], $0x20, s28, s17, $0xb8;
	[tilespmem:$0xBE40] =	vst v63  }
0x30: {  	_ =	swait.ge [sflag:s22], $0x1000  }
0x31: {  	[sflag:s22] =	ssyncset.done $0x0  }
0x32: {  	s28 =	simm.s32 $0x100;
	[sflag:s22] =	ssyncadd.s32 $0xFFFFF000  }
0x33: {  	[tilespmem:s18], [sflag:$0x1] =	stream.indirect.gather [hbm4b:s4+s17], $0x20, s28, s17, $0xb8;
	[tilespmem:$0xBE40] =	vst v63  }
0x34: {  	_ =	swait.ge [sflag:s23], $0x1000  }
0x35: {  	[sflag:s23] =	ssyncset.done $0x0  }
0x36: {  	s29 =	simm.s32 $0x180;
	s28 =	simm.s32 $0x400;
	[sflag:s23] =	ssyncadd.s32 $0xFFFFF000  }
.LBB2_2:
0x37: {  	[tilespmem:s19], [sflag:$0x2] =	stream.indirect.gather [hbm4b:s4+s17], $0x20, s29, s17, $0xb8;
	[tilespmem:$0xBE40] =	vst v63  }
0x38: {  	s29 =	smov.u32 s28  }
0x39: {  	p1 =	sne.s32 s28, $0x9800;
	s28 =	sadd.s32 $0x400, s28;
	_ =	swait.ge [sflag:s20], $0x1000  }
0x3a: {  	s29 =	sshra.s32 s29, $0x2;
	[sflag:s20] =	ssyncset.done $0x0  }
0x3b: {  	s30 =	sadd.s32 $0x2800, s29;
	[sflag:s20] =	ssyncadd.s32 $0xFFFFF000  }
0x3c: {  	[spmem:s1] =	stream.indirect.scatter.add.f32 [tilespmem:s18], [sflag:$0x3], $0x20, s30, s17, $0xb8;
	[tilespmem:$0xBE40] =	vst v63  }
0x3d: {  	_ =	swait.ge [sflag:s21], $0x1000  }
0x3e: {  	[sflag:s21] =	ssyncset.done $0x0  }
0x3f: {  	s30 =	sadd.s32 $0x2880, s29;
	[sflag:s21] =	ssyncadd.s32 $0xFFFFF000  }
0x40: {  	[spmem:s1] =	stream.indirect.scatter.add.f32 [tilespmem:s19], [sflag:$0x4], $0x20, s30, s17, $0xb8;
	[tilespmem:$0xBE40] =	vst v63  }
0x41: {  	_ =	swait.ge [sflag:s22], $0x1000  }
0x42: {  	[sflag:s22] =	ssyncset.done $0x0  }
.Ltmp0:
0x43: {  	s30 =	sadd.s32 $0x100, s29;
	[sflag:s22] =	ssyncadd.s32 $0xFFFFF000;
	(pc) =	sbr.rel @p1 .LBB2_2-.Ltmp0, $4  }
0x44: {  	[tilespmem:s18], [sflag:$0x1] =	stream.indirect.gather [hbm4b:s4+s17], $0x20, s30, s17, $0xb8;
	[tilespmem:$0xBE40] =	vst v63  }
0x45: {  	_ =	swait.ge [sflag:s23], $0x1000  }
0x46: {  	[sflag:s23] =	ssyncset.done $0x0  }
0x47: {  	s29 =	sadd.s32 $0x180, s29;
	[sflag:s23] =	ssyncadd.s32 $0xFFFFF000  }
0x48: {  	[tilespmem:s19], [sflag:$0x2] =	stream.indirect.gather [hbm4b:s4+s17], $0x20, s29, s17, $0xb8;
	[tilespmem:$0xBE40] =	vst v63  }
0x49: {  	_ =	swait.ge [sflag:s20], $0x1000  }
0x4a: {  	[sflag:s20] =	ssyncset.done $0x0  }
0x4b: {  	[sflag:s20] =	ssyncadd.s32 $0xFFFFF000  }
0x4c: {  	[spmem:s1] =	stream.indirect.scatter.add.f32 [tilespmem:s18], [sflag:$0x3], $0x20, s24, s17, $0xb8;
	[tilespmem:$0xBE40] =	vst v63  }
0x4d: {  	_ =	swait.ge [sflag:s21], $0x1000  }
0x4e: {  	[sflag:s21] =	ssyncset.done $0x0  }
0x4f: {  	[sflag:s21] =	ssyncadd.s32 $0xFFFFF000  }
0x50: {  	[spmem:s1] =	stream.indirect.scatter.add.f32 [tilespmem:s19], [sflag:$0x4], $0x20, s25, s17, $0xb8;
	[tilespmem:$0xBE40] =	vst v63  }
0x51: {  	_ =	swait.ge [sflag:s22], $0x1000  }
0x52: {  	[sflag:s22] =	ssyncset.done $0x0  }
0x53: {  	[sflag:s22] =	ssyncadd.s32 $0xFFFFF000  }
0x54: {  	_ =	swait.ge [sflag:s23], $0x1000  }
0x55: {  	[sflag:s23] =	ssyncset.done $0x0  }
0x56: {  	[sflag:s23] =	ssyncadd.s32 $0xFFFFF000  }
0x57: {  	[bflag:$0x0] =	sbarrier.arrive $0xFFFF  }
0x58: {  	[hbm:s10], [sflag:s6] =	dma.local [spmem:s13], $0x9C0  }
0x59: {  	s26 =	sadd.s32 $0x1, s26;
	_ =	swait.ge [sflag:s14], $0x9C0  }
0x5a: {  	p1 =	sne.s32 s26, s12;
	[sflag:s14] =	ssyncset.done $0x0  }
.Ltmp1:
0x5b: {  	s28 =	simm.s32 @!p0 $0x5;
	[sflag:s14] =	ssyncadd.s32 $0xFFFFF640;
	(pc) =	sbr.rel @p1 .LBB2_1-.Ltmp1, $4  }
0x5c: {  	[hbm:s11], [sflag:s6] =	dma.local @!p0 [spmem:s15], $0x40  }
0x5d: {  	_ =	swait.ge @!p0 [sflag:s28], $0x40  }
0x5e: {  	[sflag:s28] =	ssyncset.done @!p0 $0x0  }
0x5f: {  	[sflag:s28] =	ssyncadd.s32 @!p0 $0xFFFFFFC0  }
0x60: {  	_ =	sfence.sel $0x180000  }
0x61: {  	[bflag:$0x0] =	sbarrier.arrive $0xFFFF  }
0x62: {  	p0 =	sne.s32 s2, $0x0;
	_ =	strace $0x9000004D  }
0x63: {  	s0 =	sadd.s32 @!p0 $0x100000, s0;
	[bflag:$0x2] =	sbarrier.arrive $0xFFFF  }
0x64: {  	[sflag:s0] =	ssyncadd.tile.s32 @!p0 $0x1;
	_ =	shalt  }
.Lfunc_end2:
_tile_overlayer_lowered:
.L_overlay_start_2:
0x65: {  	(tag) =	ssettag $0x2  }
0x66: {  	s0 =	rddreg [dreg:$0x0];
	s2 =	stileid.u32  }
0x67: {  	s1 =	rddreg [dreg:$0x1];
	p0 =	sne.s32 s2, $0x0  }
0x68: {  	s3 =	rddreg [dreg:$0x2];
	[bflag:$0x3] =	sbarrier.arrive $0xFFFF;
	s2 =	simm.s32 @!p0 $0x1C05  }
0x69: {  	[timem:s3], [sflag:s2] =	dma.local @!p0 [hbm:s0], s1  }
0x6a: {  	s0 =	simm.s32 @!p0 $0x5  }
0x6b: {  	_ =	swait.ge @!p0 [sflag:s0], s1  }
0x6c: {  	s1 =	ssub.s32 @!p0 $0x0, s1;
	[sflag:s0] =	ssyncset.done @!p0 $0x0  }
0x6d: {  	[sflag:s0] =	ssyncadd.s32 @!p0 s1  }
0x6e: {  	[bflag:$0x3] =	sbarrier.arrive $0xFFFF  }
0x6f: {  	_ =	shalt  }

// kernel: kernel.19.cloned.1.call-start
scs
__scs_entry_jumppad:
0x0: {  	(pc) =	sbr.rel $0x88, $3  }
0x1: {  	(tag) =	ssettag $0x0;
	lr =	simm.s32 $0x1  }
0x2: {  	[smem:$0x3F96] =	sst lr;
	_ =	strace $0xD0000000  }
0x3: {  	_ = 	snop  }
0x4: {  	_ = 	snop  }
0x5: {  	_ = 	snop  }
0x6: {  	_ = 	snop  }
0x7: {  	_ = 	snop  }
__scs_overlays_trampoline_lowered:
0x8: {  	[smem:$0x3FA5] =	sst s0  }
0x9: {  	[smem:$0x3FA6] =	sst s1  }
0xa: {  	[smem:$0x3FA7] =	sst s2  }
0xb: {  	[smem:$0x3FA8] =	sst s3  }
0xc: {  	[smem:$0x3FA9] =	sst s4  }
0xd: {  	[smem:$0x3FAA] =	sst s5  }
0xe: {  	[smem:$0x3FAB] =	sst s6  }
0xf: {  	[smem:$0x3FAC] =	sst s7  }
0x10: {  	[smem:$0x3FAD] =	sst s8  }
0x11: {  	[smem:$0x3FAE] =	sst s9;
	s0 =	simm.s32 @!p0 $0x0  }
0x12: {  	s1 =	sld [smem:$0x3F94];
	s0 =	simm.s32 @p0 $0x1  }
0x13: {  	[smem:$0x3FAF] =	sst s0;
	s0 =	simm.s32 @!p1 $0x0  }
0x14: {  	s2 =	sld [smem:$0x3F93];
	s0 =	simm.s32 @p1 $0x1  }
0x15: {  	[smem:$0x3FB0] =	sst s0;
	s0 =	simm.s32 @!p2 $0x0  }
0x16: {  	s3 =	sld [smem:$0x3FDB];
	s0 =	simm.s32 @p2 $0x1  }
0x17: {  	s4 =	simm.s32 $0x1BF5;
	[smem:$0x3FB2] =	sst s0  }
0x18: {  	s0 =	sld [smem:$0x3F95];
	_ =	swait.ge [sflag:s4], $0x0  }
0x19: {  	s7 =	sld [smem:$0x3F96]  }
0x1a: {  	s8 =	sadd.s32 $0xFFFFE003, lr  }
0x1b: {  	s9 =	sadd.s32 $0xFFFFFEF7, lr;
	s5 =	simm.s32 $0xFFFFFFFF;
	p2 =	slt.u32 s8, $0xFFFFF086  }
0x1c: {  	p1 =	slt.u32 s9, $0xF7A;
	s5 =	simm.s32 @!p2 $0x0  }
0x1d: {  	s5 =	simm.s32 @p1 $0x1;
	p0 =	seq.s32 s7, s2  }
0x1e: {  	s7 =	smul.u32 @!p0 $0xF7A, s2;
	p2 =	seq.s32 @!p0 s5, $0x0  }
0x1f: {  	s9 =	smul.u32 $0xF7A, s1;
	s8 =	simm.s32 @!p0 $0x1BF5;
	p2 =	por !p2, p0  }
0x20: {  	[sflag:s8] =	ssyncset.s32 @!p0 $0xFFFFF086;
	s6 =	sadd.s32 @!p0 s3, s7;
	s7 =	simm.s32 @!p0 $0x108  }
0x21: {  	s3 =	sadd.s32 s3, s9;
	s6 =	sadd.s32 @!p0 $0x88, s6;
	s7 =	simm.s32 @p2 $0x1082  }
0x22: {  	[simem:s7], [sflag:s8] =	dma.local @!p0 [hbm:s6], $0xF7A  }
0x23: {  	s9 =	sor.u32 $0xD0000000, s2;
	s6 =	simm.s32 $0x108;
	_ =	swait.ge @!p0 [sflag:s8], $0x0  }
0x24: {  	s3 =	sadd.s32 $0x88, s3;
	s6 =	simm.s32 @!p1 $0x1082;
	[sflag:s4] =	ssyncset.s32 $0xFFFFF086  }
0x25: {  	[simem:s6], [sflag:s4] =	dma.local [hbm:s3], $0xF7A  }
0x26: {  	[smem:$0x3F96] =	sst s1;
	(tag) =	ssettag s2;
	_ =	strace s9  }
0x27: {  	s1 =	sld [smem:$0x3FA6]  }
0x28: {  	s2 =	sld [smem:$0x3FA7]  }
0x29: {  	s4 =	sld [smem:$0x3FA9]  }
0x2a: {  	p0 =	seq.s32 s5, $0x0;
	s5 =	sld [smem:$0x3FAA]  }
0x2b: {  	s6 =	sld [smem:$0x3FAB]  }
0x2c: {  	s7 =	sld [smem:$0x3FAC]  }
0x2d: {  	s3 =	simm.s32 $0x108;
	s8 =	sld [smem:$0x3FAD]  }
0x2e: {  	s3 =	simm.s32 @!p0 $0x1082;
	s9 =	sld [smem:$0x3FAE]  }
0x2f: {  	lr =	sadd.s32 s0, s3;
	s0 =	sld [smem:$0x3FA5]  }
0x30: {  	s3 =	sld [smem:$0x3FA8]  }
0x31: {  	[smem:$0x3FB1] =	sst s10  }
0x32: {  	s10 =	sld [smem:$0x3FAF];
	_ =	sdelay $0x3  }
0x33: {  	p0 =	seq.s32 s10, $0x1;
	s10 =	sld [smem:$0x3FB1];
	_ =	sdelay $0x3  }
0x34: {  	[smem:$0x3FB1] =	sst s10  }
0x35: {  	s10 =	sld [smem:$0x3FB0];
	_ =	sdelay $0x3  }
0x36: {  	p1 =	seq.s32 s10, $0x1;
	s10 =	sld [smem:$0x3FB1];
	_ =	sdelay $0x3  }
0x37: {  	[smem:$0x3FB1] =	sst s10  }
0x38: {  	s10 =	sld [smem:$0x3FB2]  }
0x39: {  	_ = 	snop;
	(pc) =	sbr.ind lr, $3  }
0x3a: {  	_ = 	snop  }
0x3b: {  	_ = 	snop  }
0x3c: {  	p2 =	seq.s32 s10, $0x1;
	s10 =	sld [smem:$0x3FB1]  }
0x3d: {  	_ =	shalt  }
0x3e: {  	_ =	shalt  }
0x3f: {  	_ =	shalt  }
0x40: {  	_ =	shalt  }
0x41: {  	_ =	shalt  }
0x42: {  	_ =	shalt  }
0x43: {  	_ =	shalt  }
0x44: {  	_ =	shalt  }
0x45: {  	_ =	shalt  }
0x46: {  	_ =	shalt  }
0x47: {  	_ =	shalt  }
0x48: {  	_ =	shalt  }
0x49: {  	_ =	shalt  }
0x4a: {  	_ =	shalt  }
0x4b: {  	_ =	shalt  }
0x4c: {  	_ =	shalt  }
0x4d: {  	_ =	shalt  }
0x4e: {  	_ =	shalt  }
0x4f: {  	_ =	shalt  }
0x50: {  	_ =	shalt  }
0x51: {  	_ =	shalt  }
0x52: {  	_ =	shalt  }
0x53: {  	_ =	shalt  }
0x54: {  	_ =	shalt  }
0x55: {  	_ =	shalt  }
0x56: {  	_ =	shalt  }
0x57: {  	_ =	shalt  }
0x58: {  	_ =	shalt  }
0x59: {  	_ =	shalt  }
0x5a: {  	_ =	shalt  }
0x5b: {  	_ =	shalt  }
0x5c: {  	_ =	shalt  }
0x5d: {  	_ =	shalt  }
0x5e: {  	_ =	shalt  }
0x5f: {  	_ =	shalt  }
0x60: {  	_ =	shalt  }
0x61: {  	_ =	shalt  }
0x62: {  	_ =	shalt  }
0x63: {  	_ =	shalt  }
0x64: {  	_ =	shalt  }
0x65: {  	_ =	shalt  }
0x66: {  	_ =	shalt  }
0x67: {  	_ =	shalt  }
0x68: {  	_ =	shalt  }
0x69: {  	_ =	shalt  }
0x6a: {  	_ =	shalt  }
0x6b: {  	_ =	shalt  }
0x6c: {  	_ =	shalt  }
0x6d: {  	_ =	shalt  }
0x6e: {  	_ =	shalt  }
0x6f: {  	_ =	shalt  }
0x70: {  	_ =	shalt  }
0x71: {  	_ =	shalt  }
0x72: {  	_ =	shalt  }
0x73: {  	_ =	shalt  }
0x74: {  	_ =	shalt  }
0x75: {  	_ =	shalt  }
0x76: {  	_ =	shalt  }
0x77: {  	_ =	shalt  }
0x78: {  	_ =	shalt  }
0x79: {  	_ =	shalt  }
0x7a: {  	_ =	shalt  }
0x7b: {  	_ =	shalt  }
0x7c: {  	_ =	shalt  }
0x7d: {  	_ =	shalt  }
0x7e: {  	_ =	shalt  }
0x7f: {  	_ =	shalt  }
0x80: {  	_ =	shalt  }
0x81: {  	_ =	shalt  }
0x82: {  	_ =	shalt  }
0x83: {  	_ =	shalt  }
0x84: {  	_ =	shalt  }
0x85: {  	_ =	shalt  }
0x86: {  	_ =	shalt  }
0x87: {  	_ =	shalt  }
.Lfunc_end0:
.L_simem_size_0:
called_computation.3_lowered:
.L_overlay_start_0:
0x88: {  	s2 =	sld [smem:$0x3FD9]  }
0x89: {  	s3 =	sld [smem:$0x3FFE];
	_ =	sdelay $0x1  }
0x8a: {  	s1 =	srdreg.scid  }
0x8b: {  	s0 =	sand.u32 $0x1, s1  }
0x8c: {  	s16 =	sshll.u32 s0, $0xA;
	s2 =	sadd.s32 s3, s2  }
0x8d: {  	s2 =	sadd.s32 s2, s16  }
0x8e: {  	[smem:$0x3FBD] =	sst s2  }
0x8f: {  	_ = 	snop  }
0x90: {  	(tm) =	ssettm $0x1  }
0x91: {  	s17 =	sld [smem:$0x3FFB];
	_ =	sdelay $0x3  }
0x92: {  	_ =	strace s17  }
0x93: {  	s2 =	sld [smem:$0x3FFC];
	_ =	sdelay $0x3  }
0x94: {  	_ =	strace s2  }
0x95: {  	s2 =	sld [smem:$0x3FFD];
	_ =	sdelay $0x3  }
0x96: {  	_ =	strace s2  }
0x97: {  	_ =	strace $0x8FFFFFFF  }
0x98: {  	s18 =	sld [smem:$0x3FDB];
	_ =	sdelay $0x1  }
0x99: {  	s19 =	simm.s32 $_scs_section_size  }
0x9a: {  	s4 =	simm.s32 $_size__tile_overlayer_lowered;
	s5 =	simm.s32 $_tile_overlayer_lowered  }
0x9b: {  	s22 =	simm.s32 $0x1BFF;
	s21 =	sshll.u32 s5, $0x1;
	s2 =	sadd.s32 s19, s18  }
0x9c: {  	s6 =	simm.s32 $0x0;
	s20 =	sshll.u32 s4, $0x1;
	s4 =	sadd.s32 s21, s2  }
0x9d: {  	[timem:s6], [sflag:s22] =	dma.local [hbm:s4], s20  }
0x9e: {  	_ =	swait.ge [sflag:s22], s20  }
0x9f: {  	s3 =	ssub.s32 $0x0, s20;
	[sflag:s22] =	ssyncset.done $0x0  }
0xa0: {  	[sflag:s22] =	ssyncadd.s32 s3;
	_ =	sdelay $0x1  }
0xa1: {  	s23 =	simm.s32 $0x1B8B  }
0xa2: {  	_ =	swait.ge [sflag:s23], $0x1  }
0xa3: {  	[sflag:s23] =	ssyncset.done $0x0  }
0xa4: {  	s25 =	simm.s32 $0x1B8E;
	s24 =	sld [smem:$0x3FFE];
	[sflag:s23] =	ssyncadd.s32 $0xFFFFFFFF  }
0xa5: {  	s26 =	simm.s32 $execute0_lowered;
	[smem:$0x3FD2] =	sst s25  }
0xa6: {  	s4 =	sshll.u32 s26, $0x1;
	_ =	strace $0x8000004F;
	[dreg:$0x1] =	wrdreg $0xFFFFFFFF  }
0xa7: {  	s28 =	simm.s32 $_size_execute0_lowered;
	s2 =	sadd.s32 s2, s4;
	[dreg:$0x0] =	wrdreg $0x0  }
0xa8: {  	s4 =	sshll.u32 s28, $0x1;
	[dreg:$0x2] =	wrdreg s2  }
0xa9: {  	[dreg:$0x3] =	wrdreg s4  }
0xaa: {  	[dreg:$0x4] =	wrdreg $0xC0  }
0xab: {  	_ =	task [dreg:s6], $0x5FFFF  }
0xac: {  	[dreg:$0x1] =	wrdreg $0xFFFFFFFF  }
0xad: {  	[dreg:$0x0] =	wrdreg $0x60  }
0xae: {  	[dreg:$0x2] =	wrdreg s24  }
0xaf: {  	[dreg:$0x3] =	wrdreg $0x70000  }
0xb0: {  	[dreg:$0x4] =	wrdreg $0x9  }
0xb1: {  	_ =	task.clear_ibuf [dreg:s6], $0x5FFFF;
	_ =	strace $0x9000004F  }
0xb2: {  	s29 =	simm.s32 $0x9;
	_ =	strace $0x80000051  }
0xb3: {  	_ =	swait.ge [sflag:s29], $0x1  }
0xb4: {  	[sflag:s29] =	ssyncadd.s32 $0xFFFFFFFF  }
0xb5: {  	_ =	strace $0x90000051  }
0xb6: {  	_ =	sfence  }
0xb7: {  	s30 =	sld [smem:$0x0];
	_ =	sdelay $0x2  }
0xb8: {  	s31 =	sshll.u32 s1, $0xD;
	s1 =	sshrl.u32 s1, $0x2  }
0xb9: {  	s3 =	sand.u32 $0x4000, s31;
	s1 =	sadd.s32 s1, s30  }
0xba: {  	s0 =	sor.u32 s3, s0;
	s1 =	sshll.u32 s1, $0x11  }
0xbb: {  	s0 =	sor.u32 s1, s0  }
0xbc: {  	s0 =	sadd.s32 $0x8F2B, s0  }
0xbd: {  	[sflag:s0] =	ssyncadd.remote.s32 $0x1  }
0xbe: {  	_ =	sfence.sel $0xFFFF  }
0xbf: {  	[dreg:$0x0] =	wrdreg $0xFFFFFFFF;
	(pc) =	sbr.abs _section_cstart, $3  }
0xc0: {  	[dreg:$0x1] =	wrdreg $0xFFFFFFFF  }
0xc1: {  	_ =	task.clear_ibuf [dreg:s6], $0x2FFFF;
	_ =	strace $0x9FFFFFFF  }
0xc2: {  	(tm) =	ssettm $0x7FFFFFFF  }
0xc3: {  	_ =	shalt  }
tec
execute0_lowered:
.L_overlay_start_1:
0x0: {  	(tag) =	ssettag $0x1  }
0x1: {  	s7 =	rddreg [dreg:$0x0]  }
0x2: {  	s1 =	rddreg [dreg:$0x1]  }
0x3: {  	s2 =	srdreg.scid;
	s0 =	rddreg [dreg:$0x2]  }
0x4: {  	s3 =	simm.s32 $0x0;
	s17 =	simm.s32 $0x80;
	s18 =	simm.s32 $0x5000  }
0x5: {  	s19 =	simm.s32 $0x6000;
	s20 =	simm.s32 $0x1;
	s21 =	simm.s32 $0x2  }
0x6: {  	s22 =	simm.s32 $0x3;
	s23 =	simm.s32 $0x4;
	s24 =	simm.s32 $0x4F00  }
0x7: {  	s6 =	sand.u32 $0x1, s2;
	s2 =	stileid.u32;
	[smem:$0x7FF] =	sst s3  }
0x8: {  	s12 =	sadd.s32 $0x2EE00, s7;
	s15 =	sadd.s32 $0x4E000, s1;
	s4 =	sshll.u32 s6, $0x4  }
0x9: {  	s9 =	smul.u32 $0x4E00, s2;
	_ =	strace $0x80000050;
	s10 =	ssub.s32 $0x2, s6  }
0xa: {  	s28 =	sshll.u32 s2, $0x6;
	s29 =	smul.u32 $0x4E200, s6;
	p0 =	sne.s32 s2, $0xF  }
0xb: {  	s4 =	sor.u32 s2, s4;
	s26 =	sshrl.u32 s10, $0x1;
	s6 =	sor.u32 $0x1C05, s28  }
0xc: {  	s15 =	sshrl.u32 @!p0 s15, $0x3;
	s5 =	smul.u32 $0x500, s4;
	s4 =	sadd.s32 $0xC200, s7  }
0xd: {  	s8 =	sshrl.u32 s9, $0x3;
	s13 =	ssub.s32 s10, s26;
	s14 =	sadd.s32 s9, s1  }
0xe: {  	s16 =	sadd.s32 s9, s29;
	s10 =	sshrl.u32 s29, $0x3;
	s26 =	simm.s32 $0x0  }
0xf: {  	s25 =	sadd.s32 s8, s7;
	s30 =	sshrl.u32 s16, $0x3;
	s31 =	sadd.s32 s12, s10  }
0x10: {  	s16 =	simm.s32 $0x2800;
	s11 =	sadd.s32 s5, s7;
	s5 =	sadd.s32 $0x25000, s25  }
0x11: {  	s7 =	sadd.s32 $0x2EC00, s7;
	s10 =	sadd.s32 s12, s30;
	s12 =	smax.u32 s13, $0x1  }
0x12: {  	s13 =	sshrl.u32 s14, $0x3;
	s14 =	simm.s32 $0x5;
	s25 =	simm.s32 $0x4F80  }
0x13: {  	s8 =	sadd.s32 $0x1B000, s11;
	s9 =	sadd.s32 $0x2200, s11;
	s11 =	sadd.s32 $0x9C00, s31  }
.LBB2_1:
0x14: {  	[spmem:s13], [sflag:s6] =	dma.local [hbm:s5], $0x9C0  }
0x15: {  	_ =	swait.ge [sflag:s14], $0x9C0  }
0x16: {  	[sflag:s14] =	ssyncset.done $0x0  }
0x17: {  	s28 =	simm.s32 @!p0 $0x5;
	[sflag:s14] =	ssyncadd.s32 $0xFFFFF640  }
0x18: {  	[spmem:s15], [sflag:s6] =	dma.local @!p0 [hbm:s7], $0x80  }
0x19: {  	_ =	swait.ge @!p0 [sflag:s28], $0x80  }
0x1a: {  	[sflag:s28] =	ssyncset.done @!p0 $0x0  }
0x1b: {  	[sflag:s28] =	ssyncadd.s32 @!p0 $0xFFFFFF80  }
0x1c: {  	[tilespmem:s3], [sflag:$0x5] =	stream.linear.gather [hbm4b:s8+s3], $0x2800, $0x38;
	[tilespmem:$0xBE40] =	vst v63  }
0x1d: {  	_ =	swait.ge [sflag:s14], $0x2800  }
0x1e: {  	[sflag:s14] =	ssyncset.done $0x0  }
0x1f: {  	[sflag:s14] =	ssyncadd.s32 $0xFFFFD800  }
0x20: {  	[tilespmem:s16], [sflag:$0x5] =	stream.linear.gather [hbm4b:s9+s3], $0x2800, $0x38;
	[tilespmem:$0xBE40] =	vst v63  }
0x21: {  	_ =	swait.ge [sflag:s14], $0x2800  }
0x22: {  	[sflag:s14] =	ssyncset.done $0x0  }
0x23: {  	[sflag:s14] =	ssyncadd.s32 $0xFFFFD800  }
0x24: {  	[bflag:$0x0] =	sbarrier.arrive $0xFFFF  }
0x25: {  	[tilespmem:s18], [sflag:$0x1] =	stream.indirect.gather [hbm4b:s4+s17], $0x20, s3, s17, $0xb8;
	[tilespmem:$0xBE40] =	vst v63  }
0x26: {  	_ = 	snop  }
0x27: {  	[tilespmem:s19], [sflag:$0x2] =	stream.indirect.gather [hbm4b:s4+s17], $0x20, s17, s17, $0xb8;
	[tilespmem:$0xBE40] =	vst v63  }
0x28: {  	_ =	swait.ge [sflag:s20], $0x1000  }
0x29: {  	[sflag:s20] =	ssyncset.done $0x0  }
0x2a: {  	s28 =	simm.s32 $0x2800;
	[sflag:s20] =	ssyncadd.s32 $0xFFFFF000  }
0x2b: {  	[spmem:s1] =	stream.indirect.scatter.add.f32 [tilespmem:s18], [sflag:$0x3], $0x20, s28, s17, $0xb8;
	[tilespmem:$0xBE40] =	vst v63  }
0x2c: {  	_ =	swait.ge [sflag:s21], $0x1000  }
0x2d: {  	[sflag:s21] =	ssyncset.done $0x0  }
0x2e: {  	s28 =	simm.s32 $0x2880;
	[sflag:s21] =	ssyncadd.s32 $0xFFFFF000  }
0x2f: {  	[spmem:s1] =	stream.indirect.scatter.add.f32 [tilespmem:s19], [sflag:$0x4], $0x20, s28, s17, $0xb8;
	[tilespmem:$0xBE40] =	vst v63  }
0x30: {  	_ =	swait.ge [sflag:s22], $0x1000  }
0x31: {  	[sflag:s22] =	ssyncset.done $0x0  }
0x32: {  	s28 =	simm.s32 $0x100;
	[sflag:s22] =	ssyncadd.s32 $0xFFFFF000  }
0x33: {  	[tilespmem:s18], [sflag:$0x1] =	stream.indirect.gather [hbm4b:s4+s17], $0x20, s28, s17, $0xb8;
	[tilespmem:$0xBE40] =	vst v63  }
0x34: {  	_ =	swait.ge [sflag:s23], $0x1000  }
0x35: {  	[sflag:s23] =	ssyncset.done $0x0  }
0x36: {  	s29 =	simm.s32 $0x180;
	s28 =	simm.s32 $0x400;
	[sflag:s23] =	ssyncadd.s32 $0xFFFFF000  }
.LBB2_2:
0x37: {  	[tilespmem:s19], [sflag:$0x2] =	stream.indirect.gather [hbm4b:s4+s17], $0x20, s29, s17, $0xb8;
	[tilespmem:$0xBE40] =	vst v63  }
0x38: {  	s29 =	smov.u32 s28  }
0x39: {  	p1 =	sne.s32 s28, $0x9800;
	s28 =	sadd.s32 $0x400, s28;
	_ =	swait.ge [sflag:s20], $0x1000  }
0x3a: {  	s29 =	sshra.s32 s29, $0x2;
	[sflag:s20] =	ssyncset.done $0x0  }
0x3b: {  	s30 =	sadd.s32 $0x2800, s29;
	[sflag:s20] =	ssyncadd.s32 $0xFFFFF000  }
0x3c: {  	[spmem:s1] =	stream.indirect.scatter.add.f32 [tilespmem:s18], [sflag:$0x3], $0x20, s30, s17, $0xb8;
	[tilespmem:$0xBE40] =	vst v63  }
0x3d: {  	_ =	swait.ge [sflag:s21], $0x1000  }
0x3e: {  	[sflag:s21] =	ssyncset.done $0x0  }
0x3f: {  	s30 =	sadd.s32 $0x2880, s29;
	[sflag:s21] =	ssyncadd.s32 $0xFFFFF000  }
0x40: {  	[spmem:s1] =	stream.indirect.scatter.add.f32 [tilespmem:s19], [sflag:$0x4], $0x20, s30, s17, $0xb8;
	[tilespmem:$0xBE40] =	vst v63  }
0x41: {  	_ =	swait.ge [sflag:s22], $0x1000  }
0x42: {  	[sflag:s22] =	ssyncset.done $0x0  }
.Ltmp0:
0x43: {  	s30 =	sadd.s32 $0x100, s29;
	[sflag:s22] =	ssyncadd.s32 $0xFFFFF000;
	(pc) =	sbr.rel @p1 .LBB2_2-.Ltmp0, $4  }
0x44: {  	[tilespmem:s18], [sflag:$0x1] =	stream.indirect.gather [hbm4b:s4+s17], $0x20, s30, s17, $0xb8;
	[tilespmem:$0xBE40] =	vst v63  }
0x45: {  	_ =	swait.ge [sflag:s23], $0x1000  }
0x46: {  	[sflag:s23] =	ssyncset.done $0x0  }
0x47: {  	s29 =	sadd.s32 $0x180, s29;
	[sflag:s23] =	ssyncadd.s32 $0xFFFFF000  }
0x48: {  	[tilespmem:s19], [sflag:$0x2] =	stream.indirect.gather [hbm4b:s4+s17], $0x20, s29, s17, $0xb8;
	[tilespmem:$0xBE40] =	vst v63  }
0x49: {  	_ =	swait.ge [sflag:s20], $0x1000  }
0x4a: {  	[sflag:s20] =	ssyncset.done $0x0  }
0x4b: {  	[sflag:s20] =	ssyncadd.s32 $0xFFFFF000  }
0x4c: {  	[spmem:s1] =	stream.indirect.scatter.add.f32 [tilespmem:s18], [sflag:$0x3], $0x20, s24, s17, $0xb8;
	[tilespmem:$0xBE40] =	vst v63  }
0x4d: {  	_ =	swait.ge [sflag:s21], $0x1000  }
0x4e: {  	[sflag:s21] =	ssyncset.done $0x0  }
0x4f: {  	[sflag:s21] =	ssyncadd.s32 $0xFFFFF000  }
0x50: {  	[spmem:s1] =	stream.indirect.scatter.add.f32 [tilespmem:s19], [sflag:$0x4], $0x20, s25, s17, $0xb8;
	[tilespmem:$0xBE40] =	vst v63  }
0x51: {  	_ =	swait.ge [sflag:s22], $0x1000  }
0x52: {  	[sflag:s22] =	ssyncset.done $0x0  }
0x53: {  	[sflag:s22] =	ssyncadd.s32 $0xFFFFF000  }
0x54: {  	_ =	swait.ge [sflag:s23], $0x1000  }
0x55: {  	[sflag:s23] =	ssyncset.done $0x0  }
0x56: {  	[sflag:s23] =	ssyncadd.s32 $0xFFFFF000  }
0x57: {  	[bflag:$0x0] =	sbarrier.arrive $0xFFFF  }
0x58: {  	[hbm:s10], [sflag:s6] =	dma.local [spmem:s13], $0x9C0  }
0x59: {  	s26 =	sadd.s32 $0x1, s26;
	_ =	swait.ge [sflag:s14], $0x9C0  }
0x5a: {  	p1 =	sne.s32 s26, s12;
	[sflag:s14] =	ssyncset.done $0x0  }
.Ltmp1:
0x5b: {  	s28 =	simm.s32 @!p0 $0x5;
	[sflag:s14] =	ssyncadd.s32 $0xFFFFF640;
	(pc) =	sbr.rel @p1 .LBB2_1-.Ltmp1, $4  }
0x5c: {  	[hbm:s11], [sflag:s6] =	dma.local @!p0 [spmem:s15], $0x40  }
0x5d: {  	_ =	swait.ge @!p0 [sflag:s28], $0x40  }
0x5e: {  	[sflag:s28] =	ssyncset.done @!p0 $0x0  }
0x5f: {  	[sflag:s28] =	ssyncadd.s32 @!p0 $0xFFFFFFC0  }
0x60: {  	_ =	sfence.sel $0x180000  }
0x61: {  	[bflag:$0x0] =	sbarrier.arrive $0xFFFF  }
0x62: {  	p0 =	sne.s32 s2, $0x0;
	_ =	strace $0x90000050  }
0x63: {  	s0 =	sadd.s32 @!p0 $0x100000, s0;
	[bflag:$0x2] =	sbarrier.arrive $0xFFFF  }
0x64: {  	[sflag:s0] =	ssyncadd.tile.s32 @!p0 $0x1;
	_ =	shalt  }
.Lfunc_end2:
_tile_overlayer_lowered:
.L_overlay_start_2:
0x65: {  	(tag) =	ssettag $0x2  }
0x66: {  	s0 =	rddreg [dreg:$0x0];
	s2 =	stileid.u32  }
0x67: {  	s1 =	rddreg [dreg:$0x1];
	p0 =	sne.s32 s2, $0x0  }
0x68: {  	s3 =	rddreg [dreg:$0x2];
	[bflag:$0x3] =	sbarrier.arrive $0xFFFF;
	s2 =	simm.s32 @!p0 $0x1C05  }
0x69: {  	[timem:s3], [sflag:s2] =	dma.local @!p0 [hbm:s0], s1  }
0x6a: {  	s0 =	simm.s32 @!p0 $0x5  }
0x6b: {  	_ =	swait.ge @!p0 [sflag:s0], s1  }
0x6c: {  	s1 =	ssub.s32 @!p0 $0x0, s1;
	[sflag:s0] =	ssyncset.done @!p0 $0x0  }
0x6d: {  	[sflag:s0] =	ssyncadd.s32 @!p0 s1  }
0x6e: {  	[bflag:$0x3] =	sbarrier.arrive $0xFFFF  }
0x6f: {  	_ =	shalt  }

</sc_bundles>
